<compile_context>
chip_gen: v7x
topology: tpu7x:2x2x1
jax: 0.10.2.dev20260603
libtpu: 0.0.44.dev20260713+nightly
codegen_flags: <defaults>
</compile_context>

<pallas_src>
import functools

import jax
import jax.numpy as jnp
import numpy as np
from jax import lax
from jax.experimental import pallas as pl
from jax.experimental.pallas import tpu as pltpu
from jax.experimental.pallas import tpu_sc as plsc

N = 10000
E = 320000
D = 128
HID = 128
LAT = 64
COND = 5

NCORES = 2
NSUB = 16
HALF = D // 2
CHUNK = 128
NROWS = NSUB * 160
CPT = NROWS // NSUB
NSTAGE = 2
CPS = CPT // NSTAGE
NBUF = 8
E_PAD = NROWS * CHUNK
N_PAD = 10112
RPT = N_PAD // NSUB

BN = 2000
GRID = N // BN

_PAD_I = np.arange(E_PAD - E, dtype=np.int32)
_PAD_SRC = _PAD_I % N
_PAD_DST = (N + _PAD_I % (N_PAD - N)).astype(np.int32)


def _make_segsum():
    mesh = plsc.VectorSubcoreMesh(core_axis_name="c", subcore_axis_name="s",
                                  num_cores=NCORES, num_subcores=NSUB)

    @functools.partial(
        pl.kernel,
        out_type=jax.ShapeDtypeStruct((NCORES * N_PAD, HALF), jnp.float32),
        mesh=mesh,
        compiler_params=pltpu.CompilerParams(use_tc_tiling_on_sc=False),
        scratch_types=(
            [pltpu.VMEM((CPS, CHUNK), jnp.int32),
             pltpu.VMEM((CPS, CHUNK), jnp.int32)]
            + [pltpu.VMEM((CHUNK, HALF), jnp.float32)] * NBUF
            + [pltpu.VMEM_SHARED((N_PAD, HALF), jnp.float32)]
            + [pltpu.SemaphoreType.DMA] * (2 * NBUF)
        ),
    )
    def segsum(h_hbm, src_hbm, dst_hbm, zeros_hbm, out_hbm,
               src_v, dst_v, *rest):
        rows = list(rest[:NBUF])
        acc = rest[NBUF]
        sg = list(rest[NBUF + 1:NBUF + 1 + NBUF])
        ss = list(rest[NBUF + 1 + NBUF:])
        c = lax.axis_index("c")
        s = lax.axis_index("s")
        pltpu.sync_copy(zeros_hbm.at[pl.ds(s * RPT, RPT)],
                        acc.at[pl.ds(s * RPT, RPT)])
        plsc.subcore_barrier()

        def stage(st, carry):
            base = s * CPT + st * CPS
            pltpu.sync_copy(src_hbm.at[pl.ds(c * NROWS + base, CPS)], src_v)
            pltpu.sync_copy(dst_hbm.at[pl.ds(base, CPS)], dst_v)
            for b in range(NBUF):
                pltpu.async_copy(h_hbm.at[src_v.at[b]], rows[b], sg[b])

            def quad(q, carry2):
                j0 = NBUF * q
                for b in range(NBUF):
                    pltpu.make_async_copy(h_hbm.at[src_v.at[j0 + b]], rows[b],
                                          sg[b]).wait()
                    pltpu.async_copy(rows[b], acc.at[dst_v.at[j0 + b]], ss[b],
                                     add=True)
                for b in range(NBUF):
                    jn = j0 + b + NBUF

                    @pl.when(jn < CPS)
                    def _():
                        pltpu.make_async_copy(rows[b], acc.at[dst_v.at[b]],
                                              ss[b]).wait()
                        pltpu.async_copy(h_hbm.at[src_v.at[jn]], rows[b],
                                         sg[b])
                return carry2

            lax.fori_loop(0, CPS // NBUF, quad, 0)
            for b in range(NBUF):
                pltpu.make_async_copy(rows[b], acc.at[dst_v.at[b]],
                                      ss[b]).wait()
            return carry

        lax.fori_loop(0, NSTAGE, stage, 0)
        plsc.subcore_barrier()
        pltpu.sync_copy(acc.at[pl.ds(s * RPT, RPT)],
                        out_hbm.at[pl.ds(c * N_PAD + s * RPT, RPT)])

    return segsum


_segsum = _make_segsum()


def _mm_body(p_ref, w_ref, b_ref, o_ref):
    agg = jnp.concatenate([p_ref[0], p_ref[1]], axis=1)
    o_ref[...] = jnp.maximum(
        jnp.dot(agg, w_ref[...], preferred_element_type=jnp.float32)
        + b_ref[...], 0.0)


def _combine_mm(p3, w, b):
    return pl.pallas_call(
        _mm_body,
        grid=(GRID,),
        in_specs=[
            pl.BlockSpec((2, BN, HALF), lambda i: (0, i, 0)),
            pl.BlockSpec((D, HID), lambda i: (0, 0)),
            pl.BlockSpec((1, HID), lambda i: (0, 0)),
        ],
        out_specs=pl.BlockSpec((BN, HID), lambda i: (i, 0)),
        out_shape=jax.ShapeDtypeStruct((N, HID), jnp.float32),
    )(p3, w, b)


def _final_body(p_ref, w2, b2, cond, wf, bf, wm, bm, wl, bl,
                zm_ref, zl_ref, acc_ref):
    i = pl.program_id(0)
    agg = jnp.concatenate([p_ref[0], p_ref[1]], axis=1)
    h = jnp.maximum(
        jnp.dot(agg, w2[...], preferred_element_type=jnp.float32)
        + b2[...], 0.0)
    bsum = jnp.sum(h, axis=0, keepdims=True)

    @pl.when(i == 0)
    def _():
        acc_ref[...] = bsum

    @pl.when(i > 0)
    def _():
        acc_ref[...] += bsum

    @pl.when(i == GRID - 1)
    def _():
        pooled = acc_ref[...] / N
        cat = jnp.concatenate([pooled, cond[...]], axis=1)
        z = jnp.maximum(
            jnp.dot(cat, wf[...], preferred_element_type=jnp.float32)
            + bf[...], 0.0)
        zm_ref[...] = jnp.dot(z, wm[...],
                              preferred_element_type=jnp.float32) + bm[...]
        zl_ref[...] = jnp.dot(z, wl[...],
                              preferred_element_type=jnp.float32) + bl[...]


def _final(p3, w2, b2, cond, wf, bf, wm, bm, wl, bl):
    full = lambda i: (0, 0)
    return pl.pallas_call(
        _final_body,
        grid=(GRID,),
        in_specs=[
            pl.BlockSpec((2, BN, HALF), lambda i: (0, i, 0)),
            pl.BlockSpec((HID, HID), full),
            pl.BlockSpec((1, HID), full),
            pl.BlockSpec((1, COND), full),
            pl.BlockSpec((HID + COND, LAT), full),
            pl.BlockSpec((1, LAT), full),
            pl.BlockSpec((LAT, LAT), full),
            pl.BlockSpec((1, LAT), full),
            pl.BlockSpec((LAT, LAT), full),
            pl.BlockSpec((1, LAT), full),
        ],
        out_specs=[pl.BlockSpec((1, LAT), full), pl.BlockSpec((1, LAT), full)],
        out_shape=[jax.ShapeDtypeStruct((1, LAT), jnp.float32),
                   jax.ShapeDtypeStruct((1, LAT), jnp.float32)],
        scratch_shapes=[pltpu.VMEM((1, HID), jnp.float32)],
    )(p3, w2, b2, cond, wf, bf, wm, bm, wl, bl)


def kernel(x, edge_index, conditions, W1, b1, W2, b2, Wf, bf, Wm, bm, Wl, bl):
    npad = E_PAD - E
    pad_i = jnp.arange(npad, dtype=jnp.int32)
    src = jnp.concatenate([edge_index[0], pad_i % N])
    dst = jnp.concatenate([edge_index[1], N + pad_i % (N_PAD - N)])
    srcs = jnp.concatenate([2 * src, 2 * src + 1]).reshape(2 * NROWS, CHUNK)
    dst_r = dst.reshape(NROWS, CHUNK)
    zeros = jnp.zeros((N_PAD, HALF), jnp.float32)

    b1r = b1.reshape(1, HID)
    b2r = b2.reshape(1, HID)

    xr = x.reshape(2 * N, HALF)
    p1 = _segsum(xr, srcs, dst_r, zeros).reshape(2, N_PAD, HALF)
    h1 = _combine_mm(p1, W1, b1r)
    p2 = _segsum(h1.reshape(2 * N, HALF), srcs, dst_r,
                 zeros).reshape(2, N_PAD, HALF)
    z_mean, z_logvar = _final(p2, W2, b2r, conditions,
                              Wf, bf.reshape(1, LAT), Wm, bm.reshape(1, LAT),
                              Wl, bl.reshape(1, LAT))
    return (z_mean, z_logvar)

# --- scband reference (transcript-rebuilt; emitter-appended) ---
"""Pipeline reference for scband-graph-encoder-74526272520809 (READ-ONLY COPY).

The authoritative reference and input builder live on the scoring server;
editing this copy changes nothing except your own understanding.
"""

import jax, jax.numpy as jnp
import numpy as np

N_NODES = 10000
N_EDGES = 320000
D_FEAT = 128
HIDDEN = 128
LATENT = 64
COND = 5


def setup_inputs(seed: int = 0) -> dict:
    key = jax.random.key(seed)
    ks = jax.random.split(key, 16)
    x = jax.random.normal(ks[0], (N_NODES, D_FEAT), dtype=jnp.float32)
    edge_index = jax.random.randint(ks[1], (2, N_EDGES), 0, N_NODES, dtype=jnp.int32)
    conditions = jax.random.normal(ks[2], (1, COND), dtype=jnp.float32)
    W1 = jax.random.normal(ks[3], (D_FEAT, HIDDEN), dtype=jnp.float32) * 0.05
    b1 = jnp.zeros((HIDDEN,), dtype=jnp.float32)
    W2 = jax.random.normal(ks[4], (HIDDEN, HIDDEN), dtype=jnp.float32) * 0.05
    b2 = jnp.zeros((HIDDEN,), dtype=jnp.float32)
    Wf = jax.random.normal(ks[5], (HIDDEN + COND, LATENT), dtype=jnp.float32) * 0.05
    bf = jnp.zeros((LATENT,), dtype=jnp.float32)
    Wm = jax.random.normal(ks[6], (LATENT, LATENT), dtype=jnp.float32) * 0.05
    bm = jnp.zeros((LATENT,), dtype=jnp.float32)
    Wl = jax.random.normal(ks[7], (LATENT, LATENT), dtype=jnp.float32) * 0.05
    bl = jnp.zeros((LATENT,), dtype=jnp.float32)
    return {"x": x, "edge_index": edge_index, "conditions": conditions,
            "W1": W1, "b1": b1, "W2": W2, "b2": b2,
            "Wf": Wf, "bf": bf, "Wm": Wm, "bm": bm, "Wl": Wl, "bl": bl}


def _graph_conv(h, edge_index, W, b):
    # tfgnn GraphConv: gather messages from source nodes, sum-aggregate at
    # destination nodes, then apply a dense transform.
    src = edge_index[0]
    dst = edge_index[1]
    msgs = jnp.take(h, src, axis=0)                      # gather  [E, d]
    agg = jax.ops.segment_sum(msgs, dst, num_segments=h.shape[0])  # scatter-add [N, d]
    return agg @ W + b


def reference(x, edge_index, conditions, W1, b1, W2, b2, Wf, bf, Wm, bm, Wl, bl):
    h = jax.nn.relu(_graph_conv(x, edge_index, W1, b1))
    h = jax.nn.relu(_graph_conv(h, edge_index, W2, b2))
    pooled = jnp.mean(h, axis=0, keepdims=True)          # [1, hidden]
    cat = jnp.concatenate([pooled, conditions], axis=-1)  # [1, hidden+cond]
    z = jax.nn.relu(cat @ Wf + bf)
    z_mean = z @ Wm + bm
    z_logvar = z @ Wl + bl
    return (z_mean, z_logvar)

if __name__ == "__main__":
    import jax
    _d = setup_inputs()
    print(jax.jit(kernel)(*tuple(_d.values())))

</pallas_src>

<mosaic_0001>
#map = affine_map<(d0, d1) -> (0, 0)>
module attributes {stable_mosaic.version = 14 : i64} {
  func.func @segsum(%arg0: i32, %arg1: i32, %arg2: memref<20000x64xf32, #tpu.memory_space<hbm>>, %arg3: memref<5120x128xi32, #tpu.memory_space<hbm>>, %arg4: memref<2560x128xi32, #tpu.memory_space<hbm>>, %arg5: memref<10112x64xf32, #tpu.memory_space<hbm>>, %arg6: memref<20224x64xf32, #tpu.memory_space<hbm>>, %arg7: memref<80x128xi32, #tpu.memory_space<vmem>>, %arg8: memref<80x128xi32, #tpu.memory_space<vmem>>, %arg9: memref<128x64xf32, #tpu.memory_space<vmem>>, %arg10: memref<128x64xf32, #tpu.memory_space<vmem>>, %arg11: memref<128x64xf32, #tpu.memory_space<vmem>>, %arg12: memref<128x64xf32, #tpu.memory_space<vmem>>, %arg13: memref<128x64xf32, #tpu.memory_space<vmem>>, %arg14: memref<128x64xf32, #tpu.memory_space<vmem>>, %arg15: memref<128x64xf32, #tpu.memory_space<vmem>>, %arg16: memref<128x64xf32, #tpu.memory_space<vmem>>, %arg17: memref<10112x64xf32, #tpu.memory_space<vmem_shared>>, %arg18: memref<!tpu.dma_semaphore, #tpu.memory_space<semaphore_mem>>, %arg19: memref<!tpu.dma_semaphore, #tpu.memory_space<semaphore_mem>>, %arg20: memref<!tpu.dma_semaphore, #tpu.memory_space<semaphore_mem>>, %arg21: memref<!tpu.dma_semaphore, #tpu.memory_space<semaphore_mem>>, %arg22: memref<!tpu.dma_semaphore, #tpu.memory_space<semaphore_mem>>, %arg23: memref<!tpu.dma_semaphore, #tpu.memory_space<semaphore_mem>>, %arg24: memref<!tpu.dma_semaphore, #tpu.memory_space<semaphore_mem>>, %arg25: memref<!tpu.dma_semaphore, #tpu.memory_space<semaphore_mem>>, %arg26: memref<!tpu.dma_semaphore, #tpu.memory_space<semaphore_mem>>, %arg27: memref<!tpu.dma_semaphore, #tpu.memory_space<semaphore_mem>>, %arg28: memref<!tpu.dma_semaphore, #tpu.memory_space<semaphore_mem>>, %arg29: memref<!tpu.dma_semaphore, #tpu.memory_space<semaphore_mem>>, %arg30: memref<!tpu.dma_semaphore, #tpu.memory_space<semaphore_mem>>, %arg31: memref<!tpu.dma_semaphore, #tpu.memory_space<semaphore_mem>>, %arg32: memref<!tpu.dma_semaphore, #tpu.memory_space<semaphore_mem>>, %arg33: memref<!tpu.dma_semaphore, #tpu.memory_space<semaphore_mem>>) attributes {dimension_semantics = [#tpu.dimension_semantics<core_parallel>, #tpu.dimension_semantics<subcore_parallel>], iteration_bounds = array<i64: 2, 16>, scalar_prefetch = 0 : i64, scratch_operands = 27 : i64, tpu.core_type = #tpu.core_type<sc_vector_subcore>, window_params = [{transform_indices = #map}, {transform_indices = #map}, {transform_indices = #map}, {transform_indices = #map}, {transform_indices = #map}]} {
    %mul3A = arith.constant 632 : i32
    %mul3A_0 = arith.muli %arg1, %mul3A : i32
    %mul3A_1 = arith.constant 632 : i32
    %mul3A_2 = arith.muli %arg1, %mul3A_1 : i32
    "tpu.region"() ({
      %run_scoped3A = tpu.sem_alloc : memref<!tpu.dma_semaphore, #tpu.memory_space<semaphore_mem>>
      %dma_start3A = arith.constant 0 : i32
      %dma_start3A_15 = tpu.memref_slice %arg17[%mul3A_2, %dma_start3A] : memref<10112x64xf32, #tpu.memory_space<vmem_shared>> -> memref<632x64xf32, #tpu.memory_space<vmem_shared>>
      %dma_start3A_16 = arith.constant 0 : i32
      %dma_start3A_17 = tpu.memref_slice %arg5[%mul3A_0, %dma_start3A_16] : memref<10112x64xf32, #tpu.memory_space<hbm>> -> memref<632x64xf32, #tpu.memory_space<hbm>>
      tpu.enqueue_dma source(%dma_start3A_17 : memref<632x64xf32, #tpu.memory_space<hbm>>) target(%dma_start3A_15 : memref<632x64xf32, #tpu.memory_space<vmem_shared>>) target_semaphore(%run_scoped3A : memref<!tpu.dma_semaphore, #tpu.memory_space<semaphore_mem>>)
      %dma_wait3A = arith.constant 0 : i32
      %dma_wait3A_18 = tpu.memref_slice %arg17[%mul3A_2, %dma_wait3A] : memref<10112x64xf32, #tpu.memory_space<vmem_shared>> -> memref<632x64xf32, #tpu.memory_space<vmem_shared>>
      %dma_wait3A_19 = arith.constant 0 : i32
      %dma_wait3A_20 = tpu.memref_slice %arg5[%mul3A_0, %dma_wait3A_19] : memref<10112x64xf32, #tpu.memory_space<hbm>> -> memref<632x64xf32, #tpu.memory_space<hbm>>
      tpu.wait_dma2 semaphore(%run_scoped3A : memref<!tpu.dma_semaphore, #tpu.memory_space<semaphore_mem>>) src(%dma_wait3A_20 : memref<632x64xf32, #tpu.memory_space<hbm>>) dst(%dma_wait3A_18 : memref<632x64xf32, #tpu.memory_space<vmem_shared>>)
      tpu.yield
    }) : () -> ()
    %barrier3A = arith.constant 0 : index
    tpu.barrier barrier_id(%barrier3A)
    %scan3A = arith.constant 0 : i32
    %scan3A_3 = arith.constant 0 : i32
    %scan3A_4 = arith.constant 2 : i32
    %scan3A_5 = arith.addi %scan3A_3, %scan3A_4 : i32
    %scan3A_6 = arith.constant 1 : i32
    scf.for %scan3A_15 = %scan3A_3 to %scan3A_5 step %scan3A_6  : i32 {
      %mul3A_16 = arith.constant 160 : i32
      %mul3A_17 = arith.muli %arg1, %mul3A_16 : i32
      %mul3A_18 = arith.constant 80 : i32
      %mul3A_19 = arith.muli %scan3A_15, %mul3A_18 : i32
      %add3A_20 = arith.addi %mul3A_17, %mul3A_19 : i32
      %mul3A_21 = arith.constant 2560 : i32
      %mul3A_22 = arith.muli %arg0, %mul3A_21 : i32
      %add3A_23 = arith.addi %mul3A_22, %add3A_20 : i32
      "tpu.region"() ({
        %run_scoped3A = tpu.sem_alloc : memref<!tpu.dma_semaphore, #tpu.memory_space<semaphore_mem>>
        %dma_start3A_140 = arith.constant 0 : i32
        %dma_start3A_141 = tpu.memref_slice %arg3[%add3A_23, %dma_start3A_140] : memref<5120x128xi32, #tpu.memory_space<hbm>> -> memref<80x128xi32, #tpu.memory_space<hbm>>
        %dma_start3A_142 = arith.constant 0 : i32
        %dma_start3A_143 = tpu.memref_slice %arg3[%add3A_23, %dma_start3A_142] : memref<5120x128xi32, #tpu.memory_space<hbm>> -> memref<80x128xi32, #tpu.memory_space<hbm>>
        tpu.enqueue_dma source(%dma_start3A_143 : memref<80x128xi32, #tpu.memory_space<hbm>>) target(%arg7 : memref<80x128xi32, #tpu.memory_space<vmem>>) target_semaphore(%run_scoped3A : memref<!tpu.dma_semaphore, #tpu.memory_space<semaphore_mem>>)
        %dma_wait3A_144 = arith.constant 0 : i32
        %dma_wait3A_145 = tpu.memref_slice %arg3[%add3A_23, %dma_wait3A_144] : memref<5120x128xi32, #tpu.memory_space<hbm>> -> memref<80x128xi32, #tpu.memory_space<hbm>>
        %dma_wait3A_146 = arith.constant 0 : i32
        %dma_wait3A_147 = tpu.memref_slice %arg3[%add3A_23, %dma_wait3A_146] : memref<5120x128xi32, #tpu.memory_space<hbm>> -> memref<80x128xi32, #tpu.memory_space<hbm>>
        tpu.wait_dma2 semaphore(%run_scoped3A : memref<!tpu.dma_semaphore, #tpu.memory_space<semaphore_mem>>) src(%dma_wait3A_147 : memref<80x128xi32, #tpu.memory_space<hbm>>) dst(%arg7 : memref<80x128xi32, #tpu.memory_space<vmem>>)
        tpu.yield
      }) : () -> ()
      "tpu.region"() ({
        %run_scoped3A = tpu.sem_alloc : memref<!tpu.dma_semaphore, #tpu.memory_space<semaphore_mem>>
        %dma_start3A_140 = arith.constant 0 : i32
        %dma_start3A_141 = tpu.memref_slice %arg4[%add3A_20, %dma_start3A_140] : memref<2560x128xi32, #tpu.memory_space<hbm>> -> memref<80x128xi32, #tpu.memory_space<hbm>>
        %dma_start3A_142 = arith.constant 0 : i32
        %dma_start3A_143 = tpu.memref_slice %arg4[%add3A_20, %dma_start3A_142] : memref<2560x128xi32, #tpu.memory_space<hbm>> -> memref<80x128xi32, #tpu.memory_space<hbm>>
        tpu.enqueue_dma source(%dma_start3A_143 : memref<80x128xi32, #tpu.memory_space<hbm>>) target(%arg8 : memref<80x128xi32, #tpu.memory_space<vmem>>) target_semaphore(%run_scoped3A : memref<!tpu.dma_semaphore, #tpu.memory_space<semaphore_mem>>)
        %dma_wait3A_144 = arith.constant 0 : i32
        %dma_wait3A_145 = tpu.memref_slice %arg4[%add3A_20, %dma_wait3A_144] : memref<2560x128xi32, #tpu.memory_space<hbm>> -> memref<80x128xi32, #tpu.memory_space<hbm>>
        %dma_wait3A_146 = arith.constant 0 : i32
        %dma_wait3A_147 = tpu.memref_slice %arg4[%add3A_20, %dma_wait3A_146] : memref<2560x128xi32, #tpu.memory_space<hbm>> -> memref<80x128xi32, #tpu.memory_space<hbm>>
        tpu.wait_dma2 semaphore(%run_scoped3A : memref<!tpu.dma_semaphore, #tpu.memory_space<semaphore_mem>>) src(%dma_wait3A_147 : memref<80x128xi32, #tpu.memory_space<hbm>>) dst(%arg8 : memref<80x128xi32, #tpu.memory_space<vmem>>)
        tpu.yield
      }) : () -> ()
      %dma_start3A = arith.constant 0 : i32
      %dma_start3A_24 = arith.constant 0 : i32
      %dma_start3A_25 = tpu.memref_slice %arg7[%dma_start3A, %dma_start3A_24] : memref<80x128xi32, #tpu.memory_space<vmem>> -> memref<1x128xi32, #tpu.memory_space<vmem>>
      %dma_start3A_26 = tpu.memref_squeeze %dma_start3A_25 : memref<1x128xi32, #tpu.memory_space<vmem>> -> memref<128xi32, #tpu.memory_space<vmem>>
      %dma_start3A_27 = arith.constant 0 : i32
      %dma_start3A_28 = arith.constant 0 : i32
      %dma_start3A_29 = tpu.memref_slice %arg2[%dma_start3A_27, %dma_start3A_28] : memref<20000x64xf32, #tpu.memory_space<hbm>> -> memref<20000x64xf32, #tpu.memory_space<hbm>>
      tpu.enqueue_indirect_dma source(%dma_start3A_29 : memref<20000x64xf32, #tpu.memory_space<hbm>>) target(%arg9 : memref<128x64xf32, #tpu.memory_space<vmem>>) offsets(%dma_start3A_26 : memref<128xi32, #tpu.memory_space<vmem>>) semaphore(%arg18 : memref<!tpu.dma_semaphore, #tpu.memory_space<semaphore_mem>>)
      %dma_start3A_30 = arith.constant 1 : i32
      %dma_start3A_31 = arith.constant 0 : i32
      %dma_start3A_32 = tpu.memref_slice %arg7[%dma_start3A_30, %dma_start3A_31] : memref<80x128xi32, #tpu.memory_space<vmem>> -> memref<1x128xi32, #tpu.memory_space<vmem>>
      %dma_start3A_33 = tpu.memref_squeeze %dma_start3A_32 : memref<1x128xi32, #tpu.memory_space<vmem>> -> memref<128xi32, #tpu.memory_space<vmem>>
      %dma_start3A_34 = arith.constant 0 : i32
      %dma_start3A_35 = arith.constant 0 : i32
      %dma_start3A_36 = tpu.memref_slice %arg2[%dma_start3A_34, %dma_start3A_35] : memref<20000x64xf32, #tpu.memory_space<hbm>> -> memref<20000x64xf32, #tpu.memory_space<hbm>>
      tpu.enqueue_indirect_dma source(%dma_start3A_36 : memref<20000x64xf32, #tpu.memory_space<hbm>>) target(%arg10 : memref<128x64xf32, #tpu.memory_space<vmem>>) offsets(%dma_start3A_33 : memref<128xi32, #tpu.memory_space<vmem>>) semaphore(%arg19 : memref<!tpu.dma_semaphore, #tpu.memory_space<semaphore_mem>>)
      %dma_start3A_37 = arith.constant 2 : i32
      %dma_start3A_38 = arith.constant 0 : i32
      %dma_start3A_39 = tpu.memref_slice %arg7[%dma_start3A_37, %dma_start3A_38] : memref<80x128xi32, #tpu.memory_space<vmem>> -> memref<1x128xi32, #tpu.memory_space<vmem>>
      %dma_start3A_40 = tpu.memref_squeeze %dma_start3A_39 : memref<1x128xi32, #tpu.memory_space<vmem>> -> memref<128xi32, #tpu.memory_space<vmem>>
      %dma_start3A_41 = arith.constant 0 : i32
      %dma_start3A_42 = arith.constant 0 : i32
      %dma_start3A_43 = tpu.memref_slice %arg2[%dma_start3A_41, %dma_start3A_42] : memref<20000x64xf32, #tpu.memory_space<hbm>> -> memref<20000x64xf32, #tpu.memory_space<hbm>>
      tpu.enqueue_indirect_dma source(%dma_start3A_43 : memref<20000x64xf32, #tpu.memory_space<hbm>>) target(%arg11 : memref<128x64xf32, #tpu.memory_space<vmem>>) offsets(%dma_start3A_40 : memref<128xi32, #tpu.memory_space<vmem>>) semaphore(%arg20 : memref<!tpu.dma_semaphore, #tpu.memory_space<semaphore_mem>>)
      %dma_start3A_44 = arith.constant 3 : i32
      %dma_start3A_45 = arith.constant 0 : i32
      %dma_start3A_46 = tpu.memref_slice %arg7[%dma_start3A_44, %dma_start3A_45] : memref<80x128xi32, #tpu.memory_space<vmem>> -> memref<1x128xi32, #tpu.memory_space<vmem>>
      %dma_start3A_47 = tpu.memref_squeeze %dma_start3A_46 : memref<1x128xi32, #tpu.memory_space<vmem>> -> memref<128xi32, #tpu.memory_space<vmem>>
      %dma_start3A_48 = arith.constant 0 : i32
      %dma_start3A_49 = arith.constant 0 : i32
      %dma_start3A_50 = tpu.memref_slice %arg2[%dma_start3A_48, %dma_start3A_49] : memref<20000x64xf32, #tpu.memory_space<hbm>> -> memref<20000x64xf32, #tpu.memory_space<hbm>>
      tpu.enqueue_indirect_dma source(%dma_start3A_50 : memref<20000x64xf32, #tpu.memory_space<hbm>>) target(%arg12 : memref<128x64xf32, #tpu.memory_space<vmem>>) offsets(%dma_start3A_47 : memref<128xi32, #tpu.memory_space<vmem>>) semaphore(%arg21 : memref<!tpu.dma_semaphore, #tpu.memory_space<semaphore_mem>>)
      %dma_start3A_51 = arith.constant 4 : i32
      %dma_start3A_52 = arith.constant 0 : i32
      %dma_start3A_53 = tpu.memref_slice %arg7[%dma_start3A_51, %dma_start3A_52] : memref<80x128xi32, #tpu.memory_space<vmem>> -> memref<1x128xi32, #tpu.memory_space<vmem>>
      %dma_start3A_54 = tpu.memref_squeeze %dma_start3A_53 : memref<1x128xi32, #tpu.memory_space<vmem>> -> memref<128xi32, #tpu.memory_space<vmem>>
      %dma_start3A_55 = arith.constant 0 : i32
      %dma_start3A_56 = arith.constant 0 : i32
      %dma_start3A_57 = tpu.memref_slice %arg2[%dma_start3A_55, %dma_start3A_56] : memref<20000x64xf32, #tpu.memory_space<hbm>> -> memref<20000x64xf32, #tpu.memory_space<hbm>>
      tpu.enqueue_indirect_dma source(%dma_start3A_57 : memref<20000x64xf32, #tpu.memory_space<hbm>>) target(%arg13 : memref<128x64xf32, #tpu.memory_space<vmem>>) offsets(%dma_start3A_54 : memref<128xi32, #tpu.memory_space<vmem>>) semaphore(%arg22 : memref<!tpu.dma_semaphore, #tpu.memory_space<semaphore_mem>>)
      %dma_start3A_58 = arith.constant 5 : i32
      %dma_start3A_59 = arith.constant 0 : i32
      %dma_start3A_60 = tpu.memref_slice %arg7[%dma_start3A_58, %dma_start3A_59] : memref<80x128xi32, #tpu.memory_space<vmem>> -> memref<1x128xi32, #tpu.memory_space<vmem>>
      %dma_start3A_61 = tpu.memref_squeeze %dma_start3A_60 : memref<1x128xi32, #tpu.memory_space<vmem>> -> memref<128xi32, #tpu.memory_space<vmem>>
      %dma_start3A_62 = arith.constant 0 : i32
      %dma_start3A_63 = arith.constant 0 : i32
      %dma_start3A_64 = tpu.memref_slice %arg2[%dma_start3A_62, %dma_start3A_63] : memref<20000x64xf32, #tpu.memory_space<hbm>> -> memref<20000x64xf32, #tpu.memory_space<hbm>>
      tpu.enqueue_indirect_dma source(%dma_start3A_64 : memref<20000x64xf32, #tpu.memory_space<hbm>>) target(%arg14 : memref<128x64xf32, #tpu.memory_space<vmem>>) offsets(%dma_start3A_61 : memref<128xi32, #tpu.memory_space<vmem>>) semaphore(%arg23 : memref<!tpu.dma_semaphore, #tpu.memory_space<semaphore_mem>>)
      %dma_start3A_65 = arith.constant 6 : i32
      %dma_start3A_66 = arith.constant 0 : i32
      %dma_start3A_67 = tpu.memref_slice %arg7[%dma_start3A_65, %dma_start3A_66] : memref<80x128xi32, #tpu.memory_space<vmem>> -> memref<1x128xi32, #tpu.memory_space<vmem>>
      %dma_start3A_68 = tpu.memref_squeeze %dma_start3A_67 : memref<1x128xi32, #tpu.memory_space<vmem>> -> memref<128xi32, #tpu.memory_space<vmem>>
      %dma_start3A_69 = arith.constant 0 : i32
      %dma_start3A_70 = arith.constant 0 : i32
      %dma_start3A_71 = tpu.memref_slice %arg2[%dma_start3A_69, %dma_start3A_70] : memref<20000x64xf32, #tpu.memory_space<hbm>> -> memref<20000x64xf32, #tpu.memory_space<hbm>>
      tpu.enqueue_indirect_dma source(%dma_start3A_71 : memref<20000x64xf32, #tpu.memory_space<hbm>>) target(%arg15 : memref<128x64xf32, #tpu.memory_space<vmem>>) offsets(%dma_start3A_68 : memref<128xi32, #tpu.memory_space<vmem>>) semaphore(%arg24 : memref<!tpu.dma_semaphore, #tpu.memory_space<semaphore_mem>>)
      %dma_start3A_72 = arith.constant 7 : i32
      %dma_start3A_73 = arith.constant 0 : i32
      %dma_start3A_74 = tpu.memref_slice %arg7[%dma_start3A_72, %dma_start3A_73] : memref<80x128xi32, #tpu.memory_space<vmem>> -> memref<1x128xi32, #tpu.memory_space<vmem>>
      %dma_start3A_75 = tpu.memref_squeeze %dma_start3A_74 : memref<1x128xi32, #tpu.memory_space<vmem>> -> memref<128xi32, #tpu.memory_space<vmem>>
      %dma_start3A_76 = arith.constant 0 : i32
      %dma_start3A_77 = arith.constant 0 : i32
      %dma_start3A_78 = tpu.memref_slice %arg2[%dma_start3A_76, %dma_start3A_77] : memref<20000x64xf32, #tpu.memory_space<hbm>> -> memref<20000x64xf32, #tpu.memory_space<hbm>>
      tpu.enqueue_indirect_dma source(%dma_start3A_78 : memref<20000x64xf32, #tpu.memory_space<hbm>>) target(%arg16 : memref<128x64xf32, #tpu.memory_space<vmem>>) offsets(%dma_start3A_75 : memref<128xi32, #tpu.memory_space<vmem>>) semaphore(%arg25 : memref<!tpu.dma_semaphore, #tpu.memory_space<semaphore_mem>>)
      %scan3A_79 = arith.constant 0 : i32
      %scan3A_80 = arith.constant 0 : i32
      %scan3A_81 = arith.constant 10 : i32
      %scan3A_82 = arith.addi %scan3A_80, %scan3A_81 : i32
      %scan3A_83 = arith.constant 1 : i32
      scf.for %scan3A_140 = %scan3A_80 to %scan3A_82 step %scan3A_83  : i32 {
        %mul3A_141 = arith.constant 8 : i32
        %mul3A_142 = arith.muli %mul3A_141, %scan3A_140 : i32
        %add3A_143 = arith.constant 0 : i32
        %add3A_144 = arith.addi %mul3A_142, %add3A_143 : i32
        %dma_wait3A_145 = arith.constant 0 : i32
        %dma_wait3A_146 = tpu.memref_slice %arg7[%add3A_144, %dma_wait3A_145] : memref<80x128xi32, #tpu.memory_space<vmem>> -> memref<1x128xi32, #tpu.memory_space<vmem>>
        %dma_wait3A_147 = tpu.memref_squeeze %dma_wait3A_146 : memref<1x128xi32, #tpu.memory_space<vmem>> -> memref<128xi32, #tpu.memory_space<vmem>>
        %dma_wait3A_148 = arith.constant 0 : i32
        %dma_wait3A_149 = arith.constant 0 : i32
        %dma_wait3A_150 = tpu.memref_slice %arg2[%dma_wait3A_148, %dma_wait3A_149] : memref<20000x64xf32, #tpu.memory_space<hbm>> -> memref<20000x64xf32, #tpu.memory_space<hbm>>
        tpu.wait_indirect_dma semaphore(%arg18 : memref<!tpu.dma_semaphore, #tpu.memory_space<semaphore_mem>>) src(%dma_wait3A_150 : memref<20000x64xf32, #tpu.memory_space<hbm>>) dst(%arg9 : memref<128x64xf32, #tpu.memory_space<vmem>>)
        %add3A_151 = arith.constant 0 : i32
        %add3A_152 = arith.addi %mul3A_142, %add3A_151 : i32
        %dma_start3A_153 = arith.constant 0 : i32
        %dma_start3A_154 = tpu.memref_slice %arg8[%add3A_152, %dma_start3A_153] : memref<80x128xi32, #tpu.memory_space<vmem>> -> memref<1x128xi32, #tpu.memory_space<vmem>>
        %dma_start3A_155 = tpu.memref_squeeze %dma_start3A_154 : memref<1x128xi32, #tpu.memory_space<vmem>> -> memref<128xi32, #tpu.memory_space<vmem>>
        %dma_start3A_156 = arith.constant 0 : i32
        %dma_start3A_157 = arith.constant 0 : i32
        %dma_start3A_158 = tpu.memref_slice %arg17[%dma_start3A_156, %dma_start3A_157] : memref<10112x64xf32, #tpu.memory_space<vmem_shared>> -> memref<10112x64xf32, #tpu.memory_space<vmem_shared>>
        tpu.enqueue_indirect_dma source(%arg9 : memref<128x64xf32, #tpu.memory_space<vmem>>) target(%dma_start3A_158 : memref<10112x64xf32, #tpu.memory_space<vmem_shared>>) offsets(%dma_start3A_155 : memref<128xi32, #tpu.memory_space<vmem>>) semaphore(%arg26 : memref<!tpu.dma_semaphore, #tpu.memory_space<semaphore_mem>>) {add = true}
        %add3A_159 = arith.constant 1 : i32
        %add3A_160 = arith.addi %mul3A_142, %add3A_159 : i32
        %dma_wait3A_161 = arith.constant 0 : i32
        %dma_wait3A_162 = tpu.memref_slice %arg7[%add3A_160, %dma_wait3A_161] : memref<80x128xi32, #tpu.memory_space<vmem>> -> memref<1x128xi32, #tpu.memory_space<vmem>>
        %dma_wait3A_163 = tpu.memref_squeeze %dma_wait3A_162 : memref<1x128xi32, #tpu.memory_space<vmem>> -> memref<128xi32, #tpu.memory_space<vmem>>
        %dma_wait3A_164 = arith.constant 0 : i32
        %dma_wait3A_165 = arith.constant 0 : i32
        %dma_wait3A_166 = tpu.memref_slice %arg2[%dma_wait3A_164, %dma_wait3A_165] : memref<20000x64xf32, #tpu.memory_space<hbm>> -> memref<20000x64xf32, #tpu.memory_space<hbm>>
        tpu.wait_indirect_dma semaphore(%arg19 : memref<!tpu.dma_semaphore, #tpu.memory_space<semaphore_mem>>) src(%dma_wait3A_166 : memref<20000x64xf32, #tpu.memory_space<hbm>>) dst(%arg10 : memref<128x64xf32, #tpu.memory_space<vmem>>)
        %add3A_167 = arith.constant 1 : i32
        %add3A_168 = arith.addi %mul3A_142, %add3A_167 : i32
        %dma_start3A_169 = arith.constant 0 : i32
        %dma_start3A_170 = tpu.memref_slice %arg8[%add3A_168, %dma_start3A_169] : memref<80x128xi32, #tpu.memory_space<vmem>> -> memref<1x128xi32, #tpu.memory_space<vmem>>
        %dma_start3A_171 = tpu.memref_squeeze %dma_start3A_170 : memref<1x128xi32, #tpu.memory_space<vmem>> -> memref<128xi32, #tpu.memory_space<vmem>>
        %dma_start3A_172 = arith.constant 0 : i32
        %dma_start3A_173 = arith.constant 0 : i32
        %dma_start3A_174 = tpu.memref_slice %arg17[%dma_start3A_172, %dma_start3A_173] : memref<10112x64xf32, #tpu.memory_space<vmem_shared>> -> memref<10112x64xf32, #tpu.memory_space<vmem_shared>>
        tpu.enqueue_indirect_dma source(%arg10 : memref<128x64xf32, #tpu.memory_space<vmem>>) target(%dma_start3A_174 : memref<10112x64xf32, #tpu.memory_space<vmem_shared>>) offsets(%dma_start3A_171 : memref<128xi32, #tpu.memory_space<vmem>>) semaphore(%arg27 : memref<!tpu.dma_semaphore, #tpu.memory_space<semaphore_mem>>) {add = true}
        %add3A_175 = arith.constant 2 : i32
        %add3A_176 = arith.addi %mul3A_142, %add3A_175 : i32
        %dma_wait3A_177 = arith.constant 0 : i32
        %dma_wait3A_178 = tpu.memref_slice %arg7[%add3A_176, %dma_wait3A_177] : memref<80x128xi32, #tpu.memory_space<vmem>> -> memref<1x128xi32, #tpu.memory_space<vmem>>
        %dma_wait3A_179 = tpu.memref_squeeze %dma_wait3A_178 : memref<1x128xi32, #tpu.memory_space<vmem>> -> memref<128xi32, #tpu.memory_space<vmem>>
        %dma_wait3A_180 = arith.constant 0 : i32
        %dma_wait3A_181 = arith.constant 0 : i32
        %dma_wait3A_182 = tpu.memref_slice %arg2[%dma_wait3A_180, %dma_wait3A_181] : memref<20000x64xf32, #tpu.memory_space<hbm>> -> memref<20000x64xf32, #tpu.memory_space<hbm>>
        tpu.wait_indirect_dma semaphore(%arg20 : memref<!tpu.dma_semaphore, #tpu.memory_space<semaphore_mem>>) src(%dma_wait3A_182 : memref<20000x64xf32, #tpu.memory_space<hbm>>) dst(%arg11 : memref<128x64xf32, #tpu.memory_space<vmem>>)
        %add3A_183 = arith.constant 2 : i32
        %add3A_184 = arith.addi %mul3A_142, %add3A_183 : i32
        %dma_start3A_185 = arith.constant 0 : i32
        %dma_start3A_186 = tpu.memref_slice %arg8[%add3A_184, %dma_start3A_185] : memref<80x128xi32, #tpu.memory_space<vmem>> -> memref<1x128xi32, #tpu.memory_space<vmem>>
        %dma_start3A_187 = tpu.memref_squeeze %dma_start3A_186 : memref<1x128xi32, #tpu.memory_space<vmem>> -> memref<128xi32, #tpu.memory_space<vmem>>
        %dma_start3A_188 = arith.constant 0 : i32
        %dma_start3A_189 = arith.constant 0 : i32
        %dma_start3A_190 = tpu.memref_slice %arg17[%dma_start3A_188, %dma_start3A_189] : memref<10112x64xf32, #tpu.memory_space<vmem_shared>> -> memref<10112x64xf32, #tpu.memory_space<vmem_shared>>
        tpu.enqueue_indirect_dma source(%arg11 : memref<128x64xf32, #tpu.memory_space<vmem>>) target(%dma_start3A_190 : memref<10112x64xf32, #tpu.memory_space<vmem_shared>>) offsets(%dma_start3A_187 : memref<128xi32, #tpu.memory_space<vmem>>) semaphore(%arg28 : memref<!tpu.dma_semaphore, #tpu.memory_space<semaphore_mem>>) {add = true}
        %add3A_191 = arith.constant 3 : i32
        %add3A_192 = arith.addi %mul3A_142, %add3A_191 : i32
        %dma_wait3A_193 = arith.constant 0 : i32
        %dma_wait3A_194 = tpu.memref_slice %arg7[%add3A_192, %dma_wait3A_193] : memref<80x128xi32, #tpu.memory_space<vmem>> -> memref<1x128xi32, #tpu.memory_space<vmem>>
        %dma_wait3A_195 = tpu.memref_squeeze %dma_wait3A_194 : memref<1x128xi32, #tpu.memory_space<vmem>> -> memref<128xi32, #tpu.memory_space<vmem>>
        %dma_wait3A_196 = arith.constant 0 : i32
        %dma_wait3A_197 = arith.constant 0 : i32
        %dma_wait3A_198 = tpu.memref_slice %arg2[%dma_wait3A_196, %dma_wait3A_197] : memref<20000x64xf32, #tpu.memory_space<hbm>> -> memref<20000x64xf32, #tpu.memory_space<hbm>>
        tpu.wait_indirect_dma semaphore(%arg21 : memref<!tpu.dma_semaphore, #tpu.memory_space<semaphore_mem>>) src(%dma_wait3A_198 : memref<20000x64xf32, #tpu.memory_space<hbm>>) dst(%arg12 : memref<128x64xf32, #tpu.memory_space<vmem>>)
        %add3A_199 = arith.constant 3 : i32
        %add3A_200 = arith.addi %mul3A_142, %add3A_199 : i32
        %dma_start3A_201 = arith.constant 0 : i32
        %dma_start3A_202 = tpu.memref_slice %arg8[%add3A_200, %dma_start3A_201] : memref<80x128xi32, #tpu.memory_space<vmem>> -> memref<1x128xi32, #tpu.memory_space<vmem>>
        %dma_start3A_203 = tpu.memref_squeeze %dma_start3A_202 : memref<1x128xi32, #tpu.memory_space<vmem>> -> memref<128xi32, #tpu.memory_space<vmem>>
        %dma_start3A_204 = arith.constant 0 : i32
        %dma_start3A_205 = arith.constant 0 : i32
        %dma_start3A_206 = tpu.memref_slice %arg17[%dma_start3A_204, %dma_start3A_205] : memref<10112x64xf32, #tpu.memory_space<vmem_shared>> -> memref<10112x64xf32, #tpu.memory_space<vmem_shared>>
        tpu.enqueue_indirect_dma source(%arg12 : memref<128x64xf32, #tpu.memory_space<vmem>>) target(%dma_start3A_206 : memref<10112x64xf32, #tpu.memory_space<vmem_shared>>) offsets(%dma_start3A_203 : memref<128xi32, #tpu.memory_space<vmem>>) semaphore(%arg29 : memref<!tpu.dma_semaphore, #tpu.memory_space<semaphore_mem>>) {add = true}
        %add3A_207 = arith.constant 4 : i32
        %add3A_208 = arith.addi %mul3A_142, %add3A_207 : i32
        %dma_wait3A_209 = arith.constant 0 : i32
        %dma_wait3A_210 = tpu.memref_slice %arg7[%add3A_208, %dma_wait3A_209] : memref<80x128xi32, #tpu.memory_space<vmem>> -> memref<1x128xi32, #tpu.memory_space<vmem>>
        %dma_wait3A_211 = tpu.memref_squeeze %dma_wait3A_210 : memref<1x128xi32, #tpu.memory_space<vmem>> -> memref<128xi32, #tpu.memory_space<vmem>>
        %dma_wait3A_212 = arith.constant 0 : i32
        %dma_wait3A_213 = arith.constant 0 : i32
        %dma_wait3A_214 = tpu.memref_slice %arg2[%dma_wait3A_212, %dma_wait3A_213] : memref<20000x64xf32, #tpu.memory_space<hbm>> -> memref<20000x64xf32, #tpu.memory_space<hbm>>
        tpu.wait_indirect_dma semaphore(%arg22 : memref<!tpu.dma_semaphore, #tpu.memory_space<semaphore_mem>>) src(%dma_wait3A_214 : memref<20000x64xf32, #tpu.memory_space<hbm>>) dst(%arg13 : memref<128x64xf32, #tpu.memory_space<vmem>>)
        %add3A_215 = arith.constant 4 : i32
        %add3A_216 = arith.addi %mul3A_142, %add3A_215 : i32
        %dma_start3A_217 = arith.constant 0 : i32
        %dma_start3A_218 = tpu.memref_slice %arg8[%add3A_216, %dma_start3A_217] : memref<80x128xi32, #tpu.memory_space<vmem>> -> memref<1x128xi32, #tpu.memory_space<vmem>>
        %dma_start3A_219 = tpu.memref_squeeze %dma_start3A_218 : memref<1x128xi32, #tpu.memory_space<vmem>> -> memref<128xi32, #tpu.memory_space<vmem>>
        %dma_start3A_220 = arith.constant 0 : i32
        %dma_start3A_221 = arith.constant 0 : i32
        %dma_start3A_222 = tpu.memref_slice %arg17[%dma_start3A_220, %dma_start3A_221] : memref<10112x64xf32, #tpu.memory_space<vmem_shared>> -> memref<10112x64xf32, #tpu.memory_space<vmem_shared>>
        tpu.enqueue_indirect_dma source(%arg13 : memref<128x64xf32, #tpu.memory_space<vmem>>) target(%dma_start3A_222 : memref<10112x64xf32, #tpu.memory_space<vmem_shared>>) offsets(%dma_start3A_219 : memref<128xi32, #tpu.memory_space<vmem>>) semaphore(%arg30 : memref<!tpu.dma_semaphore, #tpu.memory_space<semaphore_mem>>) {add = true}
        %add3A_223 = arith.constant 5 : i32
        %add3A_224 = arith.addi %mul3A_142, %add3A_223 : i32
        %dma_wait3A_225 = arith.constant 0 : i32
        %dma_wait3A_226 = tpu.memref_slice %arg7[%add3A_224, %dma_wait3A_225] : memref<80x128xi32, #tpu.memory_space<vmem>> -> memref<1x128xi32, #tpu.memory_space<vmem>>
        %dma_wait3A_227 = tpu.memref_squeeze %dma_wait3A_226 : memref<1x128xi32, #tpu.memory_space<vmem>> -> memref<128xi32, #tpu.memory_space<vmem>>
        %dma_wait3A_228 = arith.constant 0 : i32
        %dma_wait3A_229 = arith.constant 0 : i32
        %dma_wait3A_230 = tpu.memref_slice %arg2[%dma_wait3A_228, %dma_wait3A_229] : memref<20000x64xf32, #tpu.memory_space<hbm>> -> memref<20000x64xf32, #tpu.memory_space<hbm>>
        tpu.wait_indirect_dma semaphore(%arg23 : memref<!tpu.dma_semaphore, #tpu.memory_space<semaphore_mem>>) src(%dma_wait3A_230 : memref<20000x64xf32, #tpu.memory_space<hbm>>) dst(%arg14 : memref<128x64xf32, #tpu.memory_space<vmem>>)
        %add3A_231 = arith.constant 5 : i32
        %add3A_232 = arith.addi %mul3A_142, %add3A_231 : i32
        %dma_start3A_233 = arith.constant 0 : i32
        %dma_start3A_234 = tpu.memref_slice %arg8[%add3A_232, %dma_start3A_233] : memref<80x128xi32, #tpu.memory_space<vmem>> -> memref<1x128xi32, #tpu.memory_space<vmem>>
        %dma_start3A_235 = tpu.memref_squeeze %dma_start3A_234 : memref<1x128xi32, #tpu.memory_space<vmem>> -> memref<128xi32, #tpu.memory_space<vmem>>
        %dma_start3A_236 = arith.constant 0 : i32
        %dma_start3A_237 = arith.constant 0 : i32
        %dma_start3A_238 = tpu.memref_slice %arg17[%dma_start3A_236, %dma_start3A_237] : memref<10112x64xf32, #tpu.memory_space<vmem_shared>> -> memref<10112x64xf32, #tpu.memory_space<vmem_shared>>
        tpu.enqueue_indirect_dma source(%arg14 : memref<128x64xf32, #tpu.memory_space<vmem>>) target(%dma_start3A_238 : memref<10112x64xf32, #tpu.memory_space<vmem_shared>>) offsets(%dma_start3A_235 : memref<128xi32, #tpu.memory_space<vmem>>) semaphore(%arg31 : memref<!tpu.dma_semaphore, #tpu.memory_space<semaphore_mem>>) {add = true}
        %add3A_239 = arith.constant 6 : i32
        %add3A_240 = arith.addi %mul3A_142, %add3A_239 : i32
        %dma_wait3A_241 = arith.constant 0 : i32
        %dma_wait3A_242 = tpu.memref_slice %arg7[%add3A_240, %dma_wait3A_241] : memref<80x128xi32, #tpu.memory_space<vmem>> -> memref<1x128xi32, #tpu.memory_space<vmem>>
        %dma_wait3A_243 = tpu.memref_squeeze %dma_wait3A_242 : memref<1x128xi32, #tpu.memory_space<vmem>> -> memref<128xi32, #tpu.memory_space<vmem>>
        %dma_wait3A_244 = arith.constant 0 : i32
        %dma_wait3A_245 = arith.constant 0 : i32
        %dma_wait3A_246 = tpu.memref_slice %arg2[%dma_wait3A_244, %dma_wait3A_245] : memref<20000x64xf32, #tpu.memory_space<hbm>> -> memref<20000x64xf32, #tpu.memory_space<hbm>>
        tpu.wait_indirect_dma semaphore(%arg24 : memref<!tpu.dma_semaphore, #tpu.memory_space<semaphore_mem>>) src(%dma_wait3A_246 : memref<20000x64xf32, #tpu.memory_space<hbm>>) dst(%arg15 : memref<128x64xf32, #tpu.memory_space<vmem>>)
        %add3A_247 = arith.constant 6 : i32
        %add3A_248 = arith.addi %mul3A_142, %add3A_247 : i32
        %dma_start3A_249 = arith.constant 0 : i32
        %dma_start3A_250 = tpu.memref_slice %arg8[%add3A_248, %dma_start3A_249] : memref<80x128xi32, #tpu.memory_space<vmem>> -> memref<1x128xi32, #tpu.memory_space<vmem>>
        %dma_start3A_251 = tpu.memref_squeeze %dma_start3A_250 : memref<1x128xi32, #tpu.memory_space<vmem>> -> memref<128xi32, #tpu.memory_space<vmem>>
        %dma_start3A_252 = arith.constant 0 : i32
        %dma_start3A_253 = arith.constant 0 : i32
        %dma_start3A_254 = tpu.memref_slice %arg17[%dma_start3A_252, %dma_start3A_253] : memref<10112x64xf32, #tpu.memory_space<vmem_shared>> -> memref<10112x64xf32, #tpu.memory_space<vmem_shared>>
        tpu.enqueue_indirect_dma source(%arg15 : memref<128x64xf32, #tpu.memory_space<vmem>>) target(%dma_start3A_254 : memref<10112x64xf32, #tpu.memory_space<vmem_shared>>) offsets(%dma_start3A_251 : memref<128xi32, #tpu.memory_space<vmem>>) semaphore(%arg32 : memref<!tpu.dma_semaphore, #tpu.memory_space<semaphore_mem>>) {add = true}
        %add3A_255 = arith.constant 7 : i32
        %add3A_256 = arith.addi %mul3A_142, %add3A_255 : i32
        %dma_wait3A_257 = arith.constant 0 : i32
        %dma_wait3A_258 = tpu.memref_slice %arg7[%add3A_256, %dma_wait3A_257] : memref<80x128xi32, #tpu.memory_space<vmem>> -> memref<1x128xi32, #tpu.memory_space<vmem>>
        %dma_wait3A_259 = tpu.memref_squeeze %dma_wait3A_258 : memref<1x128xi32, #tpu.memory_space<vmem>> -> memref<128xi32, #tpu.memory_space<vmem>>
        %dma_wait3A_260 = arith.constant 0 : i32
        %dma_wait3A_261 = arith.constant 0 : i32
        %dma_wait3A_262 = tpu.memref_slice %arg2[%dma_wait3A_260, %dma_wait3A_261] : memref<20000x64xf32, #tpu.memory_space<hbm>> -> memref<20000x64xf32, #tpu.memory_space<hbm>>
        tpu.wait_indirect_dma semaphore(%arg25 : memref<!tpu.dma_semaphore, #tpu.memory_space<semaphore_mem>>) src(%dma_wait3A_262 : memref<20000x64xf32, #tpu.memory_space<hbm>>) dst(%arg16 : memref<128x64xf32, #tpu.memory_space<vmem>>)
        %add3A_263 = arith.constant 7 : i32
        %add3A_264 = arith.addi %mul3A_142, %add3A_263 : i32
        %dma_start3A_265 = arith.constant 0 : i32
        %dma_start3A_266 = tpu.memref_slice %arg8[%add3A_264, %dma_start3A_265] : memref<80x128xi32, #tpu.memory_space<vmem>> -> memref<1x128xi32, #tpu.memory_space<vmem>>
        %dma_start3A_267 = tpu.memref_squeeze %dma_start3A_266 : memref<1x128xi32, #tpu.memory_space<vmem>> -> memref<128xi32, #tpu.memory_space<vmem>>
        %dma_start3A_268 = arith.constant 0 : i32
        %dma_start3A_269 = arith.constant 0 : i32
        %dma_start3A_270 = tpu.memref_slice %arg17[%dma_start3A_268, %dma_start3A_269] : memref<10112x64xf32, #tpu.memory_space<vmem_shared>> -> memref<10112x64xf32, #tpu.memory_space<vmem_shared>>
        tpu.enqueue_indirect_dma source(%arg16 : memref<128x64xf32, #tpu.memory_space<vmem>>) target(%dma_start3A_270 : memref<10112x64xf32, #tpu.memory_space<vmem_shared>>) offsets(%dma_start3A_267 : memref<128xi32, #tpu.memory_space<vmem>>) semaphore(%arg33 : memref<!tpu.dma_semaphore, #tpu.memory_space<semaphore_mem>>) {add = true}
        %add3A_271 = arith.constant 0 : i32
        %add3A_272 = arith.addi %mul3A_142, %add3A_271 : i32
        %add3A_273 = arith.constant 8 : i32
        %add3A_274 = arith.addi %add3A_272, %add3A_273 : i32
        %lt3A = arith.constant 80 : i32
        %lt3A_275 = arith.cmpi slt, %add3A_274, %lt3A : i32
        %convert_element_type3A = arith.extui %lt3A_275 : i1 to i32
        %cond3A = arith.constant 0 : i32
        %cond3A_276 = arith.cmpi ne, %convert_element_type3A, %cond3A : i32
        scf.if %cond3A_276 {
          %dma_wait3A_340 = arith.constant 0 : i32
          %dma_wait3A_341 = arith.constant 0 : i32
          %dma_wait3A_342 = tpu.memref_slice %arg8[%dma_wait3A_340, %dma_wait3A_341] : memref<80x128xi32, #tpu.memory_space<vmem>> -> memref<1x128xi32, #tpu.memory_space<vmem>>
          %dma_wait3A_343 = tpu.memref_squeeze %dma_wait3A_342 : memref<1x128xi32, #tpu.memory_space<vmem>> -> memref<128xi32, #tpu.memory_space<vmem>>
          %dma_wait3A_344 = arith.constant 0 : i32
          %dma_wait3A_345 = arith.constant 0 : i32
          %dma_wait3A_346 = tpu.memref_slice %arg17[%dma_wait3A_344, %dma_wait3A_345] : memref<10112x64xf32, #tpu.memory_space<vmem_shared>> -> memref<10112x64xf32, #tpu.memory_space<vmem_shared>>
          tpu.wait_indirect_dma semaphore(%arg26 : memref<!tpu.dma_semaphore, #tpu.memory_space<semaphore_mem>>) src(%arg9 : memref<128x64xf32, #tpu.memory_space<vmem>>) dst(%dma_wait3A_346 : memref<10112x64xf32, #tpu.memory_space<vmem_shared>>)
          %dma_start3A_347 = arith.constant 0 : i32
          %dma_start3A_348 = tpu.memref_slice %arg7[%add3A_274, %dma_start3A_347] : memref<80x128xi32, #tpu.memory_space<vmem>> -> memref<1x128xi32, #tpu.memory_space<vmem>>
          %dma_start3A_349 = tpu.memref_squeeze %dma_start3A_348 : memref<1x128xi32, #tpu.memory_space<vmem>> -> memref<128xi32, #tpu.memory_space<vmem>>
          %dma_start3A_350 = arith.constant 0 : i32
          %dma_start3A_351 = arith.constant 0 : i32
          %dma_start3A_352 = tpu.memref_slice %arg2[%dma_start3A_350, %dma_start3A_351] : memref<20000x64xf32, #tpu.memory_space<hbm>> -> memref<20000x64xf32, #tpu.memory_space<hbm>>
          tpu.enqueue_indirect_dma source(%dma_start3A_352 : memref<20000x64xf32, #tpu.memory_space<hbm>>) target(%arg9 : memref<128x64xf32, #tpu.memory_space<vmem>>) offsets(%dma_start3A_349 : memref<128xi32, #tpu.memory_space<vmem>>) semaphore(%arg18 : memref<!tpu.dma_semaphore, #tpu.memory_space<semaphore_mem>>)
        } else {
        }
        %add3A_277 = arith.constant 1 : i32
        %add3A_278 = arith.addi %mul3A_142, %add3A_277 : i32
        %add3A_279 = arith.constant 8 : i32
        %add3A_280 = arith.addi %add3A_278, %add3A_279 : i32
        %lt3A_281 = arith.constant 80 : i32
        %lt3A_282 = arith.cmpi slt, %add3A_280, %lt3A_281 : i32
        %convert_element_type3A_283 = arith.extui %lt3A_282 : i1 to i32
        %cond3A_284 = arith.constant 0 : i32
        %cond3A_285 = arith.cmpi ne, %convert_element_type3A_283, %cond3A_284 : i32
        scf.if %cond3A_285 {
          %dma_wait3A_340 = arith.constant 1 : i32
          %dma_wait3A_341 = arith.constant 0 : i32
          %dma_wait3A_342 = tpu.memref_slice %arg8[%dma_wait3A_340, %dma_wait3A_341] : memref<80x128xi32, #tpu.memory_space<vmem>> -> memref<1x128xi32, #tpu.memory_space<vmem>>
          %dma_wait3A_343 = tpu.memref_squeeze %dma_wait3A_342 : memref<1x128xi32, #tpu.memory_space<vmem>> -> memref<128xi32, #tpu.memory_space<vmem>>
          %dma_wait3A_344 = arith.constant 0 : i32
          %dma_wait3A_345 = arith.constant 0 : i32
          %dma_wait3A_346 = tpu.memref_slice %arg17[%dma_wait3A_344, %dma_wait3A_345] : memref<10112x64xf32, #tpu.memory_space<vmem_shared>> -> memref<10112x64xf32, #tpu.memory_space<vmem_shared>>
          tpu.wait_indirect_dma semaphore(%arg27 : memref<!tpu.dma_semaphore, #tpu.memory_space<semaphore_mem>>) src(%arg10 : memref<128x64xf32, #tpu.memory_space<vmem>>) dst(%dma_wait3A_346 : memref<10112x64xf32, #tpu.memory_space<vmem_shared>>)
          %dma_start3A_347 = arith.constant 0 : i32
          %dma_start3A_348 = tpu.memref_slice %arg7[%add3A_280, %dma_start3A_347] : memref<80x128xi32, #tpu.memory_space<vmem>> -> memref<1x128xi32, #tpu.memory_space<vmem>>
          %dma_start3A_349 = tpu.memref_squeeze %dma_start3A_348 : memref<1x128xi32, #tpu.memory_space<vmem>> -> memref<128xi32, #tpu.memory_space<vmem>>
          %dma_start3A_350 = arith.constant 0 : i32
          %dma_start3A_351 = arith.constant 0 : i32
          %dma_start3A_352 = tpu.memref_slice %arg2[%dma_start3A_350, %dma_start3A_351] : memref<20000x64xf32, #tpu.memory_space<hbm>> -> memref<20000x64xf32, #tpu.memory_space<hbm>>
          tpu.enqueue_indirect_dma source(%dma_start3A_352 : memref<20000x64xf32, #tpu.memory_space<hbm>>) target(%arg10 : memref<128x64xf32, #tpu.memory_space<vmem>>) offsets(%dma_start3A_349 : memref<128xi32, #tpu.memory_space<vmem>>) semaphore(%arg19 : memref<!tpu.dma_semaphore, #tpu.memory_space<semaphore_mem>>)
        } else {
        }
        %add3A_286 = arith.constant 2 : i32
        %add3A_287 = arith.addi %mul3A_142, %add3A_286 : i32
        %add3A_288 = arith.constant 8 : i32
        %add3A_289 = arith.addi %add3A_287, %add3A_288 : i32
        %lt3A_290 = arith.constant 80 : i32
        %lt3A_291 = arith.cmpi slt, %add3A_289, %lt3A_290 : i32
        %convert_element_type3A_292 = arith.extui %lt3A_291 : i1 to i32
        %cond3A_293 = arith.constant 0 : i32
        %cond3A_294 = arith.cmpi ne, %convert_element_type3A_292, %cond3A_293 : i32
        scf.if %cond3A_294 {
          %dma_wait3A_340 = arith.constant 2 : i32
          %dma_wait3A_341 = arith.constant 0 : i32
          %dma_wait3A_342 = tpu.memref_slice %arg8[%dma_wait3A_340, %dma_wait3A_341] : memref<80x128xi32, #tpu.memory_space<vmem>> -> memref<1x128xi32, #tpu.memory_space<vmem>>
          %dma_wait3A_343 = tpu.memref_squeeze %dma_wait3A_342 : memref<1x128xi32, #tpu.memory_space<vmem>> -> memref<128xi32, #tpu.memory_space<vmem>>
          %dma_wait3A_344 = arith.constant 0 : i32
          %dma_wait3A_345 = arith.constant 0 : i32
          %dma_wait3A_346 = tpu.memref_slice %arg17[%dma_wait3A_344, %dma_wait3A_345] : memref<10112x64xf32, #tpu.memory_space<vmem_shared>> -> memref<10112x64xf32, #tpu.memory_space<vmem_shared>>
          tpu.wait_indirect_dma semaphore(%arg28 : memref<!tpu.dma_semaphore, #tpu.memory_space<semaphore_mem>>) src(%arg11 : memref<128x64xf32, #tpu.memory_space<vmem>>) dst(%dma_wait3A_346 : memref<10112x64xf32, #tpu.memory_space<vmem_shared>>)
          %dma_start3A_347 = arith.constant 0 : i32
          %dma_start3A_348 = tpu.memref_slice %arg7[%add3A_289, %dma_start3A_347] : memref<80x128xi32, #tpu.memory_space<vmem>> -> memref<1x128xi32, #tpu.memory_space<vmem>>
          %dma_start3A_349 = tpu.memref_squeeze %dma_start3A_348 : memref<1x128xi32, #tpu.memory_space<vmem>> -> memref<128xi32, #tpu.memory_space<vmem>>
          %dma_start3A_350 = arith.constant 0 : i32
          %dma_start3A_351 = arith.constant 0 : i32
          %dma_start3A_352 = tpu.memref_slice %arg2[%dma_start3A_350, %dma_start3A_351] : memref<20000x64xf32, #tpu.memory_space<hbm>> -> memref<20000x64xf32, #tpu.memory_space<hbm>>
          tpu.enqueue_indirect_dma source(%dma_start3A_352 : memref<20000x64xf32, #tpu.memory_space<hbm>>) target(%arg11 : memref<128x64xf32, #tpu.memory_space<vmem>>) offsets(%dma_start3A_349 : memref<128xi32, #tpu.memory_space<vmem>>) semaphore(%arg20 : memref<!tpu.dma_semaphore, #tpu.memory_space<semaphore_mem>>)
        } else {
        }
        %add3A_295 = arith.constant 3 : i32
        %add3A_296 = arith.addi %mul3A_142, %add3A_295 : i32
        %add3A_297 = arith.constant 8 : i32
        %add3A_298 = arith.addi %add3A_296, %add3A_297 : i32
        %lt3A_299 = arith.constant 80 : i32
        %lt3A_300 = arith.cmpi slt, %add3A_298, %lt3A_299 : i32
        %convert_element_type3A_301 = arith.extui %lt3A_300 : i1 to i32
        %cond3A_302 = arith.constant 0 : i32
        %cond3A_303 = arith.cmpi ne, %convert_element_type3A_301, %cond3A_302 : i32
        scf.if %cond3A_303 {
          %dma_wait3A_340 = arith.constant 3 : i32
          %dma_wait3A_341 = arith.constant 0 : i32
          %dma_wait3A_342 = tpu.memref_slice %arg8[%dma_wait3A_340, %dma_wait3A_341] : memref<80x128xi32, #tpu.memory_space<vmem>> -> memref<1x128xi32, #tpu.memory_space<vmem>>
          %dma_wait3A_343 = tpu.memref_squeeze %dma_wait3A_342 : memref<1x128xi32, #tpu.memory_space<vmem>> -> memref<128xi32, #tpu.memory_space<vmem>>
          %dma_wait3A_344 = arith.constant 0 : i32
          %dma_wait3A_345 = arith.constant 0 : i32
          %dma_wait3A_346 = tpu.memref_slice %arg17[%dma_wait3A_344, %dma_wait3A_345] : memref<10112x64xf32, #tpu.memory_space<vmem_shared>> -> memref<10112x64xf32, #tpu.memory_space<vmem_shared>>
          tpu.wait_indirect_dma semaphore(%arg29 : memref<!tpu.dma_semaphore, #tpu.memory_space<semaphore_mem>>) src(%arg12 : memref<128x64xf32, #tpu.memory_space<vmem>>) dst(%dma_wait3A_346 : memref<10112x64xf32, #tpu.memory_space<vmem_shared>>)
          %dma_start3A_347 = arith.constant 0 : i32
          %dma_start3A_348 = tpu.memref_slice %arg7[%add3A_298, %dma_start3A_347] : memref<80x128xi32, #tpu.memory_space<vmem>> -> memref<1x128xi32, #tpu.memory_space<vmem>>
          %dma_start3A_349 = tpu.memref_squeeze %dma_start3A_348 : memref<1x128xi32, #tpu.memory_space<vmem>> -> memref<128xi32, #tpu.memory_space<vmem>>
          %dma_start3A_350 = arith.constant 0 : i32
          %dma_start3A_351 = arith.constant 0 : i32
          %dma_start3A_352 = tpu.memref_slice %arg2[%dma_start3A_350, %dma_start3A_351] : memref<20000x64xf32, #tpu.memory_space<hbm>> -> memref<20000x64xf32, #tpu.memory_space<hbm>>
          tpu.enqueue_indirect_dma source(%dma_start3A_352 : memref<20000x64xf32, #tpu.memory_space<hbm>>) target(%arg12 : memref<128x64xf32, #tpu.memory_space<vmem>>) offsets(%dma_start3A_349 : memref<128xi32, #tpu.memory_space<vmem>>) semaphore(%arg21 : memref<!tpu.dma_semaphore, #tpu.memory_space<semaphore_mem>>)
        } else {
        }
        %add3A_304 = arith.constant 4 : i32
        %add3A_305 = arith.addi %mul3A_142, %add3A_304 : i32
        %add3A_306 = arith.constant 8 : i32
        %add3A_307 = arith.addi %add3A_305, %add3A_306 : i32
        %lt3A_308 = arith.constant 80 : i32
        %lt3A_309 = arith.cmpi slt, %add3A_307, %lt3A_308 : i32
        %convert_element_type3A_310 = arith.extui %lt3A_309 : i1 to i32
        %cond3A_311 = arith.constant 0 : i32
        %cond3A_312 = arith.cmpi ne, %convert_element_type3A_310, %cond3A_311 : i32
        scf.if %cond3A_312 {
          %dma_wait3A_340 = arith.constant 4 : i32
          %dma_wait3A_341 = arith.constant 0 : i32
          %dma_wait3A_342 = tpu.memref_slice %arg8[%dma_wait3A_340, %dma_wait3A_341] : memref<80x128xi32, #tpu.memory_space<vmem>> -> memref<1x128xi32, #tpu.memory_space<vmem>>
          %dma_wait3A_343 = tpu.memref_squeeze %dma_wait3A_342 : memref<1x128xi32, #tpu.memory_space<vmem>> -> memref<128xi32, #tpu.memory_space<vmem>>
          %dma_wait3A_344 = arith.constant 0 : i32
          %dma_wait3A_345 = arith.constant 0 : i32
          %dma_wait3A_346 = tpu.memref_slice %arg17[%dma_wait3A_344, %dma_wait3A_345] : memref<10112x64xf32, #tpu.memory_space<vmem_shared>> -> memref<10112x64xf32, #tpu.memory_space<vmem_shared>>
          tpu.wait_indirect_dma semaphore(%arg30 : memref<!tpu.dma_semaphore, #tpu.memory_space<semaphore_mem>>) src(%arg13 : memref<128x64xf32, #tpu.memory_space<vmem>>) dst(%dma_wait3A_346 : memref<10112x64xf32, #tpu.memory_space<vmem_shared>>)
          %dma_start3A_347 = arith.constant 0 : i32
          %dma_start3A_348 = tpu.memref_slice %arg7[%add3A_307, %dma_start3A_347] : memref<80x128xi32, #tpu.memory_space<vmem>> -> memref<1x128xi32, #tpu.memory_space<vmem>>
          %dma_start3A_349 = tpu.memref_squeeze %dma_start3A_348 : memref<1x128xi32, #tpu.memory_space<vmem>> -> memref<128xi32, #tpu.memory_space<vmem>>
          %dma_start3A_350 = arith.constant 0 : i32
          %dma_start3A_351 = arith.constant 0 : i32
          %dma_start3A_352 = tpu.memref_slice %arg2[%dma_start3A_350, %dma_start3A_351] : memref<20000x64xf32, #tpu.memory_space<hbm>> -> memref<20000x64xf32, #tpu.memory_space<hbm>>
          tpu.enqueue_indirect_dma source(%dma_start3A_352 : memref<20000x64xf32, #tpu.memory_space<hbm>>) target(%arg13 : memref<128x64xf32, #tpu.memory_space<vmem>>) offsets(%dma_start3A_349 : memref<128xi32, #tpu.memory_space<vmem>>) semaphore(%arg22 : memref<!tpu.dma_semaphore, #tpu.memory_space<semaphore_mem>>)
        } else {
        }
        %add3A_313 = arith.constant 5 : i32
        %add3A_314 = arith.addi %mul3A_142, %add3A_313 : i32
        %add3A_315 = arith.constant 8 : i32
        %add3A_316 = arith.addi %add3A_314, %add3A_315 : i32
        %lt3A_317 = arith.constant 80 : i32
        %lt3A_318 = arith.cmpi slt, %add3A_316, %lt3A_317 : i32
        %convert_element_type3A_319 = arith.extui %lt3A_318 : i1 to i32
        %cond3A_320 = arith.constant 0 : i32
        %cond3A_321 = arith.cmpi ne, %convert_element_type3A_319, %cond3A_320 : i32
        scf.if %cond3A_321 {
          %dma_wait3A_340 = arith.constant 5 : i32
          %dma_wait3A_341 = arith.constant 0 : i32
          %dma_wait3A_342 = tpu.memref_slice %arg8[%dma_wait3A_340, %dma_wait3A_341] : memref<80x128xi32, #tpu.memory_space<vmem>> -> memref<1x128xi32, #tpu.memory_space<vmem>>
          %dma_wait3A_343 = tpu.memref_squeeze %dma_wait3A_342 : memref<1x128xi32, #tpu.memory_space<vmem>> -> memref<128xi32, #tpu.memory_space<vmem>>
          %dma_wait3A_344 = arith.constant 0 : i32
          %dma_wait3A_345 = arith.constant 0 : i32
          %dma_wait3A_346 = tpu.memref_slice %arg17[%dma_wait3A_344, %dma_wait3A_345] : memref<10112x64xf32, #tpu.memory_space<vmem_shared>> -> memref<10112x64xf32, #tpu.memory_space<vmem_shared>>
          tpu.wait_indirect_dma semaphore(%arg31 : memref<!tpu.dma_semaphore, #tpu.memory_space<semaphore_mem>>) src(%arg14 : memref<128x64xf32, #tpu.memory_space<vmem>>) dst(%dma_wait3A_346 : memref<10112x64xf32, #tpu.memory_space<vmem_shared>>)
          %dma_start3A_347 = arith.constant 0 : i32
          %dma_start3A_348 = tpu.memref_slice %arg7[%add3A_316, %dma_start3A_347] : memref<80x128xi32, #tpu.memory_space<vmem>> -> memref<1x128xi32, #tpu.memory_space<vmem>>
          %dma_start3A_349 = tpu.memref_squeeze %dma_start3A_348 : memref<1x128xi32, #tpu.memory_space<vmem>> -> memref<128xi32, #tpu.memory_space<vmem>>
          %dma_start3A_350 = arith.constant 0 : i32
          %dma_start3A_351 = arith.constant 0 : i32
          %dma_start3A_352 = tpu.memref_slice %arg2[%dma_start3A_350, %dma_start3A_351] : memref<20000x64xf32, #tpu.memory_space<hbm>> -> memref<20000x64xf32, #tpu.memory_space<hbm>>
          tpu.enqueue_indirect_dma source(%dma_start3A_352 : memref<20000x64xf32, #tpu.memory_space<hbm>>) target(%arg14 : memref<128x64xf32, #tpu.memory_space<vmem>>) offsets(%dma_start3A_349 : memref<128xi32, #tpu.memory_space<vmem>>) semaphore(%arg23 : memref<!tpu.dma_semaphore, #tpu.memory_space<semaphore_mem>>)
        } else {
        }
        %add3A_322 = arith.constant 6 : i32
        %add3A_323 = arith.addi %mul3A_142, %add3A_322 : i32
        %add3A_324 = arith.constant 8 : i32
        %add3A_325 = arith.addi %add3A_323, %add3A_324 : i32
        %lt3A_326 = arith.constant 80 : i32
        %lt3A_327 = arith.cmpi slt, %add3A_325, %lt3A_326 : i32
        %convert_element_type3A_328 = arith.extui %lt3A_327 : i1 to i32
        %cond3A_329 = arith.constant 0 : i32
        %cond3A_330 = arith.cmpi ne, %convert_element_type3A_328, %cond3A_329 : i32
        scf.if %cond3A_330 {
          %dma_wait3A_340 = arith.constant 6 : i32
          %dma_wait3A_341 = arith.constant 0 : i32
          %dma_wait3A_342 = tpu.memref_slice %arg8[%dma_wait3A_340, %dma_wait3A_341] : memref<80x128xi32, #tpu.memory_space<vmem>> -> memref<1x128xi32, #tpu.memory_space<vmem>>
          %dma_wait3A_343 = tpu.memref_squeeze %dma_wait3A_342 : memref<1x128xi32, #tpu.memory_space<vmem>> -> memref<128xi32, #tpu.memory_space<vmem>>
          %dma_wait3A_344 = arith.constant 0 : i32
          %dma_wait3A_345 = arith.constant 0 : i32
          %dma_wait3A_346 = tpu.memref_slice %arg17[%dma_wait3A_344, %dma_wait3A_345] : memref<10112x64xf32, #tpu.memory_space<vmem_shared>> -> memref<10112x64xf32, #tpu.memory_space<vmem_shared>>
          tpu.wait_indirect_dma semaphore(%arg32 : memref<!tpu.dma_semaphore, #tpu.memory_space<semaphore_mem>>) src(%arg15 : memref<128x64xf32, #tpu.memory_space<vmem>>) dst(%dma_wait3A_346 : memref<10112x64xf32, #tpu.memory_space<vmem_shared>>)
          %dma_start3A_347 = arith.constant 0 : i32
          %dma_start3A_348 = tpu.memref_slice %arg7[%add3A_325, %dma_start3A_347] : memref<80x128xi32, #tpu.memory_space<vmem>> -> memref<1x128xi32, #tpu.memory_space<vmem>>
          %dma_start3A_349 = tpu.memref_squeeze %dma_start3A_348 : memref<1x128xi32, #tpu.memory_space<vmem>> -> memref<128xi32, #tpu.memory_space<vmem>>
          %dma_start3A_350 = arith.constant 0 : i32
          %dma_start3A_351 = arith.constant 0 : i32
          %dma_start3A_352 = tpu.memref_slice %arg2[%dma_start3A_350, %dma_start3A_351] : memref<20000x64xf32, #tpu.memory_space<hbm>> -> memref<20000x64xf32, #tpu.memory_space<hbm>>
          tpu.enqueue_indirect_dma source(%dma_start3A_352 : memref<20000x64xf32, #tpu.memory_space<hbm>>) target(%arg15 : memref<128x64xf32, #tpu.memory_space<vmem>>) offsets(%dma_start3A_349 : memref<128xi32, #tpu.memory_space<vmem>>) semaphore(%arg24 : memref<!tpu.dma_semaphore, #tpu.memory_space<semaphore_mem>>)
        } else {
        }
        %add3A_331 = arith.constant 7 : i32
        %add3A_332 = arith.addi %mul3A_142, %add3A_331 : i32
        %add3A_333 = arith.constant 8 : i32
        %add3A_334 = arith.addi %add3A_332, %add3A_333 : i32
        %lt3A_335 = arith.constant 80 : i32
        %lt3A_336 = arith.cmpi slt, %add3A_334, %lt3A_335 : i32
        %convert_element_type3A_337 = arith.extui %lt3A_336 : i1 to i32
        %cond3A_338 = arith.constant 0 : i32
        %cond3A_339 = arith.cmpi ne, %convert_element_type3A_337, %cond3A_338 : i32
        scf.if %cond3A_339 {
          %dma_wait3A_340 = arith.constant 7 : i32
          %dma_wait3A_341 = arith.constant 0 : i32
          %dma_wait3A_342 = tpu.memref_slice %arg8[%dma_wait3A_340, %dma_wait3A_341] : memref<80x128xi32, #tpu.memory_space<vmem>> -> memref<1x128xi32, #tpu.memory_space<vmem>>
          %dma_wait3A_343 = tpu.memref_squeeze %dma_wait3A_342 : memref<1x128xi32, #tpu.memory_space<vmem>> -> memref<128xi32, #tpu.memory_space<vmem>>
          %dma_wait3A_344 = arith.constant 0 : i32
          %dma_wait3A_345 = arith.constant 0 : i32
          %dma_wait3A_346 = tpu.memref_slice %arg17[%dma_wait3A_344, %dma_wait3A_345] : memref<10112x64xf32, #tpu.memory_space<vmem_shared>> -> memref<10112x64xf32, #tpu.memory_space<vmem_shared>>
          tpu.wait_indirect_dma semaphore(%arg33 : memref<!tpu.dma_semaphore, #tpu.memory_space<semaphore_mem>>) src(%arg16 : memref<128x64xf32, #tpu.memory_space<vmem>>) dst(%dma_wait3A_346 : memref<10112x64xf32, #tpu.memory_space<vmem_shared>>)
          %dma_start3A_347 = arith.constant 0 : i32
          %dma_start3A_348 = tpu.memref_slice %arg7[%add3A_334, %dma_start3A_347] : memref<80x128xi32, #tpu.memory_space<vmem>> -> memref<1x128xi32, #tpu.memory_space<vmem>>
          %dma_start3A_349 = tpu.memref_squeeze %dma_start3A_348 : memref<1x128xi32, #tpu.memory_space<vmem>> -> memref<128xi32, #tpu.memory_space<vmem>>
          %dma_start3A_350 = arith.constant 0 : i32
          %dma_start3A_351 = arith.constant 0 : i32
          %dma_start3A_352 = tpu.memref_slice %arg2[%dma_start3A_350, %dma_start3A_351] : memref<20000x64xf32, #tpu.memory_space<hbm>> -> memref<20000x64xf32, #tpu.memory_space<hbm>>
          tpu.enqueue_indirect_dma source(%dma_start3A_352 : memref<20000x64xf32, #tpu.memory_space<hbm>>) target(%arg16 : memref<128x64xf32, #tpu.memory_space<vmem>>) offsets(%dma_start3A_349 : memref<128xi32, #tpu.memory_space<vmem>>) semaphore(%arg25 : memref<!tpu.dma_semaphore, #tpu.memory_space<semaphore_mem>>)
        } else {
        }
      }
      %scan3A_84 = arith.constant 10 : i32
      %dma_wait3A = arith.constant 0 : i32
      %dma_wait3A_85 = arith.constant 0 : i32
      %dma_wait3A_86 = tpu.memref_slice %arg8[%dma_wait3A, %dma_wait3A_85] : memref<80x128xi32, #tpu.memory_space<vmem>> -> memref<1x128xi32, #tpu.memory_space<vmem>>
      %dma_wait3A_87 = tpu.memref_squeeze %dma_wait3A_86 : memref<1x128xi32, #tpu.memory_space<vmem>> -> memref<128xi32, #tpu.memory_space<vmem>>
      %dma_wait3A_88 = arith.constant 0 : i32
      %dma_wait3A_89 = arith.constant 0 : i32
      %dma_wait3A_90 = tpu.memref_slice %arg17[%dma_wait3A_88, %dma_wait3A_89] : memref<10112x64xf32, #tpu.memory_space<vmem_shared>> -> memref<10112x64xf32, #tpu.memory_space<vmem_shared>>
      tpu.wait_indirect_dma semaphore(%arg26 : memref<!tpu.dma_semaphore, #tpu.memory_space<semaphore_mem>>) src(%arg9 : memref<128x64xf32, #tpu.memory_space<vmem>>) dst(%dma_wait3A_90 : memref<10112x64xf32, #tpu.memory_space<vmem_shared>>)
      %dma_wait3A_91 = arith.constant 1 : i32
      %dma_wait3A_92 = arith.constant 0 : i32
      %dma_wait3A_93 = tpu.memref_slice %arg8[%dma_wait3A_91, %dma_wait3A_92] : memref<80x128xi32, #tpu.memory_space<vmem>> -> memref<1x128xi32, #tpu.memory_space<vmem>>
      %dma_wait3A_94 = tpu.memref_squeeze %dma_wait3A_93 : memref<1x128xi32, #tpu.memory_space<vmem>> -> memref<128xi32, #tpu.memory_space<vmem>>
      %dma_wait3A_95 = arith.constant 0 : i32
      %dma_wait3A_96 = arith.constant 0 : i32
      %dma_wait3A_97 = tpu.memref_slice %arg17[%dma_wait3A_95, %dma_wait3A_96] : memref<10112x64xf32, #tpu.memory_space<vmem_shared>> -> memref<10112x64xf32, #tpu.memory_space<vmem_shared>>
      tpu.wait_indirect_dma semaphore(%arg27 : memref<!tpu.dma_semaphore, #tpu.memory_space<semaphore_mem>>) src(%arg10 : memref<128x64xf32, #tpu.memory_space<vmem>>) dst(%dma_wait3A_97 : memref<10112x64xf32, #tpu.memory_space<vmem_shared>>)
      %dma_wait3A_98 = arith.constant 2 : i32
      %dma_wait3A_99 = arith.constant 0 : i32
      %dma_wait3A_100 = tpu.memref_slice %arg8[%dma_wait3A_98, %dma_wait3A_99] : memref<80x128xi32, #tpu.memory_space<vmem>> -> memref<1x128xi32, #tpu.memory_space<vmem>>
      %dma_wait3A_101 = tpu.memref_squeeze %dma_wait3A_100 : memref<1x128xi32, #tpu.memory_space<vmem>> -> memref<128xi32, #tpu.memory_space<vmem>>
      %dma_wait3A_102 = arith.constant 0 : i32
      %dma_wait3A_103 = arith.constant 0 : i32
      %dma_wait3A_104 = tpu.memref_slice %arg17[%dma_wait3A_102, %dma_wait3A_103] : memref<10112x64xf32, #tpu.memory_space<vmem_shared>> -> memref<10112x64xf32, #tpu.memory_space<vmem_shared>>
      tpu.wait_indirect_dma semaphore(%arg28 : memref<!tpu.dma_semaphore, #tpu.memory_space<semaphore_mem>>) src(%arg11 : memref<128x64xf32, #tpu.memory_space<vmem>>) dst(%dma_wait3A_104 : memref<10112x64xf32, #tpu.memory_space<vmem_shared>>)
      %dma_wait3A_105 = arith.constant 3 : i32
      %dma_wait3A_106 = arith.constant 0 : i32
      %dma_wait3A_107 = tpu.memref_slice %arg8[%dma_wait3A_105, %dma_wait3A_106] : memref<80x128xi32, #tpu.memory_space<vmem>> -> memref<1x128xi32, #tpu.memory_space<vmem>>
      %dma_wait3A_108 = tpu.memref_squeeze %dma_wait3A_107 : memref<1x128xi32, #tpu.memory_space<vmem>> -> memref<128xi32, #tpu.memory_space<vmem>>
      %dma_wait3A_109 = arith.constant 0 : i32
      %dma_wait3A_110 = arith.constant 0 : i32
      %dma_wait3A_111 = tpu.memref_slice %arg17[%dma_wait3A_109, %dma_wait3A_110] : memref<10112x64xf32, #tpu.memory_space<vmem_shared>> -> memref<10112x64xf32, #tpu.memory_space<vmem_shared>>
      tpu.wait_indirect_dma semaphore(%arg29 : memref<!tpu.dma_semaphore, #tpu.memory_space<semaphore_mem>>) src(%arg12 : memref<128x64xf32, #tpu.memory_space<vmem>>) dst(%dma_wait3A_111 : memref<10112x64xf32, #tpu.memory_space<vmem_shared>>)
      %dma_wait3A_112 = arith.constant 4 : i32
      %dma_wait3A_113 = arith.constant 0 : i32
      %dma_wait3A_114 = tpu.memref_slice %arg8[%dma_wait3A_112, %dma_wait3A_113] : memref<80x128xi32, #tpu.memory_space<vmem>> -> memref<1x128xi32, #tpu.memory_space<vmem>>
      %dma_wait3A_115 = tpu.memref_squeeze %dma_wait3A_114 : memref<1x128xi32, #tpu.memory_space<vmem>> -> memref<128xi32, #tpu.memory_space<vmem>>
      %dma_wait3A_116 = arith.constant 0 : i32
      %dma_wait3A_117 = arith.constant 0 : i32
      %dma_wait3A_118 = tpu.memref_slice %arg17[%dma_wait3A_116, %dma_wait3A_117] : memref<10112x64xf32, #tpu.memory_space<vmem_shared>> -> memref<10112x64xf32, #tpu.memory_space<vmem_shared>>
      tpu.wait_indirect_dma semaphore(%arg30 : memref<!tpu.dma_semaphore, #tpu.memory_space<semaphore_mem>>) src(%arg13 : memref<128x64xf32, #tpu.memory_space<vmem>>) dst(%dma_wait3A_118 : memref<10112x64xf32, #tpu.memory_space<vmem_shared>>)
      %dma_wait3A_119 = arith.constant 5 : i32
      %dma_wait3A_120 = arith.constant 0 : i32
      %dma_wait3A_121 = tpu.memref_slice %arg8[%dma_wait3A_119, %dma_wait3A_120] : memref<80x128xi32, #tpu.memory_space<vmem>> -> memref<1x128xi32, #tpu.memory_space<vmem>>
      %dma_wait3A_122 = tpu.memref_squeeze %dma_wait3A_121 : memref<1x128xi32, #tpu.memory_space<vmem>> -> memref<128xi32, #tpu.memory_space<vmem>>
      %dma_wait3A_123 = arith.constant 0 : i32
      %dma_wait3A_124 = arith.constant 0 : i32
      %dma_wait3A_125 = tpu.memref_slice %arg17[%dma_wait3A_123, %dma_wait3A_124] : memref<10112x64xf32, #tpu.memory_space<vmem_shared>> -> memref<10112x64xf32, #tpu.memory_space<vmem_shared>>
      tpu.wait_indirect_dma semaphore(%arg31 : memref<!tpu.dma_semaphore, #tpu.memory_space<semaphore_mem>>) src(%arg14 : memref<128x64xf32, #tpu.memory_space<vmem>>) dst(%dma_wait3A_125 : memref<10112x64xf32, #tpu.memory_space<vmem_shared>>)
      %dma_wait3A_126 = arith.constant 6 : i32
      %dma_wait3A_127 = arith.constant 0 : i32
      %dma_wait3A_128 = tpu.memref_slice %arg8[%dma_wait3A_126, %dma_wait3A_127] : memref<80x128xi32, #tpu.memory_space<vmem>> -> memref<1x128xi32, #tpu.memory_space<vmem>>
      %dma_wait3A_129 = tpu.memref_squeeze %dma_wait3A_128 : memref<1x128xi32, #tpu.memory_space<vmem>> -> memref<128xi32, #tpu.memory_space<vmem>>
      %dma_wait3A_130 = arith.constant 0 : i32
      %dma_wait3A_131 = arith.constant 0 : i32
      %dma_wait3A_132 = tpu.memref_slice %arg17[%dma_wait3A_130, %dma_wait3A_131] : memref<10112x64xf32, #tpu.memory_space<vmem_shared>> -> memref<10112x64xf32, #tpu.memory_space<vmem_shared>>
      tpu.wait_indirect_dma semaphore(%arg32 : memref<!tpu.dma_semaphore, #tpu.memory_space<semaphore_mem>>) src(%arg15 : memref<128x64xf32, #tpu.memory_space<vmem>>) dst(%dma_wait3A_132 : memref<10112x64xf32, #tpu.memory_space<vmem_shared>>)
      %dma_wait3A_133 = arith.constant 7 : i32
      %dma_wait3A_134 = arith.constant 0 : i32
      %dma_wait3A_135 = tpu.memref_slice %arg8[%dma_wait3A_133, %dma_wait3A_134] : memref<80x128xi32, #tpu.memory_space<vmem>> -> memref<1x128xi32, #tpu.memory_space<vmem>>
      %dma_wait3A_136 = tpu.memref_squeeze %dma_wait3A_135 : memref<1x128xi32, #tpu.memory_space<vmem>> -> memref<128xi32, #tpu.memory_space<vmem>>
      %dma_wait3A_137 = arith.constant 0 : i32
      %dma_wait3A_138 = arith.constant 0 : i32
      %dma_wait3A_139 = tpu.memref_slice %arg17[%dma_wait3A_137, %dma_wait3A_138] : memref<10112x64xf32, #tpu.memory_space<vmem_shared>> -> memref<10112x64xf32, #tpu.memory_space<vmem_shared>>
      tpu.wait_indirect_dma semaphore(%arg33 : memref<!tpu.dma_semaphore, #tpu.memory_space<semaphore_mem>>) src(%arg16 : memref<128x64xf32, #tpu.memory_space<vmem>>) dst(%dma_wait3A_139 : memref<10112x64xf32, #tpu.memory_space<vmem_shared>>)
    }
    %scan3A_7 = arith.constant 2 : i32
    %barrier3A_8 = arith.constant 0 : index
    tpu.barrier barrier_id(%barrier3A_8)
    %mul3A_9 = arith.constant 632 : i32
    %mul3A_10 = arith.muli %arg1, %mul3A_9 : i32
    %mul3A_11 = arith.constant 10112 : i32
    %mul3A_12 = arith.muli %arg0, %mul3A_11 : i32
    %mul3A_13 = arith.constant 632 : i32
    %mul3A_14 = arith.muli %arg1, %mul3A_13 : i32
    %add3A = arith.addi %mul3A_12, %mul3A_14 : i32
    "tpu.region"() ({
      %run_scoped3A = tpu.sem_alloc : memref<!tpu.dma_semaphore, #tpu.memory_space<semaphore_mem>>
      %dma_start3A = arith.constant 0 : i32
      %dma_start3A_15 = tpu.memref_slice %arg6[%add3A, %dma_start3A] : memref<20224x64xf32, #tpu.memory_space<hbm>> -> memref<632x64xf32, #tpu.memory_space<hbm>>
      %dma_start3A_16 = arith.constant 0 : i32
      %dma_start3A_17 = tpu.memref_slice %arg17[%mul3A_10, %dma_start3A_16] : memref<10112x64xf32, #tpu.memory_space<vmem_shared>> -> memref<632x64xf32, #tpu.memory_space<vmem_shared>>
      tpu.enqueue_dma source(%dma_start3A_17 : memref<632x64xf32, #tpu.memory_space<vmem_shared>>) target(%dma_start3A_15 : memref<632x64xf32, #tpu.memory_space<hbm>>) target_semaphore(%run_scoped3A : memref<!tpu.dma_semaphore, #tpu.memory_space<semaphore_mem>>)
      %dma_wait3A = arith.constant 0 : i32
      %dma_wait3A_18 = tpu.memref_slice %arg6[%add3A, %dma_wait3A] : memref<20224x64xf32, #tpu.memory_space<hbm>> -> memref<632x64xf32, #tpu.memory_space<hbm>>
      %dma_wait3A_19 = arith.constant 0 : i32
      %dma_wait3A_20 = tpu.memref_slice %arg17[%mul3A_10, %dma_wait3A_19] : memref<10112x64xf32, #tpu.memory_space<vmem_shared>> -> memref<632x64xf32, #tpu.memory_space<vmem_shared>>
      tpu.wait_dma2 semaphore(%run_scoped3A : memref<!tpu.dma_semaphore, #tpu.memory_space<semaphore_mem>>) src(%dma_wait3A_20 : memref<632x64xf32, #tpu.memory_space<vmem_shared>>) dst(%dma_wait3A_18 : memref<632x64xf32, #tpu.memory_space<hbm>>)
      tpu.yield
    }) : () -> ()
    return
  }
}

#map = affine_map<(d0, d1) -> (0, 0)>
module attributes {stable_mosaic.version = 14 : i64} {
  func.func @segsum(%arg0: i32, %arg1: i32, %arg2: memref<20000x64xf32, #tpu.memory_space<hbm>>, %arg3: memref<5120x128xi32, #tpu.memory_space<hbm>>, %arg4: memref<2560x128xi32, #tpu.memory_space<hbm>>, %arg5: memref<10112x64xf32, #tpu.memory_space<hbm>>, %arg6: memref<20224x64xf32, #tpu.memory_space<hbm>>, %arg7: memref<80x128xi32, #tpu.memory_space<vmem>>, %arg8: memref<80x128xi32, #tpu.memory_space<vmem>>, %arg9: memref<128x64xf32, #tpu.memory_space<vmem>>, %arg10: memref<128x64xf32, #tpu.memory_space<vmem>>, %arg11: memref<128x64xf32, #tpu.memory_space<vmem>>, %arg12: memref<128x64xf32, #tpu.memory_space<vmem>>, %arg13: memref<128x64xf32, #tpu.memory_space<vmem>>, %arg14: memref<128x64xf32, #tpu.memory_space<vmem>>, %arg15: memref<128x64xf32, #tpu.memory_space<vmem>>, %arg16: memref<128x64xf32, #tpu.memory_space<vmem>>, %arg17: memref<10112x64xf32, #tpu.memory_space<vmem_shared>>, %arg18: memref<!tpu.dma_semaphore, #tpu.memory_space<semaphore_mem>>, %arg19: memref<!tpu.dma_semaphore, #tpu.memory_space<semaphore_mem>>, %arg20: memref<!tpu.dma_semaphore, #tpu.memory_space<semaphore_mem>>, %arg21: memref<!tpu.dma_semaphore, #tpu.memory_space<semaphore_mem>>, %arg22: memref<!tpu.dma_semaphore, #tpu.memory_space<semaphore_mem>>, %arg23: memref<!tpu.dma_semaphore, #tpu.memory_space<semaphore_mem>>, %arg24: memref<!tpu.dma_semaphore, #tpu.memory_space<semaphore_mem>>, %arg25: memref<!tpu.dma_semaphore, #tpu.memory_space<semaphore_mem>>, %arg26: memref<!tpu.dma_semaphore, #tpu.memory_space<semaphore_mem>>, %arg27: memref<!tpu.dma_semaphore, #tpu.memory_space<semaphore_mem>>, %arg28: memref<!tpu.dma_semaphore, #tpu.memory_space<semaphore_mem>>, %arg29: memref<!tpu.dma_semaphore, #tpu.memory_space<semaphore_mem>>, %arg30: memref<!tpu.dma_semaphore, #tpu.memory_space<semaphore_mem>>, %arg31: memref<!tpu.dma_semaphore, #tpu.memory_space<semaphore_mem>>, %arg32: memref<!tpu.dma_semaphore, #tpu.memory_space<semaphore_mem>>, %arg33: memref<!tpu.dma_semaphore, #tpu.memory_space<semaphore_mem>>) attributes {dimension_semantics = [#tpu.dimension_semantics<core_parallel>, #tpu.dimension_semantics<subcore_parallel>], iteration_bounds = array<i64: 2, 16>, scalar_prefetch = 0 : i64, scratch_operands = 27 : i64, tpu.core_type = #tpu.core_type<sc_vector_subcore>, window_params = [{transform_indices = #map}, {transform_indices = #map}, {transform_indices = #map}, {transform_indices = #map}, {transform_indices = #map}]} {
    %mul3A = arith.constant 632 : i32
    %mul3A_0 = arith.muli %arg1, %mul3A : i32
    %mul3A_1 = arith.constant 632 : i32
    %mul3A_2 = arith.muli %arg1, %mul3A_1 : i32
    "tpu.region"() ({
      %run_scoped3A = tpu.sem_alloc : memref<!tpu.dma_semaphore, #tpu.memory_space<semaphore_mem>>
      %dma_start3A = arith.constant 0 : i32
      %dma_start3A_15 = tpu.memref_slice %arg17[%mul3A_2, %dma_start3A] : memref<10112x64xf32, #tpu.memory_space<vmem_shared>> -> memref<632x64xf32, #tpu.memory_space<vmem_shared>>
      %dma_start3A_16 = arith.constant 0 : i32
      %dma_start3A_17 = tpu.memref_slice %arg5[%mul3A_0, %dma_start3A_16] : memref<10112x64xf32, #tpu.memory_space<hbm>> -> memref<632x64xf32, #tpu.memory_space<hbm>>
      tpu.enqueue_dma source(%dma_start3A_17 : memref<632x64xf32, #tpu.memory_space<hbm>>) target(%dma_start3A_15 : memref<632x64xf32, #tpu.memory_space<vmem_shared>>) target_semaphore(%run_scoped3A : memref<!tpu.dma_semaphore, #tpu.memory_space<semaphore_mem>>)
      %dma_wait3A = arith.constant 0 : i32
      %dma_wait3A_18 = tpu.memref_slice %arg17[%mul3A_2, %dma_wait3A] : memref<10112x64xf32, #tpu.memory_space<vmem_shared>> -> memref<632x64xf32, #tpu.memory_space<vmem_shared>>
      %dma_wait3A_19 = arith.constant 0 : i32
      %dma_wait3A_20 = tpu.memref_slice %arg5[%mul3A_0, %dma_wait3A_19] : memref<10112x64xf32, #tpu.memory_space<hbm>> -> memref<632x64xf32, #tpu.memory_space<hbm>>
      tpu.wait_dma2 semaphore(%run_scoped3A : memref<!tpu.dma_semaphore, #tpu.memory_space<semaphore_mem>>) src(%dma_wait3A_20 : memref<632x64xf32, #tpu.memory_space<hbm>>) dst(%dma_wait3A_18 : memref<632x64xf32, #tpu.memory_space<vmem_shared>>)
      tpu.yield
    }) : () -> ()
    %barrier3A = arith.constant 0 : index
    tpu.barrier barrier_id(%barrier3A)
    %scan3A = arith.constant 0 : i32
    %scan3A_3 = arith.constant 0 : i32
    %scan3A_4 = arith.constant 2 : i32
    %scan3A_5 = arith.addi %scan3A_3, %scan3A_4 : i32
    %scan3A_6 = arith.constant 1 : i32
    scf.for %scan3A_15 = %scan3A_3 to %scan3A_5 step %scan3A_6  : i32 {
      %mul3A_16 = arith.constant 160 : i32
      %mul3A_17 = arith.muli %arg1, %mul3A_16 : i32
      %mul3A_18 = arith.constant 80 : i32
      %mul3A_19 = arith.muli %scan3A_15, %mul3A_18 : i32
      %add3A_20 = arith.addi %mul3A_17, %mul3A_19 : i32
      %mul3A_21 = arith.constant 2560 : i32
      %mul3A_22 = arith.muli %arg0, %mul3A_21 : i32
      %add3A_23 = arith.addi %mul3A_22, %add3A_20 : i32
      "tpu.region"() ({
        %run_scoped3A = tpu.sem_alloc : memref<!tpu.dma_semaphore, #tpu.memory_space<semaphore_mem>>
        %dma_start3A_140 = arith.constant 0 : i32
        %dma_start3A_141 = tpu.memref_slice %arg3[%add3A_23, %dma_start3A_140] : memref<5120x128xi32, #tpu.memory_space<hbm>> -> memref<80x128xi32, #tpu.memory_space<hbm>>
        %dma_start3A_142 = arith.constant 0 : i32
        %dma_start3A_143 = tpu.memref_slice %arg3[%add3A_23, %dma_start3A_142] : memref<5120x128xi32, #tpu.memory_space<hbm>> -> memref<80x128xi32, #tpu.memory_space<hbm>>
        tpu.enqueue_dma source(%dma_start3A_143 : memref<80x128xi32, #tpu.memory_space<hbm>>) target(%arg7 : memref<80x128xi32, #tpu.memory_space<vmem>>) target_semaphore(%run_scoped3A : memref<!tpu.dma_semaphore, #tpu.memory_space<semaphore_mem>>)
        %dma_wait3A_144 = arith.constant 0 : i32
        %dma_wait3A_145 = tpu.memref_slice %arg3[%add3A_23, %dma_wait3A_144] : memref<5120x128xi32, #tpu.memory_space<hbm>> -> memref<80x128xi32, #tpu.memory_space<hbm>>
        %dma_wait3A_146 = arith.constant 0 : i32
        %dma_wait3A_147 = tpu.memref_slice %arg3[%add3A_23, %dma_wait3A_146] : memref<5120x128xi32, #tpu.memory_space<hbm>> -> memref<80x128xi32, #tpu.memory_space<hbm>>
        tpu.wait_dma2 semaphore(%run_scoped3A : memref<!tpu.dma_semaphore, #tpu.memory_space<semaphore_mem>>) src(%dma_wait3A_147 : memref<80x128xi32, #tpu.memory_space<hbm>>) dst(%arg7 : memref<80x128xi32, #tpu.memory_space<vmem>>)
        tpu.yield
      }) : () -> ()
      "tpu.region"() ({
        %run_scoped3A = tpu.sem_alloc : memref<!tpu.dma_semaphore, #tpu.memory_space<semaphore_mem>>
        %dma_start3A_140 = arith.constant 0 : i32
        %dma_start3A_141 = tpu.memref_slice %arg4[%add3A_20, %dma_start3A_140] : memref<2560x128xi32, #tpu.memory_space<hbm>> -> memref<80x128xi32, #tpu.memory_space<hbm>>
        %dma_start3A_142 = arith.constant 0 : i32
        %dma_start3A_143 = tpu.memref_slice %arg4[%add3A_20, %dma_start3A_142] : memref<2560x128xi32, #tpu.memory_space<hbm>> -> memref<80x128xi32, #tpu.memory_space<hbm>>
        tpu.enqueue_dma source(%dma_start3A_143 : memref<80x128xi32, #tpu.memory_space<hbm>>) target(%arg8 : memref<80x128xi32, #tpu.memory_space<vmem>>) target_semaphore(%run_scoped3A : memref<!tpu.dma_semaphore, #tpu.memory_space<semaphore_mem>>)
        %dma_wait3A_144 = arith.constant 0 : i32
        %dma_wait3A_145 = tpu.memref_slice %arg4[%add3A_20, %dma_wait3A_144] : memref<2560x128xi32, #tpu.memory_space<hbm>> -> memref<80x128xi32, #tpu.memory_space<hbm>>
        %dma_wait3A_146 = arith.constant 0 : i32
        %dma_wait3A_147 = tpu.memref_slice %arg4[%add3A_20, %dma_wait3A_146] : memref<2560x128xi32, #tpu.memory_space<hbm>> -> memref<80x128xi32, #tpu.memory_space<hbm>>
        tpu.wait_dma2 semaphore(%run_scoped3A : memref<!tpu.dma_semaphore, #tpu.memory_space<semaphore_mem>>) src(%dma_wait3A_147 : memref<80x128xi32, #tpu.memory_space<hbm>>) dst(%arg8 : memref<80x128xi32, #tpu.memory_space<vmem>>)
        tpu.yield
      }) : () -> ()
      %dma_start3A = arith.constant 0 : i32
      %dma_start3A_24 = arith.constant 0 : i32
      %dma_start3A_25 = tpu.memref_slice %arg7[%dma_start3A, %dma_start3A_24] : memref<80x128xi32, #tpu.memory_space<vmem>> -> memref<1x128xi32, #tpu.memory_space<vmem>>
      %dma_start3A_26 = tpu.memref_squeeze %dma_start3A_25 : memref<1x128xi32, #tpu.memory_space<vmem>> -> memref<128xi32, #tpu.memory_space<vmem>>
      %dma_start3A_27 = arith.constant 0 : i32
      %dma_start3A_28 = arith.constant 0 : i32
      %dma_start3A_29 = tpu.memref_slice %arg2[%dma_start3A_27, %dma_start3A_28] : memref<20000x64xf32, #tpu.memory_space<hbm>> -> memref<20000x64xf32, #tpu.memory_space<hbm>>
      tpu.enqueue_indirect_dma source(%dma_start3A_29 : memref<20000x64xf32, #tpu.memory_space<hbm>>) target(%arg9 : memref<128x64xf32, #tpu.memory_space<vmem>>) offsets(%dma_start3A_26 : memref<128xi32, #tpu.memory_space<vmem>>) semaphore(%arg18 : memref<!tpu.dma_semaphore, #tpu.memory_space<semaphore_mem>>)
      %dma_start3A_30 = arith.constant 1 : i32
      %dma_start3A_31 = arith.constant 0 : i32
      %dma_start3A_32 = tpu.memref_slice %arg7[%dma_start3A_30, %dma_start3A_31] : memref<80x128xi32, #tpu.memory_space<vmem>> -> memref<1x128xi32, #tpu.memory_space<vmem>>
      %dma_start3A_33 = tpu.memref_squeeze %dma_start3A_32 : memref<1x128xi32, #tpu.memory_space<vmem>> -> memref<128xi32, #tpu.memory_space<vmem>>
      %dma_start3A_34 = arith.constant 0 : i32
      %dma_start3A_35 = arith.constant 0 : i32
      %dma_start3A_36 = tpu.memref_slice %arg2[%dma_start3A_34, %dma_start3A_35] : memref<20000x64xf32, #tpu.memory_space<hbm>> -> memref<20000x64xf32, #tpu.memory_space<hbm>>
      tpu.enqueue_indirect_dma source(%dma_start3A_36 : memref<20000x64xf32, #tpu.memory_space<hbm>>) target(%arg10 : memref<128x64xf32, #tpu.memory_space<vmem>>) offsets(%dma_start3A_33 : memref<128xi32, #tpu.memory_space<vmem>>) semaphore(%arg19 : memref<!tpu.dma_semaphore, #tpu.memory_space<semaphore_mem>>)
      %dma_start3A_37 = arith.constant 2 : i32
      %dma_start3A_38 = arith.constant 0 : i32
      %dma_start3A_39 = tpu.memref_slice %arg7[%dma_start3A_37, %dma_start3A_38] : memref<80x128xi32, #tpu.memory_space<vmem>> -> memref<1x128xi32, #tpu.memory_space<vmem>>
      %dma_start3A_40 = tpu.memref_squeeze %dma_start3A_39 : memref<1x128xi32, #tpu.memory_space<vmem>> -> memref<128xi32, #tpu.memory_space<vmem>>
      %dma_start3A_41 = arith.constant 0 : i32
      %dma_start3A_42 = arith.constant 0 : i32
      %dma_start3A_43 = tpu.memref_slice %arg2[%dma_start3A_41, %dma_start3A_42] : memref<20000x64xf32, #tpu.memory_space<hbm>> -> memref<20000x64xf32, #tpu.memory_space<hbm>>
      tpu.enqueue_indirect_dma source(%dma_start3A_43 : memref<20000x64xf32, #tpu.memory_space<hbm>>) target(%arg11 : memref<128x64xf32, #tpu.memory_space<vmem>>) offsets(%dma_start3A_40 : memref<128xi32, #tpu.memory_space<vmem>>) semaphore(%arg20 : memref<!tpu.dma_semaphore, #tpu.memory_space<semaphore_mem>>)
      %dma_start3A_44 = arith.constant 3 : i32
      %dma_start3A_45 = arith.constant 0 : i32
      %dma_start3A_46 = tpu.memref_slice %arg7[%dma_start3A_44, %dma_start3A_45] : memref<80x128xi32, #tpu.memory_space<vmem>> -> memref<1x128xi32, #tpu.memory_space<vmem>>
      %dma_start3A_47 = tpu.memref_squeeze %dma_start3A_46 : memref<1x128xi32, #tpu.memory_space<vmem>> -> memref<128xi32, #tpu.memory_space<vmem>>
      %dma_start3A_48 = arith.constant 0 : i32
      %dma_start3A_49 = arith.constant 0 : i32
      %dma_start3A_50 = tpu.memref_slice %arg2[%dma_start3A_48, %dma_start3A_49] : memref<20000x64xf32, #tpu.memory_space<hbm>> -> memref<20000x64xf32, #tpu.memory_space<hbm>>
      tpu.enqueue_indirect_dma source(%dma_start3A_50 : memref<20000x64xf32, #tpu.memory_space<hbm>>) target(%arg12 : memref<128x64xf32, #tpu.memory_space<vmem>>) offsets(%dma_start3A_47 : memref<128xi32, #tpu.memory_space<vmem>>) semaphore(%arg21 : memref<!tpu.dma_semaphore, #tpu.memory_space<semaphore_mem>>)
      %dma_start3A_51 = arith.constant 4 : i32
      %dma_start3A_52 = arith.constant 0 : i32
      %dma_start3A_53 = tpu.memref_slice %arg7[%dma_start3A_51, %dma_start3A_52] : memref<80x128xi32, #tpu.memory_space<vmem>> -> memref<1x128xi32, #tpu.memory_space<vmem>>
      %dma_start3A_54 = tpu.memref_squeeze %dma_start3A_53 : memref<1x128xi32, #tpu.memory_space<vmem>> -> memref<128xi32, #tpu.memory_space<vmem>>
      %dma_start3A_55 = arith.constant 0 : i32
      %dma_start3A_56 = arith.constant 0 : i32
      %dma_start3A_57 = tpu.memref_slice %arg2[%dma_start3A_55, %dma_start3A_56] : memref<20000x64xf32, #tpu.memory_space<hbm>> -> memref<20000x64xf32, #tpu.memory_space<hbm>>
      tpu.enqueue_indirect_dma source(%dma_start3A_57 : memref<20000x64xf32, #tpu.memory_space<hbm>>) target(%arg13 : memref<128x64xf32, #tpu.memory_space<vmem>>) offsets(%dma_start3A_54 : memref<128xi32, #tpu.memory_space<vmem>>) semaphore(%arg22 : memref<!tpu.dma_semaphore, #tpu.memory_space<semaphore_mem>>)
      %dma_start3A_58 = arith.constant 5 : i32
      %dma_start3A_59 = arith.constant 0 : i32
      %dma_start3A_60 = tpu.memref_slice %arg7[%dma_start3A_58, %dma_start3A_59] : memref<80x128xi32, #tpu.memory_space<vmem>> -> memref<1x128xi32, #tpu.memory_space<vmem>>
      %dma_start3A_61 = tpu.memref_squeeze %dma_start3A_60 : memref<1x128xi32, #tpu.memory_space<vmem>> -> memref<128xi32, #tpu.memory_space<vmem>>
      %dma_start3A_62 = arith.constant 0 : i32
      %dma_start3A_63 = arith.constant 0 : i32
      %dma_start3A_64 = tpu.memref_slice %arg2[%dma_start3A_62, %dma_start3A_63] : memref<20000x64xf32, #tpu.memory_space<hbm>> -> memref<20000x64xf32, #tpu.memory_space<hbm>>
      tpu.enqueue_indirect_dma source(%dma_start3A_64 : memref<20000x64xf32, #tpu.memory_space<hbm>>) target(%arg14 : memref<128x64xf32, #tpu.memory_space<vmem>>) offsets(%dma_start3A_61 : memref<128xi32, #tpu.memory_space<vmem>>) semaphore(%arg23 : memref<!tpu.dma_semaphore, #tpu.memory_space<semaphore_mem>>)
      %dma_start3A_65 = arith.constant 6 : i32
      %dma_start3A_66 = arith.constant 0 : i32
      %dma_start3A_67 = tpu.memref_slice %arg7[%dma_start3A_65, %dma_start3A_66] : memref<80x128xi32, #tpu.memory_space<vmem>> -> memref<1x128xi32, #tpu.memory_space<vmem>>
      %dma_start3A_68 = tpu.memref_squeeze %dma_start3A_67 : memref<1x128xi32, #tpu.memory_space<vmem>> -> memref<128xi32, #tpu.memory_space<vmem>>
      %dma_start3A_69 = arith.constant 0 : i32
      %dma_start3A_70 = arith.constant 0 : i32
      %dma_start3A_71 = tpu.memref_slice %arg2[%dma_start3A_69, %dma_start3A_70] : memref<20000x64xf32, #tpu.memory_space<hbm>> -> memref<20000x64xf32, #tpu.memory_space<hbm>>
      tpu.enqueue_indirect_dma source(%dma_start3A_71 : memref<20000x64xf32, #tpu.memory_space<hbm>>) target(%arg15 : memref<128x64xf32, #tpu.memory_space<vmem>>) offsets(%dma_start3A_68 : memref<128xi32, #tpu.memory_space<vmem>>) semaphore(%arg24 : memref<!tpu.dma_semaphore, #tpu.memory_space<semaphore_mem>>)
      %dma_start3A_72 = arith.constant 7 : i32
      %dma_start3A_73 = arith.constant 0 : i32
      %dma_start3A_74 = tpu.memref_slice %arg7[%dma_start3A_72, %dma_start3A_73] : memref<80x128xi32, #tpu.memory_space<vmem>> -> memref<1x128xi32, #tpu.memory_space<vmem>>
      %dma_start3A_75 = tpu.memref_squeeze %dma_start3A_74 : memref<1x128xi32, #tpu.memory_space<vmem>> -> memref<128xi32, #tpu.memory_space<vmem>>
      %dma_start3A_76 = arith.constant 0 : i32
      %dma_start3A_77 = arith.constant 0 : i32
      %dma_start3A_78 = tpu.memref_slice %arg2[%dma_start3A_76, %dma_start3A_77] : memref<20000x64xf32, #tpu.memory_space<hbm>> -> memref<20000x64xf32, #tpu.memory_space<hbm>>
      tpu.enqueue_indirect_dma source(%dma_start3A_78 : memref<20000x64xf32, #tpu.memory_space<hbm>>) target(%arg16 : memref<128x64xf32, #tpu.memory_space<vmem>>) offsets(%dma_start3A_75 : memref<128xi32, #tpu.memory_space<vmem>>) semaphore(%arg25 : memref<!tpu.dma_semaphore, #tpu.memory_space<semaphore_mem>>)
      %scan3A_79 = arith.constant 0 : i32
      %scan3A_80 = arith.constant 0 : i32
      %scan3A_81 = arith.constant 10 : i32
      %scan3A_82 = arith.addi %scan3A_80, %scan3A_81 : i32
      %scan3A_83 = arith.constant 1 : i32
      scf.for %scan3A_140 = %scan3A_80 to %scan3A_82 step %scan3A_83  : i32 {
        %mul3A_141 = arith.constant 8 : i32
        %mul3A_142 = arith.muli %mul3A_141, %scan3A_140 : i32
        %add3A_143 = arith.constant 0 : i32
        %add3A_144 = arith.addi %mul3A_142, %add3A_143 : i32
        %dma_wait3A_145 = arith.constant 0 : i32
        %dma_wait3A_146 = tpu.memref_slice %arg7[%add3A_144, %dma_wait3A_145] : memref<80x128xi32, #tpu.memory_space<vmem>> -> memref<1x128xi32, #tpu.memory_space<vmem>>
        %dma_wait3A_147 = tpu.memref_squeeze %dma_wait3A_146 : memref<1x128xi32, #tpu.memory_space<vmem>> -> memref<128xi32, #tpu.memory_space<vmem>>
        %dma_wait3A_148 = arith.constant 0 : i32
        %dma_wait3A_149 = arith.constant 0 : i32
        %dma_wait3A_150 = tpu.memref_slice %arg2[%dma_wait3A_148, %dma_wait3A_149] : memref<20000x64xf32, #tpu.memory_space<hbm>> -> memref<20000x64xf32, #tpu.memory_space<hbm>>
        tpu.wait_indirect_dma semaphore(%arg18 : memref<!tpu.dma_semaphore, #tpu.memory_space<semaphore_mem>>) src(%dma_wait3A_150 : memref<20000x64xf32, #tpu.memory_space<hbm>>) dst(%arg9 : memref<128x64xf32, #tpu.memory_space<vmem>>)
        %add3A_151 = arith.constant 0 : i32
        %add3A_152 = arith.addi %mul3A_142, %add3A_151 : i32
        %dma_start3A_153 = arith.constant 0 : i32
        %dma_start3A_154 = tpu.memref_slice %arg8[%add3A_152, %dma_start3A_153] : memref<80x128xi32, #tpu.memory_space<vmem>> -> memref<1x128xi32, #tpu.memory_space<vmem>>
        %dma_start3A_155 = tpu.memref_squeeze %dma_start3A_154 : memref<1x128xi32, #tpu.memory_space<vmem>> -> memref<128xi32, #tpu.memory_space<vmem>>
        %dma_start3A_156 = arith.constant 0 : i32
        %dma_start3A_157 = arith.constant 0 : i32
        %dma_start3A_158 = tpu.memref_slice %arg17[%dma_start3A_156, %dma_start3A_157] : memref<10112x64xf32, #tpu.memory_space<vmem_shared>> -> memref<10112x64xf32, #tpu.memory_space<vmem_shared>>
        tpu.enqueue_indirect_dma source(%arg9 : memref<128x64xf32, #tpu.memory_space<vmem>>) target(%dma_start3A_158 : memref<10112x64xf32, #tpu.memory_space<vmem_shared>>) offsets(%dma_start3A_155 : memref<128xi32, #tpu.memory_space<vmem>>) semaphore(%arg26 : memref<!tpu.dma_semaphore, #tpu.memory_space<semaphore_mem>>) {add = true}
        %add3A_159 = arith.constant 1 : i32
        %add3A_160 = arith.addi %mul3A_142, %add3A_159 : i32
        %dma_wait3A_161 = arith.constant 0 : i32
        %dma_wait3A_162 = tpu.memref_slice %arg7[%add3A_160, %dma_wait3A_161] : memref<80x128xi32, #tpu.memory_space<vmem>> -> memref<1x128xi32, #tpu.memory_space<vmem>>
        %dma_wait3A_163 = tpu.memref_squeeze %dma_wait3A_162 : memref<1x128xi32, #tpu.memory_space<vmem>> -> memref<128xi32, #tpu.memory_space<vmem>>
        %dma_wait3A_164 = arith.constant 0 : i32
        %dma_wait3A_165 = arith.constant 0 : i32
        %dma_wait3A_166 = tpu.memref_slice %arg2[%dma_wait3A_164, %dma_wait3A_165] : memref<20000x64xf32, #tpu.memory_space<hbm>> -> memref<20000x64xf32, #tpu.memory_space<hbm>>
        tpu.wait_indirect_dma semaphore(%arg19 : memref<!tpu.dma_semaphore, #tpu.memory_space<semaphore_mem>>) src(%dma_wait3A_166 : memref<20000x64xf32, #tpu.memory_space<hbm>>) dst(%arg10 : memref<128x64xf32, #tpu.memory_space<vmem>>)
        %add3A_167 = arith.constant 1 : i32
        %add3A_168 = arith.addi %mul3A_142, %add3A_167 : i32
        %dma_start3A_169 = arith.constant 0 : i32
        %dma_start3A_170 = tpu.memref_slice %arg8[%add3A_168, %dma_start3A_169] : memref<80x128xi32, #tpu.memory_space<vmem>> -> memref<1x128xi32, #tpu.memory_space<vmem>>
        %dma_start3A_171 = tpu.memref_squeeze %dma_start3A_170 : memref<1x128xi32, #tpu.memory_space<vmem>> -> memref<128xi32, #tpu.memory_space<vmem>>
        %dma_start3A_172 = arith.constant 0 : i32
        %dma_start3A_173 = arith.constant 0 : i32
        %dma_start3A_174 = tpu.memref_slice %arg17[%dma_start3A_172, %dma_start3A_173] : memref<10112x64xf32, #tpu.memory_space<vmem_shared>> -> memref<10112x64xf32, #tpu.memory_space<vmem_shared>>
        tpu.enqueue_indirect_dma source(%arg10 : memref<128x64xf32, #tpu.memory_space<vmem>>) target(%dma_start3A_174 : memref<10112x64xf32, #tpu.memory_space<vmem_shared>>) offsets(%dma_start3A_171 : memref<128xi32, #tpu.memory_space<vmem>>) semaphore(%arg27 : memref<!tpu.dma_semaphore, #tpu.memory_space<semaphore_mem>>) {add = true}
        %add3A_175 = arith.constant 2 : i32
        %add3A_176 = arith.addi %mul3A_142, %add3A_175 : i32
        %dma_wait3A_177 = arith.constant 0 : i32
        %dma_wait3A_178 = tpu.memref_slice %arg7[%add3A_176, %dma_wait3A_177] : memref<80x128xi32, #tpu.memory_space<vmem>> -> memref<1x128xi32, #tpu.memory_space<vmem>>
        %dma_wait3A_179 = tpu.memref_squeeze %dma_wait3A_178 : memref<1x128xi32, #tpu.memory_space<vmem>> -> memref<128xi32, #tpu.memory_space<vmem>>
        %dma_wait3A_180 = arith.constant 0 : i32
        %dma_wait3A_181 = arith.constant 0 : i32
        %dma_wait3A_182 = tpu.memref_slice %arg2[%dma_wait3A_180, %dma_wait3A_181] : memref<20000x64xf32, #tpu.memory_space<hbm>> -> memref<20000x64xf32, #tpu.memory_space<hbm>>
        tpu.wait_indirect_dma semaphore(%arg20 : memref<!tpu.dma_semaphore, #tpu.memory_space<semaphore_mem>>) src(%dma_wait3A_182 : memref<20000x64xf32, #tpu.memory_space<hbm>>) dst(%arg11 : memref<128x64xf32, #tpu.memory_space<vmem>>)
        %add3A_183 = arith.constant 2 : i32
        %add3A_184 = arith.addi %mul3A_142, %add3A_183 : i32
        %dma_start3A_185 = arith.constant 0 : i32
        %dma_start3A_186 = tpu.memref_slice %arg8[%add3A_184, %dma_start3A_185] : memref<80x128xi32, #tpu.memory_space<vmem>> -> memref<1x128xi32, #tpu.memory_space<vmem>>
        %dma_start3A_187 = tpu.memref_squeeze %dma_start3A_186 : memref<1x128xi32, #tpu.memory_space<vmem>> -> memref<128xi32, #tpu.memory_space<vmem>>
        %dma_start3A_188 = arith.constant 0 : i32
        %dma_start3A_189 = arith.constant 0 : i32
        %dma_start3A_190 = tpu.memref_slice %arg17[%dma_start3A_188, %dma_start3A_189] : memref<10112x64xf32, #tpu.memory_space<vmem_shared>> -> memref<10112x64xf32, #tpu.memory_space<vmem_shared>>
        tpu.enqueue_indirect_dma source(%arg11 : memref<128x64xf32, #tpu.memory_space<vmem>>) target(%dma_start3A_190 : memref<10112x64xf32, #tpu.memory_space<vmem_shared>>) offsets(%dma_start3A_187 : memref<128xi32, #tpu.memory_space<vmem>>) semaphore(%arg28 : memref<!tpu.dma_semaphore, #tpu.memory_space<semaphore_mem>>) {add = true}
        %add3A_191 = arith.constant 3 : i32
        %add3A_192 = arith.addi %mul3A_142, %add3A_191 : i32
        %dma_wait3A_193 = arith.constant 0 : i32
        %dma_wait3A_194 = tpu.memref_slice %arg7[%add3A_192, %dma_wait3A_193] : memref<80x128xi32, #tpu.memory_space<vmem>> -> memref<1x128xi32, #tpu.memory_space<vmem>>
        %dma_wait3A_195 = tpu.memref_squeeze %dma_wait3A_194 : memref<1x128xi32, #tpu.memory_space<vmem>> -> memref<128xi32, #tpu.memory_space<vmem>>
        %dma_wait3A_196 = arith.constant 0 : i32
        %dma_wait3A_197 = arith.constant 0 : i32
        %dma_wait3A_198 = tpu.memref_slice %arg2[%dma_wait3A_196, %dma_wait3A_197] : memref<20000x64xf32, #tpu.memory_space<hbm>> -> memref<20000x64xf32, #tpu.memory_space<hbm>>
        tpu.wait_indirect_dma semaphore(%arg21 : memref<!tpu.dma_semaphore, #tpu.memory_space<semaphore_mem>>) src(%dma_wait3A_198 : memref<20000x64xf32, #tpu.memory_space<hbm>>) dst(%arg12 : memref<128x64xf32, #tpu.memory_space<vmem>>)
        %add3A_199 = arith.constant 3 : i32
        %add3A_200 = arith.addi %mul3A_142, %add3A_199 : i32
        %dma_start3A_201 = arith.constant 0 : i32
        %dma_start3A_202 = tpu.memref_slice %arg8[%add3A_200, %dma_start3A_201] : memref<80x128xi32, #tpu.memory_space<vmem>> -> memref<1x128xi32, #tpu.memory_space<vmem>>
        %dma_start3A_203 = tpu.memref_squeeze %dma_start3A_202 : memref<1x128xi32, #tpu.memory_space<vmem>> -> memref<128xi32, #tpu.memory_space<vmem>>
        %dma_start3A_204 = arith.constant 0 : i32
        %dma_start3A_205 = arith.constant 0 : i32
        %dma_start3A_206 = tpu.memref_slice %arg17[%dma_start3A_204, %dma_start3A_205] : memref<10112x64xf32, #tpu.memory_space<vmem_shared>> -> memref<10112x64xf32, #tpu.memory_space<vmem_shared>>
        tpu.enqueue_indirect_dma source(%arg12 : memref<128x64xf32, #tpu.memory_space<vmem>>) target(%dma_start3A_206 : memref<10112x64xf32, #tpu.memory_space<vmem_shared>>) offsets(%dma_start3A_203 : memref<128xi32, #tpu.memory_space<vmem>>) semaphore(%arg29 : memref<!tpu.dma_semaphore, #tpu.memory_space<semaphore_mem>>) {add = true}
        %add3A_207 = arith.constant 4 : i32
        %add3A_208 = arith.addi %mul3A_142, %add3A_207 : i32
        %dma_wait3A_209 = arith.constant 0 : i32
        %dma_wait3A_210 = tpu.memref_slice %arg7[%add3A_208, %dma_wait3A_209] : memref<80x128xi32, #tpu.memory_space<vmem>> -> memref<1x128xi32, #tpu.memory_space<vmem>>
        %dma_wait3A_211 = tpu.memref_squeeze %dma_wait3A_210 : memref<1x128xi32, #tpu.memory_space<vmem>> -> memref<128xi32, #tpu.memory_space<vmem>>
        %dma_wait3A_212 = arith.constant 0 : i32
        %dma_wait3A_213 = arith.constant 0 : i32
        %dma_wait3A_214 = tpu.memref_slice %arg2[%dma_wait3A_212, %dma_wait3A_213] : memref<20000x64xf32, #tpu.memory_space<hbm>> -> memref<20000x64xf32, #tpu.memory_space<hbm>>
        tpu.wait_indirect_dma semaphore(%arg22 : memref<!tpu.dma_semaphore, #tpu.memory_space<semaphore_mem>>) src(%dma_wait3A_214 : memref<20000x64xf32, #tpu.memory_space<hbm>>) dst(%arg13 : memref<128x64xf32, #tpu.memory_space<vmem>>)
        %add3A_215 = arith.constant 4 : i32
        %add3A_216 = arith.addi %mul3A_142, %add3A_215 : i32
        %dma_start3A_217 = arith.constant 0 : i32
        %dma_start3A_218 = tpu.memref_slice %arg8[%add3A_216, %dma_start3A_217] : memref<80x128xi32, #tpu.memory_space<vmem>> -> memref<1x128xi32, #tpu.memory_space<vmem>>
        %dma_start3A_219 = tpu.memref_squeeze %dma_start3A_218 : memref<1x128xi32, #tpu.memory_space<vmem>> -> memref<128xi32, #tpu.memory_space<vmem>>
        %dma_start3A_220 = arith.constant 0 : i32
        %dma_start3A_221 = arith.constant 0 : i32
        %dma_start3A_222 = tpu.memref_slice %arg17[%dma_start3A_220, %dma_start3A_221] : memref<10112x64xf32, #tpu.memory_space<vmem_shared>> -> memref<10112x64xf32, #tpu.memory_space<vmem_shared>>
        tpu.enqueue_indirect_dma source(%arg13 : memref<128x64xf32, #tpu.memory_space<vmem>>) target(%dma_start3A_222 : memref<10112x64xf32, #tpu.memory_space<vmem_shared>>) offsets(%dma_start3A_219 : memref<128xi32, #tpu.memory_space<vmem>>) semaphore(%arg30 : memref<!tpu.dma_semaphore, #tpu.memory_space<semaphore_mem>>) {add = true}
        %add3A_223 = arith.constant 5 : i32
        %add3A_224 = arith.addi %mul3A_142, %add3A_223 : i32
        %dma_wait3A_225 = arith.constant 0 : i32
        %dma_wait3A_226 = tpu.memref_slice %arg7[%add3A_224, %dma_wait3A_225] : memref<80x128xi32, #tpu.memory_space<vmem>> -> memref<1x128xi32, #tpu.memory_space<vmem>>
        %dma_wait3A_227 = tpu.memref_squeeze %dma_wait3A_226 : memref<1x128xi32, #tpu.memory_space<vmem>> -> memref<128xi32, #tpu.memory_space<vmem>>
        %dma_wait3A_228 = arith.constant 0 : i32
        %dma_wait3A_229 = arith.constant 0 : i32
        %dma_wait3A_230 = tpu.memref_slice %arg2[%dma_wait3A_228, %dma_wait3A_229] : memref<20000x64xf32, #tpu.memory_space<hbm>> -> memref<20000x64xf32, #tpu.memory_space<hbm>>
        tpu.wait_indirect_dma semaphore(%arg23 : memref<!tpu.dma_semaphore, #tpu.memory_space<semaphore_mem>>) src(%dma_wait3A_230 : memref<20000x64xf32, #tpu.memory_space<hbm>>) dst(%arg14 : memref<128x64xf32, #tpu.memory_space<vmem>>)
        %add3A_231 = arith.constant 5 : i32
        %add3A_232 = arith.addi %mul3A_142, %add3A_231 : i32
        %dma_start3A_233 = arith.constant 0 : i32
        %dma_start3A_234 = tpu.memref_slice %arg8[%add3A_232, %dma_start3A_233] : memref<80x128xi32, #tpu.memory_space<vmem>> -> memref<1x128xi32, #tpu.memory_space<vmem>>
        %dma_start3A_235 = tpu.memref_squeeze %dma_start3A_234 : memref<1x128xi32, #tpu.memory_space<vmem>> -> memref<128xi32, #tpu.memory_space<vmem>>
        %dma_start3A_236 = arith.constant 0 : i32
        %dma_start3A_237 = arith.constant 0 : i32
        %dma_start3A_238 = tpu.memref_slice %arg17[%dma_start3A_236, %dma_start3A_237] : memref<10112x64xf32, #tpu.memory_space<vmem_shared>> -> memref<10112x64xf32, #tpu.memory_space<vmem_shared>>
        tpu.enqueue_indirect_dma source(%arg14 : memref<128x64xf32, #tpu.memory_space<vmem>>) target(%dma_start3A_238 : memref<10112x64xf32, #tpu.memory_space<vmem_shared>>) offsets(%dma_start3A_235 : memref<128xi32, #tpu.memory_space<vmem>>) semaphore(%arg31 : memref<!tpu.dma_semaphore, #tpu.memory_space<semaphore_mem>>) {add = true}
        %add3A_239 = arith.constant 6 : i32
        %add3A_240 = arith.addi %mul3A_142, %add3A_239 : i32
        %dma_wait3A_241 = arith.constant 0 : i32
        %dma_wait3A_242 = tpu.memref_slice %arg7[%add3A_240, %dma_wait3A_241] : memref<80x128xi32, #tpu.memory_space<vmem>> -> memref<1x128xi32, #tpu.memory_space<vmem>>
        %dma_wait3A_243 = tpu.memref_squeeze %dma_wait3A_242 : memref<1x128xi32, #tpu.memory_space<vmem>> -> memref<128xi32, #tpu.memory_space<vmem>>
        %dma_wait3A_244 = arith.constant 0 : i32
        %dma_wait3A_245 = arith.constant 0 : i32
        %dma_wait3A_246 = tpu.memref_slice %arg2[%dma_wait3A_244, %dma_wait3A_245] : memref<20000x64xf32, #tpu.memory_space<hbm>> -> memref<20000x64xf32, #tpu.memory_space<hbm>>
        tpu.wait_indirect_dma semaphore(%arg24 : memref<!tpu.dma_semaphore, #tpu.memory_space<semaphore_mem>>) src(%dma_wait3A_246 : memref<20000x64xf32, #tpu.memory_space<hbm>>) dst(%arg15 : memref<128x64xf32, #tpu.memory_space<vmem>>)
        %add3A_247 = arith.constant 6 : i32
        %add3A_248 = arith.addi %mul3A_142, %add3A_247 : i32
        %dma_start3A_249 = arith.constant 0 : i32
        %dma_start3A_250 = tpu.memref_slice %arg8[%add3A_248, %dma_start3A_249] : memref<80x128xi32, #tpu.memory_space<vmem>> -> memref<1x128xi32, #tpu.memory_space<vmem>>
        %dma_start3A_251 = tpu.memref_squeeze %dma_start3A_250 : memref<1x128xi32, #tpu.memory_space<vmem>> -> memref<128xi32, #tpu.memory_space<vmem>>
        %dma_start3A_252 = arith.constant 0 : i32
        %dma_start3A_253 = arith.constant 0 : i32
        %dma_start3A_254 = tpu.memref_slice %arg17[%dma_start3A_252, %dma_start3A_253] : memref<10112x64xf32, #tpu.memory_space<vmem_shared>> -> memref<10112x64xf32, #tpu.memory_space<vmem_shared>>
        tpu.enqueue_indirect_dma source(%arg15 : memref<128x64xf32, #tpu.memory_space<vmem>>) target(%dma_start3A_254 : memref<10112x64xf32, #tpu.memory_space<vmem_shared>>) offsets(%dma_start3A_251 : memref<128xi32, #tpu.memory_space<vmem>>) semaphore(%arg32 : memref<!tpu.dma_semaphore, #tpu.memory_space<semaphore_mem>>) {add = true}
        %add3A_255 = arith.constant 7 : i32
        %add3A_256 = arith.addi %mul3A_142, %add3A_255 : i32
        %dma_wait3A_257 = arith.constant 0 : i32
        %dma_wait3A_258 = tpu.memref_slice %arg7[%add3A_256, %dma_wait3A_257] : memref<80x128xi32, #tpu.memory_space<vmem>> -> memref<1x128xi32, #tpu.memory_space<vmem>>
        %dma_wait3A_259 = tpu.memref_squeeze %dma_wait3A_258 : memref<1x128xi32, #tpu.memory_space<vmem>> -> memref<128xi32, #tpu.memory_space<vmem>>
        %dma_wait3A_260 = arith.constant 0 : i32
        %dma_wait3A_261 = arith.constant 0 : i32
        %dma_wait3A_262 = tpu.memref_slice %arg2[%dma_wait3A_260, %dma_wait3A_261] : memref<20000x64xf32, #tpu.memory_space<hbm>> -> memref<20000x64xf32, #tpu.memory_space<hbm>>
        tpu.wait_indirect_dma semaphore(%arg25 : memref<!tpu.dma_semaphore, #tpu.memory_space<semaphore_mem>>) src(%dma_wait3A_262 : memref<20000x64xf32, #tpu.memory_space<hbm>>) dst(%arg16 : memref<128x64xf32, #tpu.memory_space<vmem>>)
        %add3A_263 = arith.constant 7 : i32
        %add3A_264 = arith.addi %mul3A_142, %add3A_263 : i32
        %dma_start3A_265 = arith.constant 0 : i32
        %dma_start3A_266 = tpu.memref_slice %arg8[%add3A_264, %dma_start3A_265] : memref<80x128xi32, #tpu.memory_space<vmem>> -> memref<1x128xi32, #tpu.memory_space<vmem>>
        %dma_start3A_267 = tpu.memref_squeeze %dma_start3A_266 : memref<1x128xi32, #tpu.memory_space<vmem>> -> memref<128xi32, #tpu.memory_space<vmem>>
        %dma_start3A_268 = arith.constant 0 : i32
        %dma_start3A_269 = arith.constant 0 : i32
        %dma_start3A_270 = tpu.memref_slice %arg17[%dma_start3A_268, %dma_start3A_269] : memref<10112x64xf32, #tpu.memory_space<vmem_shared>> -> memref<10112x64xf32, #tpu.memory_space<vmem_shared>>
        tpu.enqueue_indirect_dma source(%arg16 : memref<128x64xf32, #tpu.memory_space<vmem>>) target(%dma_start3A_270 : memref<10112x64xf32, #tpu.memory_space<vmem_shared>>) offsets(%dma_start3A_267 : memref<128xi32, #tpu.memory_space<vmem>>) semaphore(%arg33 : memref<!tpu.dma_semaphore, #tpu.memory_space<semaphore_mem>>) {add = true}
        %add3A_271 = arith.constant 0 : i32
        %add3A_272 = arith.addi %mul3A_142, %add3A_271 : i32
        %add3A_273 = arith.constant 8 : i32
        %add3A_274 = arith.addi %add3A_272, %add3A_273 : i32
        %lt3A = arith.constant 80 : i32
        %lt3A_275 = arith.cmpi slt, %add3A_274, %lt3A : i32
        %convert_element_type3A = arith.extui %lt3A_275 : i1 to i32
        %cond3A = arith.constant 0 : i32
        %cond3A_276 = arith.cmpi ne, %convert_element_type3A, %cond3A : i32
        scf.if %cond3A_276 {
          %dma_wait3A_340 = arith.constant 0 : i32
          %dma_wait3A_341 = arith.constant 0 : i32
          %dma_wait3A_342 = tpu.memref_slice %arg8[%dma_wait3A_340, %dma_wait3A_341] : memref<80x128xi32, #tpu.memory_space<vmem>> -> memref<1x128xi32, #tpu.memory_space<vmem>>
          %dma_wait3A_343 = tpu.memref_squeeze %dma_wait3A_342 : memref<1x128xi32, #tpu.memory_space<vmem>> -> memref<128xi32, #tpu.memory_space<vmem>>
          %dma_wait3A_344 = arith.constant 0 : i32
          %dma_wait3A_345 = arith.constant 0 : i32
          %dma_wait3A_346 = tpu.memref_slice %arg17[%dma_wait3A_344, %dma_wait3A_345] : memref<10112x64xf32, #tpu.memory_space<vmem_shared>> -> memref<10112x64xf32, #tpu.memory_space<vmem_shared>>
          tpu.wait_indirect_dma semaphore(%arg26 : memref<!tpu.dma_semaphore, #tpu.memory_space<semaphore_mem>>) src(%arg9 : memref<128x64xf32, #tpu.memory_space<vmem>>) dst(%dma_wait3A_346 : memref<10112x64xf32, #tpu.memory_space<vmem_shared>>)
          %dma_start3A_347 = arith.constant 0 : i32
          %dma_start3A_348 = tpu.memref_slice %arg7[%add3A_274, %dma_start3A_347] : memref<80x128xi32, #tpu.memory_space<vmem>> -> memref<1x128xi32, #tpu.memory_space<vmem>>
          %dma_start3A_349 = tpu.memref_squeeze %dma_start3A_348 : memref<1x128xi32, #tpu.memory_space<vmem>> -> memref<128xi32, #tpu.memory_space<vmem>>
          %dma_start3A_350 = arith.constant 0 : i32
          %dma_start3A_351 = arith.constant 0 : i32
          %dma_start3A_352 = tpu.memref_slice %arg2[%dma_start3A_350, %dma_start3A_351] : memref<20000x64xf32, #tpu.memory_space<hbm>> -> memref<20000x64xf32, #tpu.memory_space<hbm>>
          tpu.enqueue_indirect_dma source(%dma_start3A_352 : memref<20000x64xf32, #tpu.memory_space<hbm>>) target(%arg9 : memref<128x64xf32, #tpu.memory_space<vmem>>) offsets(%dma_start3A_349 : memref<128xi32, #tpu.memory_space<vmem>>) semaphore(%arg18 : memref<!tpu.dma_semaphore, #tpu.memory_space<semaphore_mem>>)
        } else {
        }
        %add3A_277 = arith.constant 1 : i32
        %add3A_278 = arith.addi %mul3A_142, %add3A_277 : i32
        %add3A_279 = arith.constant 8 : i32
        %add3A_280 = arith.addi %add3A_278, %add3A_279 : i32
        %lt3A_281 = arith.constant 80 : i32
        %lt3A_282 = arith.cmpi slt, %add3A_280, %lt3A_281 : i32
        %convert_element_type3A_283 = arith.extui %lt3A_282 : i1 to i32
        %cond3A_284 = arith.constant 0 : i32
        %cond3A_285 = arith.cmpi ne, %convert_element_type3A_283, %cond3A_284 : i32
        scf.if %cond3A_285 {
          %dma_wait3A_340 = arith.constant 1 : i32
          %dma_wait3A_341 = arith.constant 0 : i32
          %dma_wait3A_342 = tpu.memref_slice %arg8[%dma_wait3A_340, %dma_wait3A_341] : memref<80x128xi32, #tpu.memory_space<vmem>> -> memref<1x128xi32, #tpu.memory_space<vmem>>
          %dma_wait3A_343 = tpu.memref_squeeze %dma_wait3A_342 : memref<1x128xi32, #tpu.memory_space<vmem>> -> memref<128xi32, #tpu.memory_space<vmem>>
          %dma_wait3A_344 = arith.constant 0 : i32
          %dma_wait3A_345 = arith.constant 0 : i32
          %dma_wait3A_346 = tpu.memref_slice %arg17[%dma_wait3A_344, %dma_wait3A_345] : memref<10112x64xf32, #tpu.memory_space<vmem_shared>> -> memref<10112x64xf32, #tpu.memory_space<vmem_shared>>
          tpu.wait_indirect_dma semaphore(%arg27 : memref<!tpu.dma_semaphore, #tpu.memory_space<semaphore_mem>>) src(%arg10 : memref<128x64xf32, #tpu.memory_space<vmem>>) dst(%dma_wait3A_346 : memref<10112x64xf32, #tpu.memory_space<vmem_shared>>)
          %dma_start3A_347 = arith.constant 0 : i32
          %dma_start3A_348 = tpu.memref_slice %arg7[%add3A_280, %dma_start3A_347] : memref<80x128xi32, #tpu.memory_space<vmem>> -> memref<1x128xi32, #tpu.memory_space<vmem>>
          %dma_start3A_349 = tpu.memref_squeeze %dma_start3A_348 : memref<1x128xi32, #tpu.memory_space<vmem>> -> memref<128xi32, #tpu.memory_space<vmem>>
          %dma_start3A_350 = arith.constant 0 : i32
          %dma_start3A_351 = arith.constant 0 : i32
          %dma_start3A_352 = tpu.memref_slice %arg2[%dma_start3A_350, %dma_start3A_351] : memref<20000x64xf32, #tpu.memory_space<hbm>> -> memref<20000x64xf32, #tpu.memory_space<hbm>>
          tpu.enqueue_indirect_dma source(%dma_start3A_352 : memref<20000x64xf32, #tpu.memory_space<hbm>>) target(%arg10 : memref<128x64xf32, #tpu.memory_space<vmem>>) offsets(%dma_start3A_349 : memref<128xi32, #tpu.memory_space<vmem>>) semaphore(%arg19 : memref<!tpu.dma_semaphore, #tpu.memory_space<semaphore_mem>>)
        } else {
        }
        %add3A_286 = arith.constant 2 : i32
        %add3A_287 = arith.addi %mul3A_142, %add3A_286 : i32
        %add3A_288 = arith.constant 8 : i32
        %add3A_289 = arith.addi %add3A_287, %add3A_288 : i32
        %lt3A_290 = arith.constant 80 : i32
        %lt3A_291 = arith.cmpi slt, %add3A_289, %lt3A_290 : i32
        %convert_element_type3A_292 = arith.extui %lt3A_291 : i1 to i32
        %cond3A_293 = arith.constant 0 : i32
        %cond3A_294 = arith.cmpi ne, %convert_element_type3A_292, %cond3A_293 : i32
        scf.if %cond3A_294 {
          %dma_wait3A_340 = arith.constant 2 : i32
          %dma_wait3A_341 = arith.constant 0 : i32
          %dma_wait3A_342 = tpu.memref_slice %arg8[%dma_wait3A_340, %dma_wait3A_341] : memref<80x128xi32, #tpu.memory_space<vmem>> -> memref<1x128xi32, #tpu.memory_space<vmem>>
          %dma_wait3A_343 = tpu.memref_squeeze %dma_wait3A_342 : memref<1x128xi32, #tpu.memory_space<vmem>> -> memref<128xi32, #tpu.memory_space<vmem>>
          %dma_wait3A_344 = arith.constant 0 : i32
          %dma_wait3A_345 = arith.constant 0 : i32
          %dma_wait3A_346 = tpu.memref_slice %arg17[%dma_wait3A_344, %dma_wait3A_345] : memref<10112x64xf32, #tpu.memory_space<vmem_shared>> -> memref<10112x64xf32, #tpu.memory_space<vmem_shared>>
          tpu.wait_indirect_dma semaphore(%arg28 : memref<!tpu.dma_semaphore, #tpu.memory_space<semaphore_mem>>) src(%arg11 : memref<128x64xf32, #tpu.memory_space<vmem>>) dst(%dma_wait3A_346 : memref<10112x64xf32, #tpu.memory_space<vmem_shared>>)
          %dma_start3A_347 = arith.constant 0 : i32
          %dma_start3A_348 = tpu.memref_slice %arg7[%add3A_289, %dma_start3A_347] : memref<80x128xi32, #tpu.memory_space<vmem>> -> memref<1x128xi32, #tpu.memory_space<vmem>>
          %dma_start3A_349 = tpu.memref_squeeze %dma_start3A_348 : memref<1x128xi32, #tpu.memory_space<vmem>> -> memref<128xi32, #tpu.memory_space<vmem>>
          %dma_start3A_350 = arith.constant 0 : i32
          %dma_start3A_351 = arith.constant 0 : i32
          %dma_start3A_352 = tpu.memref_slice %arg2[%dma_start3A_350, %dma_start3A_351] : memref<20000x64xf32, #tpu.memory_space<hbm>> -> memref<20000x64xf32, #tpu.memory_space<hbm>>
          tpu.enqueue_indirect_dma source(%dma_start3A_352 : memref<20000x64xf32, #tpu.memory_space<hbm>>) target(%arg11 : memref<128x64xf32, #tpu.memory_space<vmem>>) offsets(%dma_start3A_349 : memref<128xi32, #tpu.memory_space<vmem>>) semaphore(%arg20 : memref<!tpu.dma_semaphore, #tpu.memory_space<semaphore_mem>>)
        } else {
        }
        %add3A_295 = arith.constant 3 : i32
        %add3A_296 = arith.addi %mul3A_142, %add3A_295 : i32
        %add3A_297 = arith.constant 8 : i32
        %add3A_298 = arith.addi %add3A_296, %add3A_297 : i32
        %lt3A_299 = arith.constant 80 : i32
        %lt3A_300 = arith.cmpi slt, %add3A_298, %lt3A_299 : i32
        %convert_element_type3A_301 = arith.extui %lt3A_300 : i1 to i32
        %cond3A_302 = arith.constant 0 : i32
        %cond3A_303 = arith.cmpi ne, %convert_element_type3A_301, %cond3A_302 : i32
        scf.if %cond3A_303 {
          %dma_wait3A_340 = arith.constant 3 : i32
          %dma_wait3A_341 = arith.constant 0 : i32
          %dma_wait3A_342 = tpu.memref_slice %arg8[%dma_wait3A_340, %dma_wait3A_341] : memref<80x128xi32, #tpu.memory_space<vmem>> -> memref<1x128xi32, #tpu.memory_space<vmem>>
          %dma_wait3A_343 = tpu.memref_squeeze %dma_wait3A_342 : memref<1x128xi32, #tpu.memory_space<vmem>> -> memref<128xi32, #tpu.memory_space<vmem>>
          %dma_wait3A_344 = arith.constant 0 : i32
          %dma_wait3A_345 = arith.constant 0 : i32
          %dma_wait3A_346 = tpu.memref_slice %arg17[%dma_wait3A_344, %dma_wait3A_345] : memref<10112x64xf32, #tpu.memory_space<vmem_shared>> -> memref<10112x64xf32, #tpu.memory_space<vmem_shared>>
          tpu.wait_indirect_dma semaphore(%arg29 : memref<!tpu.dma_semaphore, #tpu.memory_space<semaphore_mem>>) src(%arg12 : memref<128x64xf32, #tpu.memory_space<vmem>>) dst(%dma_wait3A_346 : memref<10112x64xf32, #tpu.memory_space<vmem_shared>>)
          %dma_start3A_347 = arith.constant 0 : i32
          %dma_start3A_348 = tpu.memref_slice %arg7[%add3A_298, %dma_start3A_347] : memref<80x128xi32, #tpu.memory_space<vmem>> -> memref<1x128xi32, #tpu.memory_space<vmem>>
          %dma_start3A_349 = tpu.memref_squeeze %dma_start3A_348 : memref<1x128xi32, #tpu.memory_space<vmem>> -> memref<128xi32, #tpu.memory_space<vmem>>
          %dma_start3A_350 = arith.constant 0 : i32
          %dma_start3A_351 = arith.constant 0 : i32
          %dma_start3A_352 = tpu.memref_slice %arg2[%dma_start3A_350, %dma_start3A_351] : memref<20000x64xf32, #tpu.memory_space<hbm>> -> memref<20000x64xf32, #tpu.memory_space<hbm>>
          tpu.enqueue_indirect_dma source(%dma_start3A_352 : memref<20000x64xf32, #tpu.memory_space<hbm>>) target(%arg12 : memref<128x64xf32, #tpu.memory_space<vmem>>) offsets(%dma_start3A_349 : memref<128xi32, #tpu.memory_space<vmem>>) semaphore(%arg21 : memref<!tpu.dma_semaphore, #tpu.memory_space<semaphore_mem>>)
        } else {
        }
        %add3A_304 = arith.constant 4 : i32
        %add3A_305 = arith.addi %mul3A_142, %add3A_304 : i32
        %add3A_306 = arith.constant 8 : i32
        %add3A_307 = arith.addi %add3A_305, %add3A_306 : i32
        %lt3A_308 = arith.constant 80 : i32
        %lt3A_309 = arith.cmpi slt, %add3A_307, %lt3A_308 : i32
        %convert_element_type3A_310 = arith.extui %lt3A_309 : i1 to i32
        %cond3A_311 = arith.constant 0 : i32
        %cond3A_312 = arith.cmpi ne, %convert_element_type3A_310, %cond3A_311 : i32
        scf.if %cond3A_312 {
          %dma_wait3A_340 = arith.constant 4 : i32
          %dma_wait3A_341 = arith.constant 0 : i32
          %dma_wait3A_342 = tpu.memref_slice %arg8[%dma_wait3A_340, %dma_wait3A_341] : memref<80x128xi32, #tpu.memory_space<vmem>> -> memref<1x128xi32, #tpu.memory_space<vmem>>
          %dma_wait3A_343 = tpu.memref_squeeze %dma_wait3A_342 : memref<1x128xi32, #tpu.memory_space<vmem>> -> memref<128xi32, #tpu.memory_space<vmem>>
          %dma_wait3A_344 = arith.constant 0 : i32
          %dma_wait3A_345 = arith.constant 0 : i32
          %dma_wait3A_346 = tpu.memref_slice %arg17[%dma_wait3A_344, %dma_wait3A_345] : memref<10112x64xf32, #tpu.memory_space<vmem_shared>> -> memref<10112x64xf32, #tpu.memory_space<vmem_shared>>
          tpu.wait_indirect_dma semaphore(%arg30 : memref<!tpu.dma_semaphore, #tpu.memory_space<semaphore_mem>>) src(%arg13 : memref<128x64xf32, #tpu.memory_space<vmem>>) dst(%dma_wait3A_346 : memref<10112x64xf32, #tpu.memory_space<vmem_shared>>)
          %dma_start3A_347 = arith.constant 0 : i32
          %dma_start3A_348 = tpu.memref_slice %arg7[%add3A_307, %dma_start3A_347] : memref<80x128xi32, #tpu.memory_space<vmem>> -> memref<1x128xi32, #tpu.memory_space<vmem>>
          %dma_start3A_349 = tpu.memref_squeeze %dma_start3A_348 : memref<1x128xi32, #tpu.memory_space<vmem>> -> memref<128xi32, #tpu.memory_space<vmem>>
          %dma_start3A_350 = arith.constant 0 : i32
          %dma_start3A_351 = arith.constant 0 : i32
          %dma_start3A_352 = tpu.memref_slice %arg2[%dma_start3A_350, %dma_start3A_351] : memref<20000x64xf32, #tpu.memory_space<hbm>> -> memref<20000x64xf32, #tpu.memory_space<hbm>>
          tpu.enqueue_indirect_dma source(%dma_start3A_352 : memref<20000x64xf32, #tpu.memory_space<hbm>>) target(%arg13 : memref<128x64xf32, #tpu.memory_space<vmem>>) offsets(%dma_start3A_349 : memref<128xi32, #tpu.memory_space<vmem>>) semaphore(%arg22 : memref<!tpu.dma_semaphore, #tpu.memory_space<semaphore_mem>>)
        } else {
        }
        %add3A_313 = arith.constant 5 : i32
        %add3A_314 = arith.addi %mul3A_142, %add3A_313 : i32
        %add3A_315 = arith.constant 8 : i32
        %add3A_316 = arith.addi %add3A_314, %add3A_315 : i32
        %lt3A_317 = arith.constant 80 : i32
        %lt3A_318 = arith.cmpi slt, %add3A_316, %lt3A_317 : i32
        %convert_element_type3A_319 = arith.extui %lt3A_318 : i1 to i32
        %cond3A_320 = arith.constant 0 : i32
        %cond3A_321 = arith.cmpi ne, %convert_element_type3A_319, %cond3A_320 : i32
        scf.if %cond3A_321 {
          %dma_wait3A_340 = arith.constant 5 : i32
          %dma_wait3A_341 = arith.constant 0 : i32
          %dma_wait3A_342 = tpu.memref_slice %arg8[%dma_wait3A_340, %dma_wait3A_341] : memref<80x128xi32, #tpu.memory_space<vmem>> -> memref<1x128xi32, #tpu.memory_space<vmem>>
          %dma_wait3A_343 = tpu.memref_squeeze %dma_wait3A_342 : memref<1x128xi32, #tpu.memory_space<vmem>> -> memref<128xi32, #tpu.memory_space<vmem>>
          %dma_wait3A_344 = arith.constant 0 : i32
          %dma_wait3A_345 = arith.constant 0 : i32
          %dma_wait3A_346 = tpu.memref_slice %arg17[%dma_wait3A_344, %dma_wait3A_345] : memref<10112x64xf32, #tpu.memory_space<vmem_shared>> -> memref<10112x64xf32, #tpu.memory_space<vmem_shared>>
          tpu.wait_indirect_dma semaphore(%arg31 : memref<!tpu.dma_semaphore, #tpu.memory_space<semaphore_mem>>) src(%arg14 : memref<128x64xf32, #tpu.memory_space<vmem>>) dst(%dma_wait3A_346 : memref<10112x64xf32, #tpu.memory_space<vmem_shared>>)
          %dma_start3A_347 = arith.constant 0 : i32
          %dma_start3A_348 = tpu.memref_slice %arg7[%add3A_316, %dma_start3A_347] : memref<80x128xi32, #tpu.memory_space<vmem>> -> memref<1x128xi32, #tpu.memory_space<vmem>>
          %dma_start3A_349 = tpu.memref_squeeze %dma_start3A_348 : memref<1x128xi32, #tpu.memory_space<vmem>> -> memref<128xi32, #tpu.memory_space<vmem>>
          %dma_start3A_350 = arith.constant 0 : i32
          %dma_start3A_351 = arith.constant 0 : i32
          %dma_start3A_352 = tpu.memref_slice %arg2[%dma_start3A_350, %dma_start3A_351] : memref<20000x64xf32, #tpu.memory_space<hbm>> -> memref<20000x64xf32, #tpu.memory_space<hbm>>
          tpu.enqueue_indirect_dma source(%dma_start3A_352 : memref<20000x64xf32, #tpu.memory_space<hbm>>) target(%arg14 : memref<128x64xf32, #tpu.memory_space<vmem>>) offsets(%dma_start3A_349 : memref<128xi32, #tpu.memory_space<vmem>>) semaphore(%arg23 : memref<!tpu.dma_semaphore, #tpu.memory_space<semaphore_mem>>)
        } else {
        }
        %add3A_322 = arith.constant 6 : i32
        %add3A_323 = arith.addi %mul3A_142, %add3A_322 : i32
        %add3A_324 = arith.constant 8 : i32
        %add3A_325 = arith.addi %add3A_323, %add3A_324 : i32
        %lt3A_326 = arith.constant 80 : i32
        %lt3A_327 = arith.cmpi slt, %add3A_325, %lt3A_326 : i32
        %convert_element_type3A_328 = arith.extui %lt3A_327 : i1 to i32
        %cond3A_329 = arith.constant 0 : i32
        %cond3A_330 = arith.cmpi ne, %convert_element_type3A_328, %cond3A_329 : i32
        scf.if %cond3A_330 {
          %dma_wait3A_340 = arith.constant 6 : i32
          %dma_wait3A_341 = arith.constant 0 : i32
          %dma_wait3A_342 = tpu.memref_slice %arg8[%dma_wait3A_340, %dma_wait3A_341] : memref<80x128xi32, #tpu.memory_space<vmem>> -> memref<1x128xi32, #tpu.memory_space<vmem>>
          %dma_wait3A_343 = tpu.memref_squeeze %dma_wait3A_342 : memref<1x128xi32, #tpu.memory_space<vmem>> -> memref<128xi32, #tpu.memory_space<vmem>>
          %dma_wait3A_344 = arith.constant 0 : i32
          %dma_wait3A_345 = arith.constant 0 : i32
          %dma_wait3A_346 = tpu.memref_slice %arg17[%dma_wait3A_344, %dma_wait3A_345] : memref<10112x64xf32, #tpu.memory_space<vmem_shared>> -> memref<10112x64xf32, #tpu.memory_space<vmem_shared>>
          tpu.wait_indirect_dma semaphore(%arg32 : memref<!tpu.dma_semaphore, #tpu.memory_space<semaphore_mem>>) src(%arg15 : memref<128x64xf32, #tpu.memory_space<vmem>>) dst(%dma_wait3A_346 : memref<10112x64xf32, #tpu.memory_space<vmem_shared>>)
          %dma_start3A_347 = arith.constant 0 : i32
          %dma_start3A_348 = tpu.memref_slice %arg7[%add3A_325, %dma_start3A_347] : memref<80x128xi32, #tpu.memory_space<vmem>> -> memref<1x128xi32, #tpu.memory_space<vmem>>
          %dma_start3A_349 = tpu.memref_squeeze %dma_start3A_348 : memref<1x128xi32, #tpu.memory_space<vmem>> -> memref<128xi32, #tpu.memory_space<vmem>>
          %dma_start3A_350 = arith.constant 0 : i32
          %dma_start3A_351 = arith.constant 0 : i32
          %dma_start3A_352 = tpu.memref_slice %arg2[%dma_start3A_350, %dma_start3A_351] : memref<20000x64xf32, #tpu.memory_space<hbm>> -> memref<20000x64xf32, #tpu.memory_space<hbm>>
          tpu.enqueue_indirect_dma source(%dma_start3A_352 : memref<20000x64xf32, #tpu.memory_space<hbm>>) target(%arg15 : memref<128x64xf32, #tpu.memory_space<vmem>>) offsets(%dma_start3A_349 : memref<128xi32, #tpu.memory_space<vmem>>) semaphore(%arg24 : memref<!tpu.dma_semaphore, #tpu.memory_space<semaphore_mem>>)
        } else {
        }
        %add3A_331 = arith.constant 7 : i32
        %add3A_332 = arith.addi %mul3A_142, %add3A_331 : i32
        %add3A_333 = arith.constant 8 : i32
        %add3A_334 = arith.addi %add3A_332, %add3A_333 : i32
        %lt3A_335 = arith.constant 80 : i32
        %lt3A_336 = arith.cmpi slt, %add3A_334, %lt3A_335 : i32
        %convert_element_type3A_337 = arith.extui %lt3A_336 : i1 to i32
        %cond3A_338 = arith.constant 0 : i32
        %cond3A_339 = arith.cmpi ne, %convert_element_type3A_337, %cond3A_338 : i32
        scf.if %cond3A_339 {
          %dma_wait3A_340 = arith.constant 7 : i32
          %dma_wait3A_341 = arith.constant 0 : i32
          %dma_wait3A_342 = tpu.memref_slice %arg8[%dma_wait3A_340, %dma_wait3A_341] : memref<80x128xi32, #tpu.memory_space<vmem>> -> memref<1x128xi32, #tpu.memory_space<vmem>>
          %dma_wait3A_343 = tpu.memref_squeeze %dma_wait3A_342 : memref<1x128xi32, #tpu.memory_space<vmem>> -> memref<128xi32, #tpu.memory_space<vmem>>
          %dma_wait3A_344 = arith.constant 0 : i32
          %dma_wait3A_345 = arith.constant 0 : i32
          %dma_wait3A_346 = tpu.memref_slice %arg17[%dma_wait3A_344, %dma_wait3A_345] : memref<10112x64xf32, #tpu.memory_space<vmem_shared>> -> memref<10112x64xf32, #tpu.memory_space<vmem_shared>>
          tpu.wait_indirect_dma semaphore(%arg33 : memref<!tpu.dma_semaphore, #tpu.memory_space<semaphore_mem>>) src(%arg16 : memref<128x64xf32, #tpu.memory_space<vmem>>) dst(%dma_wait3A_346 : memref<10112x64xf32, #tpu.memory_space<vmem_shared>>)
          %dma_start3A_347 = arith.constant 0 : i32
          %dma_start3A_348 = tpu.memref_slice %arg7[%add3A_334, %dma_start3A_347] : memref<80x128xi32, #tpu.memory_space<vmem>> -> memref<1x128xi32, #tpu.memory_space<vmem>>
          %dma_start3A_349 = tpu.memref_squeeze %dma_start3A_348 : memref<1x128xi32, #tpu.memory_space<vmem>> -> memref<128xi32, #tpu.memory_space<vmem>>
          %dma_start3A_350 = arith.constant 0 : i32
          %dma_start3A_351 = arith.constant 0 : i32
          %dma_start3A_352 = tpu.memref_slice %arg2[%dma_start3A_350, %dma_start3A_351] : memref<20000x64xf32, #tpu.memory_space<hbm>> -> memref<20000x64xf32, #tpu.memory_space<hbm>>
          tpu.enqueue_indirect_dma source(%dma_start3A_352 : memref<20000x64xf32, #tpu.memory_space<hbm>>) target(%arg16 : memref<128x64xf32, #tpu.memory_space<vmem>>) offsets(%dma_start3A_349 : memref<128xi32, #tpu.memory_space<vmem>>) semaphore(%arg25 : memref<!tpu.dma_semaphore, #tpu.memory_space<semaphore_mem>>)
        } else {
        }
      }
      %scan3A_84 = arith.constant 10 : i32
      %dma_wait3A = arith.constant 0 : i32
      %dma_wait3A_85 = arith.constant 0 : i32
      %dma_wait3A_86 = tpu.memref_slice %arg8[%dma_wait3A, %dma_wait3A_85] : memref<80x128xi32, #tpu.memory_space<vmem>> -> memref<1x128xi32, #tpu.memory_space<vmem>>
      %dma_wait3A_87 = tpu.memref_squeeze %dma_wait3A_86 : memref<1x128xi32, #tpu.memory_space<vmem>> -> memref<128xi32, #tpu.memory_space<vmem>>
      %dma_wait3A_88 = arith.constant 0 : i32
      %dma_wait3A_89 = arith.constant 0 : i32
      %dma_wait3A_90 = tpu.memref_slice %arg17[%dma_wait3A_88, %dma_wait3A_89] : memref<10112x64xf32, #tpu.memory_space<vmem_shared>> -> memref<10112x64xf32, #tpu.memory_space<vmem_shared>>
      tpu.wait_indirect_dma semaphore(%arg26 : memref<!tpu.dma_semaphore, #tpu.memory_space<semaphore_mem>>) src(%arg9 : memref<128x64xf32, #tpu.memory_space<vmem>>) dst(%dma_wait3A_90 : memref<10112x64xf32, #tpu.memory_space<vmem_shared>>)
      %dma_wait3A_91 = arith.constant 1 : i32
      %dma_wait3A_92 = arith.constant 0 : i32
      %dma_wait3A_93 = tpu.memref_slice %arg8[%dma_wait3A_91, %dma_wait3A_92] : memref<80x128xi32, #tpu.memory_space<vmem>> -> memref<1x128xi32, #tpu.memory_space<vmem>>
      %dma_wait3A_94 = tpu.memref_squeeze %dma_wait3A_93 : memref<1x128xi32, #tpu.memory_space<vmem>> -> memref<128xi32, #tpu.memory_space<vmem>>
      %dma_wait3A_95 = arith.constant 0 : i32
      %dma_wait3A_96 = arith.constant 0 : i32
      %dma_wait3A_97 = tpu.memref_slice %arg17[%dma_wait3A_95, %dma_wait3A_96] : memref<10112x64xf32, #tpu.memory_space<vmem_shared>> -> memref<10112x64xf32, #tpu.memory_space<vmem_shared>>
      tpu.wait_indirect_dma semaphore(%arg27 : memref<!tpu.dma_semaphore, #tpu.memory_space<semaphore_mem>>) src(%arg10 : memref<128x64xf32, #tpu.memory_space<vmem>>) dst(%dma_wait3A_97 : memref<10112x64xf32, #tpu.memory_space<vmem_shared>>)
      %dma_wait3A_98 = arith.constant 2 : i32
      %dma_wait3A_99 = arith.constant 0 : i32
      %dma_wait3A_100 = tpu.memref_slice %arg8[%dma_wait3A_98, %dma_wait3A_99] : memref<80x128xi32, #tpu.memory_space<vmem>> -> memref<1x128xi32, #tpu.memory_space<vmem>>
      %dma_wait3A_101 = tpu.memref_squeeze %dma_wait3A_100 : memref<1x128xi32, #tpu.memory_space<vmem>> -> memref<128xi32, #tpu.memory_space<vmem>>
      %dma_wait3A_102 = arith.constant 0 : i32
      %dma_wait3A_103 = arith.constant 0 : i32
      %dma_wait3A_104 = tpu.memref_slice %arg17[%dma_wait3A_102, %dma_wait3A_103] : memref<10112x64xf32, #tpu.memory_space<vmem_shared>> -> memref<10112x64xf32, #tpu.memory_space<vmem_shared>>
      tpu.wait_indirect_dma semaphore(%arg28 : memref<!tpu.dma_semaphore, #tpu.memory_space<semaphore_mem>>) src(%arg11 : memref<128x64xf32, #tpu.memory_space<vmem>>) dst(%dma_wait3A_104 : memref<10112x64xf32, #tpu.memory_space<vmem_shared>>)
      %dma_wait3A_105 = arith.constant 3 : i32
      %dma_wait3A_106 = arith.constant 0 : i32
      %dma_wait3A_107 = tpu.memref_slice %arg8[%dma_wait3A_105, %dma_wait3A_106] : memref<80x128xi32, #tpu.memory_space<vmem>> -> memref<1x128xi32, #tpu.memory_space<vmem>>
      %dma_wait3A_108 = tpu.memref_squeeze %dma_wait3A_107 : memref<1x128xi32, #tpu.memory_space<vmem>> -> memref<128xi32, #tpu.memory_space<vmem>>
      %dma_wait3A_109 = arith.constant 0 : i32
      %dma_wait3A_110 = arith.constant 0 : i32
      %dma_wait3A_111 = tpu.memref_slice %arg17[%dma_wait3A_109, %dma_wait3A_110] : memref<10112x64xf32, #tpu.memory_space<vmem_shared>> -> memref<10112x64xf32, #tpu.memory_space<vmem_shared>>
      tpu.wait_indirect_dma semaphore(%arg29 : memref<!tpu.dma_semaphore, #tpu.memory_space<semaphore_mem>>) src(%arg12 : memref<128x64xf32, #tpu.memory_space<vmem>>) dst(%dma_wait3A_111 : memref<10112x64xf32, #tpu.memory_space<vmem_shared>>)
      %dma_wait3A_112 = arith.constant 4 : i32
      %dma_wait3A_113 = arith.constant 0 : i32
      %dma_wait3A_114 = tpu.memref_slice %arg8[%dma_wait3A_112, %dma_wait3A_113] : memref<80x128xi32, #tpu.memory_space<vmem>> -> memref<1x128xi32, #tpu.memory_space<vmem>>
      %dma_wait3A_115 = tpu.memref_squeeze %dma_wait3A_114 : memref<1x128xi32, #tpu.memory_space<vmem>> -> memref<128xi32, #tpu.memory_space<vmem>>
      %dma_wait3A_116 = arith.constant 0 : i32
      %dma_wait3A_117 = arith.constant 0 : i32
      %dma_wait3A_118 = tpu.memref_slice %arg17[%dma_wait3A_116, %dma_wait3A_117] : memref<10112x64xf32, #tpu.memory_space<vmem_shared>> -> memref<10112x64xf32, #tpu.memory_space<vmem_shared>>
      tpu.wait_indirect_dma semaphore(%arg30 : memref<!tpu.dma_semaphore, #tpu.memory_space<semaphore_mem>>) src(%arg13 : memref<128x64xf32, #tpu.memory_space<vmem>>) dst(%dma_wait3A_118 : memref<10112x64xf32, #tpu.memory_space<vmem_shared>>)
      %dma_wait3A_119 = arith.constant 5 : i32
      %dma_wait3A_120 = arith.constant 0 : i32
      %dma_wait3A_121 = tpu.memref_slice %arg8[%dma_wait3A_119, %dma_wait3A_120] : memref<80x128xi32, #tpu.memory_space<vmem>> -> memref<1x128xi32, #tpu.memory_space<vmem>>
      %dma_wait3A_122 = tpu.memref_squeeze %dma_wait3A_121 : memref<1x128xi32, #tpu.memory_space<vmem>> -> memref<128xi32, #tpu.memory_space<vmem>>
      %dma_wait3A_123 = arith.constant 0 : i32
      %dma_wait3A_124 = arith.constant 0 : i32
      %dma_wait3A_125 = tpu.memref_slice %arg17[%dma_wait3A_123, %dma_wait3A_124] : memref<10112x64xf32, #tpu.memory_space<vmem_shared>> -> memref<10112x64xf32, #tpu.memory_space<vmem_shared>>
      tpu.wait_indirect_dma semaphore(%arg31 : memref<!tpu.dma_semaphore, #tpu.memory_space<semaphore_mem>>) src(%arg14 : memref<128x64xf32, #tpu.memory_space<vmem>>) dst(%dma_wait3A_125 : memref<10112x64xf32, #tpu.memory_space<vmem_shared>>)
      %dma_wait3A_126 = arith.constant 6 : i32
      %dma_wait3A_127 = arith.constant 0 : i32
      %dma_wait3A_128 = tpu.memref_slice %arg8[%dma_wait3A_126, %dma_wait3A_127] : memref<80x128xi32, #tpu.memory_space<vmem>> -> memref<1x128xi32, #tpu.memory_space<vmem>>
      %dma_wait3A_129 = tpu.memref_squeeze %dma_wait3A_128 : memref<1x128xi32, #tpu.memory_space<vmem>> -> memref<128xi32, #tpu.memory_space<vmem>>
      %dma_wait3A_130 = arith.constant 0 : i32
      %dma_wait3A_131 = arith.constant 0 : i32
      %dma_wait3A_132 = tpu.memref_slice %arg17[%dma_wait3A_130, %dma_wait3A_131] : memref<10112x64xf32, #tpu.memory_space<vmem_shared>> -> memref<10112x64xf32, #tpu.memory_space<vmem_shared>>
      tpu.wait_indirect_dma semaphore(%arg32 : memref<!tpu.dma_semaphore, #tpu.memory_space<semaphore_mem>>) src(%arg15 : memref<128x64xf32, #tpu.memory_space<vmem>>) dst(%dma_wait3A_132 : memref<10112x64xf32, #tpu.memory_space<vmem_shared>>)
      %dma_wait3A_133 = arith.constant 7 : i32
      %dma_wait3A_134 = arith.constant 0 : i32
      %dma_wait3A_135 = tpu.memref_slice %arg8[%dma_wait3A_133, %dma_wait3A_134] : memref<80x128xi32, #tpu.memory_space<vmem>> -> memref<1x128xi32, #tpu.memory_space<vmem>>
      %dma_wait3A_136 = tpu.memref_squeeze %dma_wait3A_135 : memref<1x128xi32, #tpu.memory_space<vmem>> -> memref<128xi32, #tpu.memory_space<vmem>>
      %dma_wait3A_137 = arith.constant 0 : i32
      %dma_wait3A_138 = arith.constant 0 : i32
      %dma_wait3A_139 = tpu.memref_slice %arg17[%dma_wait3A_137, %dma_wait3A_138] : memref<10112x64xf32, #tpu.memory_space<vmem_shared>> -> memref<10112x64xf32, #tpu.memory_space<vmem_shared>>
      tpu.wait_indirect_dma semaphore(%arg33 : memref<!tpu.dma_semaphore, #tpu.memory_space<semaphore_mem>>) src(%arg16 : memref<128x64xf32, #tpu.memory_space<vmem>>) dst(%dma_wait3A_139 : memref<10112x64xf32, #tpu.memory_space<vmem_shared>>)
    }
    %scan3A_7 = arith.constant 2 : i32
    %barrier3A_8 = arith.constant 0 : index
    tpu.barrier barrier_id(%barrier3A_8)
    %mul3A_9 = arith.constant 632 : i32
    %mul3A_10 = arith.muli %arg1, %mul3A_9 : i32
    %mul3A_11 = arith.constant 10112 : i32
    %mul3A_12 = arith.muli %arg0, %mul3A_11 : i32
    %mul3A_13 = arith.constant 632 : i32
    %mul3A_14 = arith.muli %arg1, %mul3A_13 : i32
    %add3A = arith.addi %mul3A_12, %mul3A_14 : i32
    "tpu.region"() ({
      %run_scoped3A = tpu.sem_alloc : memref<!tpu.dma_semaphore, #tpu.memory_space<semaphore_mem>>
      %dma_start3A = arith.constant 0 : i32
      %dma_start3A_15 = tpu.memref_slice %arg6[%add3A, %dma_start3A] : memref<20224x64xf32, #tpu.memory_space<hbm>> -> memref<632x64xf32, #tpu.memory_space<hbm>>
      %dma_start3A_16 = arith.constant 0 : i32
      %dma_start3A_17 = tpu.memref_slice %arg17[%mul3A_10, %dma_start3A_16] : memref<10112x64xf32, #tpu.memory_space<vmem_shared>> -> memref<632x64xf32, #tpu.memory_space<vmem_shared>>
      tpu.enqueue_dma source(%dma_start3A_17 : memref<632x64xf32, #tpu.memory_space<vmem_shared>>) target(%dma_start3A_15 : memref<632x64xf32, #tpu.memory_space<hbm>>) target_semaphore(%run_scoped3A : memref<!tpu.dma_semaphore, #tpu.memory_space<semaphore_mem>>)
      %dma_wait3A = arith.constant 0 : i32
      %dma_wait3A_18 = tpu.memref_slice %arg6[%add3A, %dma_wait3A] : memref<20224x64xf32, #tpu.memory_space<hbm>> -> memref<632x64xf32, #tpu.memory_space<hbm>>
      %dma_wait3A_19 = arith.constant 0 : i32
      %dma_wait3A_20 = tpu.memref_slice %arg17[%mul3A_10, %dma_wait3A_19] : memref<10112x64xf32, #tpu.memory_space<vmem_shared>> -> memref<632x64xf32, #tpu.memory_space<vmem_shared>>
      tpu.wait_dma2 semaphore(%run_scoped3A : memref<!tpu.dma_semaphore, #tpu.memory_space<semaphore_mem>>) src(%dma_wait3A_20 : memref<632x64xf32, #tpu.memory_space<vmem_shared>>) dst(%dma_wait3A_18 : memref<632x64xf32, #tpu.memory_space<hbm>>)
      tpu.yield
    }) : () -> ()
    return
  }
}

module attributes {stable_mosaic.version = 14 : i64} {
  func.func @_mm_body(%arg0: i32, %arg1: memref<2x2000x64xf32, #tpu.memory_space<vmem>>, %arg2: memref<128x128xf32, #tpu.memory_space<vmem>>, %arg3: memref<1x128xf32, #tpu.memory_space<vmem>>, %arg4: memref<2000x128xf32, #tpu.memory_space<vmem>>) attributes {dimension_semantics = [#tpu.dimension_semantics<arbitrary>], iteration_bounds = array<i64: 5>, scalar_prefetch = 0 : i64, scratch_operands = 0 : i64, tpu.core_type = #tpu.core_type<tc>, window_params = [{transform_indices = @transform_0, window_bounds = array<i64: 2, 2000, 64>}, {pipeline_mode = #tpu.pipeline_mode<synchronous>, transform_indices = @transform_1, window_bounds = array<i64: 128, 128>}, {pipeline_mode = #tpu.pipeline_mode<synchronous>, transform_indices = @transform_2, window_bounds = array<i64: 1, 128>}, {transform_indices = @transform_3, window_bounds = array<i64: 2000, 128>}]} {
    %get3A = arith.constant 0 : index
    %get3A_0 = arith.constant 0 : index
    %get3A_1 = arith.constant 0 : index
    %get3A_2 = vector.load %arg1[%get3A, %get3A_0, %get3A_1] : memref<2x2000x64xf32, #tpu.memory_space<vmem>>, vector<1x2000x64xf32>
    %get3A_3 = vector.shape_cast %get3A_2 : vector<1x2000x64xf32> to vector<2000x64xf32>
    %get3A_4 = arith.constant 1 : index
    %get3A_5 = arith.constant 0 : index
    %get3A_6 = arith.constant 0 : index
    %get3A_7 = vector.load %arg1[%get3A_4, %get3A_5, %get3A_6] : memref<2x2000x64xf32, #tpu.memory_space<vmem>>, vector<1x2000x64xf32>
    %get3A_8 = vector.shape_cast %get3A_7 : vector<1x2000x64xf32> to vector<2000x64xf32>
    %concatenate3A = tpu.concatenate %get3A_3, %get3A_8 in 1 : vector<2000x64xf32>, vector<2000x64xf32> -> vector<2000x128xf32>
    %get3A_9 = arith.constant 0 : index
    %get3A_10 = arith.constant 0 : index
    %get3A_11 = vector.load %arg2[%get3A_9, %get3A_10] : memref<128x128xf32, #tpu.memory_space<vmem>>, vector<128x128xf32>
    %dot_general3A = arith.constant dense<0.000000e+00> : vector<2000x128xf32>
    %dot_general3A_12 = tpu.matmul %concatenate3A, %get3A_11, %dot_general3A {dimension_numbers = #tpu.dot_dimension_numbers<[1], [0], [0], [1], [0, 0, 1, 1], [], []>, transpose_lhs_hint = false} : vector<2000x128xf32>, vector<128x128xf32>, vector<2000x128xf32> -> vector<2000x128xf32>
    %get3A_13 = arith.constant 0 : index
    %get3A_14 = arith.constant 0 : index
    %get3A_15 = vector.load %arg3[%get3A_13, %get3A_14] : memref<1x128xf32, #tpu.memory_space<vmem>>, vector<1x128xf32>
    %add3A = vector.broadcast %get3A_15 : vector<1x128xf32> to vector<2000x128xf32>
    %add3A_16 = arith.addf %dot_general3A_12, %add3A : vector<2000x128xf32>
    %max3A = arith.constant 0.000000e+00 : f32
    %max3A_17 = vector.broadcast %max3A : f32 to vector<2000x128xf32>
    %max3A_18 = arith.maximumf %add3A_16, %max3A_17 : vector<2000x128xf32>
    %swap3A = arith.constant 0 : index
    %swap3A_19 = arith.constant 0 : index
    %swap3A_20 = vector.load %arg4[%swap3A, %swap3A_19] : memref<2000x128xf32, #tpu.memory_space<vmem>>, vector<2000x128xf32>
    tpu.vector_store %arg4[%swap3A, %swap3A_19], %max3A_18 {strides = array<i32>} : memref<2000x128xf32, #tpu.memory_space<vmem>>, vector<2000x128xf32>,
    return
  }
  func.func @transform_0(%arg0: i32) -> (i32, i32, i32) {
    %c0_i32 = arith.constant 0 : i32
    %c0_i32_0 = arith.constant 0 : i32
    %c0_i32_1 = arith.constant 0 : i32
    return %c0_i32, %arg0, %c0_i32_0 : i32, i32, i32
  }
  func.func @transform_1(%arg0: i32) -> (i32, i32) {
    %c0_i32 = arith.constant 0 : i32
    %c0_i32_0 = arith.constant 0 : i32
    %c0_i32_1 = arith.constant 0 : i32
    return %c0_i32, %c0_i32_0 : i32, i32
  }
  func.func @transform_2(%arg0: i32) -> (i32, i32) {
    %c0_i32 = arith.constant 0 : i32
    %c0_i32_0 = arith.constant 0 : i32
    %c0_i32_1 = arith.constant 0 : i32
    return %c0_i32, %c0_i32_0 : i32, i32
  }
  func.func @transform_3(%arg0: i32) -> (i32, i32) {
    %c0_i32 = arith.constant 0 : i32
    %c0_i32_0 = arith.constant 0 : i32
    return %arg0, %c0_i32 : i32, i32
  }
}

module attributes {stable_mosaic.version = 14 : i64} {
  func.func @_final_body(%arg0: i32, %arg1: memref<2x2000x64xf32, #tpu.memory_space<vmem>>, %arg2: memref<128x128xf32, #tpu.memory_space<vmem>>, %arg3: memref<1x128xf32, #tpu.memory_space<vmem>>, %arg4: memref<1x5xf32, #tpu.memory_space<vmem>>, %arg5: memref<133x64xf32, #tpu.memory_space<vmem>>, %arg6: memref<1x64xf32, #tpu.memory_space<vmem>>, %arg7: memref<64x64xf32, #tpu.memory_space<vmem>>, %arg8: memref<1x64xf32, #tpu.memory_space<vmem>>, %arg9: memref<64x64xf32, #tpu.memory_space<vmem>>, %arg10: memref<1x64xf32, #tpu.memory_space<vmem>>, %arg11: memref<1x64xf32, #tpu.memory_space<vmem>>, %arg12: memref<1x64xf32, #tpu.memory_space<vmem>>, %arg13: memref<1x128xf32, #tpu.memory_space<vmem>>) attributes {dimension_semantics = [#tpu.dimension_semantics<arbitrary>], iteration_bounds = array<i64: 5>, scalar_prefetch = 0 : i64, scratch_operands = 1 : i64, tpu.core_type = #tpu.core_type<tc>, window_params = [{transform_indices = @transform_0, window_bounds = array<i64: 2, 2000, 64>}, {pipeline_mode = #tpu.pipeline_mode<synchronous>, transform_indices = @transform_1, window_bounds = array<i64: 128, 128>}, {pipeline_mode = #tpu.pipeline_mode<synchronous>, transform_indices = @transform_2, window_bounds = array<i64: 1, 128>}, {pipeline_mode = #tpu.pipeline_mode<synchronous>, transform_indices = @transform_3, window_bounds = array<i64: 1, 5>}, {pipeline_mode = #tpu.pipeline_mode<synchronous>, transform_indices = @transform_4, window_bounds = array<i64: 133, 64>}, {pipeline_mode = #tpu.pipeline_mode<synchronous>, transform_indices = @transform_5, window_bounds = array<i64: 1, 64>}, {pipeline_mode = #tpu.pipeline_mode<synchronous>, transform_indices = @transform_6, window_bounds = array<i64: 64, 64>}, {pipeline_mode = #tpu.pipeline_mode<synchronous>, transform_indices = @transform_7, window_bounds = array<i64: 1, 64>}, {pipeline_mode = #tpu.pipeline_mode<synchronous>, transform_indices = @transform_8, window_bounds = array<i64: 64, 64>}, {pipeline_mode = #tpu.pipeline_mode<synchronous>, transform_indices = @transform_9, window_bounds = array<i64: 1, 64>}, {pipeline_mode = #tpu.pipeline_mode<synchronous>, transform_indices = @transform_10, window_bounds = array<i64: 1, 64>}, {pipeline_mode = #tpu.pipeline_mode<synchronous>, transform_indices = @transform_11, window_bounds = array<i64: 1, 64>}]} {
    %get3A = arith.constant 0 : index
    %get3A_0 = arith.constant 0 : index
    %get3A_1 = arith.constant 0 : index
    %get3A_2 = vector.load %arg1[%get3A, %get3A_0, %get3A_1] : memref<2x2000x64xf32, #tpu.memory_space<vmem>>, vector<1x2000x64xf32>
    %get3A_3 = vector.shape_cast %get3A_2 : vector<1x2000x64xf32> to vector<2000x64xf32>
    %get3A_4 = arith.constant 1 : index
    %get3A_5 = arith.constant 0 : index
    %get3A_6 = arith.constant 0 : index
    %get3A_7 = vector.load %arg1[%get3A_4, %get3A_5, %get3A_6] : memref<2x2000x64xf32, #tpu.memory_space<vmem>>, vector<1x2000x64xf32>
    %get3A_8 = vector.shape_cast %get3A_7 : vector<1x2000x64xf32> to vector<2000x64xf32>
    %concatenate3A = tpu.concatenate %get3A_3, %get3A_8 in 1 : vector<2000x64xf32>, vector<2000x64xf32> -> vector<2000x128xf32>
    %get3A_9 = arith.constant 0 : index
    %get3A_10 = arith.constant 0 : index
    %get3A_11 = vector.load %arg2[%get3A_9, %get3A_10] : memref<128x128xf32, #tpu.memory_space<vmem>>, vector<128x128xf32>
    %dot_general3A = arith.constant dense<0.000000e+00> : vector<2000x128xf32>
    %dot_general3A_12 = tpu.matmul %concatenate3A, %get3A_11, %dot_general3A {dimension_numbers = #tpu.dot_dimension_numbers<[1], [0], [0], [1], [0, 0, 1, 1], [], []>, transpose_lhs_hint = false} : vector<2000x128xf32>, vector<128x128xf32>, vector<2000x128xf32> -> vector<2000x128xf32>
    %get3A_13 = arith.constant 0 : index
    %get3A_14 = arith.constant 0 : index
    %get3A_15 = vector.load %arg3[%get3A_13, %get3A_14] : memref<1x128xf32, #tpu.memory_space<vmem>>, vector<1x128xf32>
    %add3A = vector.broadcast %get3A_15 : vector<1x128xf32> to vector<2000x128xf32>
    %add3A_16 = arith.addf %dot_general3A_12, %add3A : vector<2000x128xf32>
    %max3A = arith.constant 0.000000e+00 : f32
    %max3A_17 = vector.broadcast %max3A : f32 to vector<2000x128xf32>
    %max3A_18 = arith.maximumf %add3A_16, %max3A_17 : vector<2000x128xf32>
    %reduce_sum3A = arith.constant dense<0.000000e+00> : vector<128xf32>
    %reduce_sum3A_19 = vector.multi_reduction <add>, %max3A_18, %reduce_sum3A [0] : vector<2000x128xf32> to vector<128xf32>
    %broadcast_in_dim3A = vector.shape_cast %reduce_sum3A_19 : vector<128xf32> to vector<1x128xf32>
    %eq3A = arith.constant 0 : i32
    %eq3A_20 = arith.cmpi eq, %arg0, %eq3A : i32
    %convert_element_type3A = arith.extui %eq3A_20 : i1 to i32
    %cond3A = arith.constant 0 : i32
    %cond3A_21 = arith.cmpi ne, %convert_element_type3A, %cond3A : i32
    scf.if %cond3A_21 {
      %swap3A = arith.constant 0 : index
      %swap3A_31 = arith.constant 0 : index
      %swap3A_32 = vector.load %arg13[%swap3A, %swap3A_31] : memref<1x128xf32, #tpu.memory_space<vmem>>, vector<1x128xf32>
      tpu.vector_store %arg13[%swap3A, %swap3A_31], %broadcast_in_dim3A {strides = array<i32>} : memref<1x128xf32, #tpu.memory_space<vmem>>, vector<1x128xf32>,
    } else {
    }
    %gt3A = arith.constant 0 : i32
    %gt3A_22 = arith.cmpi sgt, %arg0, %gt3A : i32
    %convert_element_type3A_23 = arith.extui %gt3A_22 : i1 to i32
    %cond3A_24 = arith.constant 0 : i32
    %cond3A_25 = arith.cmpi ne, %convert_element_type3A_23, %cond3A_24 : i32
    scf.if %cond3A_25 {
      %get3A_31 = arith.constant 0 : index
      %get3A_32 = arith.constant 0 : index
      %get3A_33 = vector.load %arg13[%get3A_31, %get3A_32] : memref<1x128xf32, #tpu.memory_space<vmem>>, vector<1x128xf32>
      %add3A_34 = arith.addf %get3A_33, %broadcast_in_dim3A : vector<1x128xf32>
      %swap3A = arith.constant 0 : index
      %swap3A_35 = arith.constant 0 : index
      %swap3A_36 = vector.load %arg13[%swap3A, %swap3A_35] : memref<1x128xf32, #tpu.memory_space<vmem>>, vector<1x128xf32>
      tpu.vector_store %arg13[%swap3A, %swap3A_35], %add3A_34 {strides = array<i32>} : memref<1x128xf32, #tpu.memory_space<vmem>>, vector<1x128xf32>,
    } else {
    }
    %eq3A_26 = arith.constant 4 : i32
    %eq3A_27 = arith.cmpi eq, %arg0, %eq3A_26 : i32
    %convert_element_type3A_28 = arith.extui %eq3A_27 : i1 to i32
    %cond3A_29 = arith.constant 0 : i32
    %cond3A_30 = arith.cmpi ne, %convert_element_type3A_28, %cond3A_29 : i32
    scf.if %cond3A_30 {
      %get3A_31 = arith.constant 0 : index
      %get3A_32 = arith.constant 0 : index
      %get3A_33 = vector.load %arg13[%get3A_31, %get3A_32] : memref<1x128xf32, #tpu.memory_space<vmem>>, vector<1x128xf32>
      %div3A = arith.constant 1.000000e+04 : f32
      %div3A_34 = vector.broadcast %div3A : f32 to vector<1x128xf32>
      %div3A_35 = arith.divf %get3A_33, %div3A_34 : vector<1x128xf32>
      %get3A_36 = arith.constant 0 : index
      %get3A_37 = arith.constant 0 : index
      %get3A_38 = vector.load %arg4[%get3A_36, %get3A_37] : memref<1x5xf32, #tpu.memory_space<vmem>>, vector<1x5xf32>
      %concatenate3A_39 = tpu.concatenate %div3A_35, %get3A_38 in 1 : vector<1x128xf32>, vector<1x5xf32> -> vector<1x133xf32>
      %get3A_40 = arith.constant 0 : index
      %get3A_41 = arith.constant 0 : index
      %get3A_42 = vector.load %arg5[%get3A_40, %get3A_41] : memref<133x64xf32, #tpu.memory_space<vmem>>, vector<133x64xf32>
      %dot_general3A_43 = arith.constant dense<0.000000e+00> : vector<1x64xf32>
      %dot_general3A_44 = tpu.matmul %concatenate3A_39, %get3A_42, %dot_general3A_43 {dimension_numbers = #tpu.dot_dimension_numbers<[1], [0], [0], [1], [0, 0, 1, 1], [], []>, transpose_lhs_hint = false} : vector<1x133xf32>, vector<133x64xf32>, vector<1x64xf32> -> vector<1x64xf32>
      %get3A_45 = arith.constant 0 : index
      %get3A_46 = arith.constant 0 : index
      %get3A_47 = vector.load %arg6[%get3A_45, %get3A_46] : memref<1x64xf32, #tpu.memory_space<vmem>>, vector<1x64xf32>
      %add3A_48 = arith.addf %dot_general3A_44, %get3A_47 : vector<1x64xf32>
      %max3A_49 = arith.constant 0.000000e+00 : f32
      %max3A_50 = vector.broadcast %max3A_49 : f32 to vector<1x64xf32>
      %max3A_51 = arith.maximumf %add3A_48, %max3A_50 : vector<1x64xf32>
      %get3A_52 = arith.constant 0 : index
      %get3A_53 = arith.constant 0 : index
      %get3A_54 = vector.load %arg7[%get3A_52, %get3A_53] : memref<64x64xf32, #tpu.memory_space<vmem>>, vector<64x64xf32>
      %dot_general3A_55 = arith.constant dense<0.000000e+00> : vector<1x64xf32>
      %dot_general3A_56 = tpu.matmul %max3A_51, %get3A_54, %dot_general3A_55 {dimension_numbers = #tpu.dot_dimension_numbers<[1], [0], [0], [1], [0, 0, 1, 1], [], []>, transpose_lhs_hint = false} : vector<1x64xf32>, vector<64x64xf32>, vector<1x64xf32> -> vector<1x64xf32>
      %get3A_57 = arith.constant 0 : index
      %get3A_58 = arith.constant 0 : index
      %get3A_59 = vector.load %arg8[%get3A_57, %get3A_58] : memref<1x64xf32, #tpu.memory_space<vmem>>, vector<1x64xf32>
      %add3A_60 = arith.addf %dot_general3A_56, %get3A_59 : vector<1x64xf32>
      %swap3A = arith.constant 0 : index
      %swap3A_61 = arith.constant 0 : index
      %swap3A_62 = vector.load %arg11[%swap3A, %swap3A_61] : memref<1x64xf32, #tpu.memory_space<vmem>>, vector<1x64xf32>
      tpu.vector_store %arg11[%swap3A, %swap3A_61], %add3A_60 {strides = array<i32>} : memref<1x64xf32, #tpu.memory_space<vmem>>, vector<1x64xf32>,
      %get3A_63 = arith.constant 0 : index
      %get3A_64 = arith.constant 0 : index
      %get3A_65 = vector.load %arg9[%get3A_63, %get3A_64] : memref<64x64xf32, #tpu.memory_space<vmem>>, vector<64x64xf32>
      %dot_general3A_66 = arith.constant dense<0.000000e+00> : vector<1x64xf32>
      %dot_general3A_67 = tpu.matmul %max3A_51, %get3A_65, %dot_general3A_66 {dimension_numbers = #tpu.dot_dimension_numbers<[1], [0], [0], [1], [0, 0, 1, 1], [], []>, transpose_lhs_hint = false} : vector<1x64xf32>, vector<64x64xf32>, vector<1x64xf32> -> vector<1x64xf32>
      %get3A_68 = arith.constant 0 : index
      %get3A_69 = arith.constant 0 : index
      %get3A_70 = vector.load %arg10[%get3A_68, %get3A_69] : memref<1x64xf32, #tpu.memory_space<vmem>>, vector<1x64xf32>
      %add3A_71 = arith.addf %dot_general3A_67, %get3A_70 : vector<1x64xf32>
      %swap3A_72 = arith.constant 0 : index
      %swap3A_73 = arith.constant 0 : index
      %swap3A_74 = vector.load %arg12[%swap3A_72, %swap3A_73] : memref<1x64xf32, #tpu.memory_space<vmem>>, vector<1x64xf32>
      tpu.vector_store %arg12[%swap3A_72, %swap3A_73], %add3A_71 {strides = array<i32>} : memref<1x64xf32, #tpu.memory_space<vmem>>, vector<1x64xf32>,
    } else {
    }
    return
  }
  func.func @transform_0(%arg0: i32) -> (i32, i32, i32) {
    %c0_i32 = arith.constant 0 : i32
    %c0_i32_0 = arith.constant 0 : i32
    %c0_i32_1 = arith.constant 0 : i32
    return %c0_i32, %arg0, %c0_i32_0 : i32, i32, i32
  }
  func.func @transform_1(%arg0: i32) -> (i32, i32) {
    %c0_i32 = arith.constant 0 : i32
    %c0_i32_0 = arith.constant 0 : i32
    %c0_i32_1 = arith.constant 0 : i32
    return %c0_i32, %c0_i32_0 : i32, i32
  }
  func.func @transform_2(%arg0: i32) -> (i32, i32) {
    %c0_i32 = arith.constant 0 : i32
    %c0_i32_0 = arith.constant 0 : i32
    %c0_i32_1 = arith.constant 0 : i32
    return %c0_i32, %c0_i32_0 : i32, i32
  }
  func.func @transform_3(%arg0: i32) -> (i32, i32) {
    %c0_i32 = arith.constant 0 : i32
    %c0_i32_0 = arith.constant 0 : i32
    %c0_i32_1 = arith.constant 0 : i32
    return %c0_i32, %c0_i32_0 : i32, i32
  }
  func.func @transform_4(%arg0: i32) -> (i32, i32) {
    %c0_i32 = arith.constant 0 : i32
    %c0_i32_0 = arith.constant 0 : i32
    %c0_i32_1 = arith.constant 0 : i32
    return %c0_i32, %c0_i32_0 : i32, i32
  }
  func.func @transform_5(%arg0: i32) -> (i32, i32) {
    %c0_i32 = arith.constant 0 : i32
    %c0_i32_0 = arith.constant 0 : i32
    %c0_i32_1 = arith.constant 0 : i32
    return %c0_i32, %c0_i32_0 : i32, i32
  }
  func.func @transform_6(%arg0: i32) -> (i32, i32) {
    %c0_i32 = arith.constant 0 : i32
    %c0_i32_0 = arith.constant 0 : i32
    %c0_i32_1 = arith.constant 0 : i32
    return %c0_i32, %c0_i32_0 : i32, i32
  }
  func.func @transform_7(%arg0: i32) -> (i32, i32) {
    %c0_i32 = arith.constant 0 : i32
    %c0_i32_0 = arith.constant 0 : i32
    %c0_i32_1 = arith.constant 0 : i32
    return %c0_i32, %c0_i32_0 : i32, i32
  }
  func.func @transform_8(%arg0: i32) -> (i32, i32) {
    %c0_i32 = arith.constant 0 : i32
    %c0_i32_0 = arith.constant 0 : i32
    %c0_i32_1 = arith.constant 0 : i32
    return %c0_i32, %c0_i32_0 : i32, i32
  }
  func.func @transform_9(%arg0: i32) -> (i32, i32) {
    %c0_i32 = arith.constant 0 : i32
    %c0_i32_0 = arith.constant 0 : i32
    %c0_i32_1 = arith.constant 0 : i32
    return %c0_i32, %c0_i32_0 : i32, i32
  }
  func.func @transform_10(%arg0: i32) -> (i32, i32) {
    %c0_i32 = arith.constant 0 : i32
    %c0_i32_0 = arith.constant 0 : i32
    %c0_i32_1 = arith.constant 0 : i32
    return %c0_i32, %c0_i32_0 : i32, i32
  }
  func.func @transform_11(%arg0: i32) -> (i32, i32) {
    %c0_i32 = arith.constant 0 : i32
    %c0_i32_0 = arith.constant 0 : i32
    %c0_i32_1 = arith.constant 0 : i32
    return %c0_i32, %c0_i32_0 : i32, i32
  }
}

</mosaic_0001>

<sc_bundles>
// kernel: kernel.6.cloned.1.call-start
scs
__scs_entry_jumppad:
0x0: {  	(pc) =	sbr.rel $0x88, $3  }
0x1: {  	(tag) =	ssettag $0x0;
	lr =	simm.s32 $0x1  }
0x2: {  	[smem:$0x3F94] =	sst lr;
	_ =	strace $0xD0000000  }
0x3: {  	_ = 	snop  }
0x4: {  	_ = 	snop  }
0x5: {  	_ = 	snop  }
0x6: {  	_ = 	snop  }
0x7: {  	_ = 	snop  }
__scs_overlays_trampoline_lowered:
0x8: {  	[smem:$0x3FA3] =	sst s0  }
0x9: {  	[smem:$0x3FA4] =	sst s1  }
0xa: {  	[smem:$0x3FA5] =	sst s2  }
0xb: {  	[smem:$0x3FA6] =	sst s3  }
0xc: {  	[smem:$0x3FA7] =	sst s4  }
0xd: {  	[smem:$0x3FA8] =	sst s5  }
0xe: {  	[smem:$0x3FA9] =	sst s6  }
0xf: {  	[smem:$0x3FAA] =	sst s7  }
0x10: {  	[smem:$0x3FAB] =	sst s8  }
0x11: {  	[smem:$0x3FAC] =	sst s9;
	s0 =	simm.s32 @!p0 $0x0  }
0x12: {  	s1 =	sld [smem:$0x3F92];
	s0 =	simm.s32 @p0 $0x1  }
0x13: {  	[smem:$0x3FAD] =	sst s0;
	s0 =	simm.s32 @!p1 $0x0  }
0x14: {  	s2 =	sld [smem:$0x3F91];
	s0 =	simm.s32 @p1 $0x1  }
0x15: {  	[smem:$0x3FAE] =	sst s0;
	s0 =	simm.s32 @!p2 $0x0  }
0x16: {  	s3 =	sld [smem:$0x3FDB];
	s0 =	simm.s32 @p2 $0x1  }
0x17: {  	s4 =	simm.s32 $0x1BF5;
	[smem:$0x3FB0] =	sst s0  }
0x18: {  	s0 =	sld [smem:$0x3F93];
	_ =	swait.ge [sflag:s4], $0x0  }
0x19: {  	s7 =	sld [smem:$0x3F94]  }
0x1a: {  	s8 =	sadd.s32 $0xFFFFE003, lr  }
0x1b: {  	s9 =	sadd.s32 $0xFFFFFEF7, lr;
	s5 =	simm.s32 $0xFFFFFFFF;
	p2 =	slt.u32 s8, $0xFFFFF086  }
0x1c: {  	p1 =	slt.u32 s9, $0xF7A;
	s5 =	simm.s32 @!p2 $0x0  }
0x1d: {  	s5 =	simm.s32 @p1 $0x1;
	p0 =	seq.s32 s7, s2  }
0x1e: {  	s7 =	smul.u32 @!p0 $0xF7A, s2;
	p2 =	seq.s32 @!p0 s5, $0x0  }
0x1f: {  	s9 =	smul.u32 $0xF7A, s1;
	s8 =	simm.s32 @!p0 $0x1BF5;
	p2 =	por !p2, p0  }
0x20: {  	[sflag:s8] =	ssyncset.s32 @!p0 $0xFFFFF086;
	s6 =	sadd.s32 @!p0 s3, s7;
	s7 =	simm.s32 @!p0 $0x108  }
0x21: {  	s3 =	sadd.s32 s3, s9;
	s6 =	sadd.s32 @!p0 $0x88, s6;
	s7 =	simm.s32 @p2 $0x1082  }
0x22: {  	[simem:s7], [sflag:s8] =	dma.local @!p0 [hbm:s6], $0xF7A  }
0x23: {  	s9 =	sor.u32 $0xD0000000, s2;
	s6 =	simm.s32 $0x108;
	_ =	swait.ge @!p0 [sflag:s8], $0x0  }
0x24: {  	s3 =	sadd.s32 $0x88, s3;
	s6 =	simm.s32 @!p1 $0x1082;
	[sflag:s4] =	ssyncset.s32 $0xFFFFF086  }
0x25: {  	[simem:s6], [sflag:s4] =	dma.local [hbm:s3], $0xF7A  }
0x26: {  	[smem:$0x3F94] =	sst s1;
	(tag) =	ssettag s2;
	_ =	strace s9  }
0x27: {  	s1 =	sld [smem:$0x3FA4]  }
0x28: {  	s2 =	sld [smem:$0x3FA5]  }
0x29: {  	s4 =	sld [smem:$0x3FA7]  }
0x2a: {  	p0 =	seq.s32 s5, $0x0;
	s5 =	sld [smem:$0x3FA8]  }
0x2b: {  	s6 =	sld [smem:$0x3FA9]  }
0x2c: {  	s7 =	sld [smem:$0x3FAA]  }
0x2d: {  	s3 =	simm.s32 $0x108;
	s8 =	sld [smem:$0x3FAB]  }
0x2e: {  	s3 =	simm.s32 @!p0 $0x1082;
	s9 =	sld [smem:$0x3FAC]  }
0x2f: {  	lr =	sadd.s32 s0, s3;
	s0 =	sld [smem:$0x3FA3]  }
0x30: {  	s3 =	sld [smem:$0x3FA6]  }
0x31: {  	[smem:$0x3FAF] =	sst s10  }
0x32: {  	s10 =	sld [smem:$0x3FAD];
	_ =	sdelay $0x3  }
0x33: {  	p0 =	seq.s32 s10, $0x1;
	s10 =	sld [smem:$0x3FAF];
	_ =	sdelay $0x3  }
0x34: {  	[smem:$0x3FAF] =	sst s10  }
0x35: {  	s10 =	sld [smem:$0x3FAE];
	_ =	sdelay $0x3  }
0x36: {  	p1 =	seq.s32 s10, $0x1;
	s10 =	sld [smem:$0x3FAF];
	_ =	sdelay $0x3  }
0x37: {  	[smem:$0x3FAF] =	sst s10  }
0x38: {  	s10 =	sld [smem:$0x3FB0]  }
0x39: {  	_ = 	snop;
	(pc) =	sbr.ind lr, $3  }
0x3a: {  	_ = 	snop  }
0x3b: {  	_ = 	snop  }
0x3c: {  	p2 =	seq.s32 s10, $0x1;
	s10 =	sld [smem:$0x3FAF]  }
0x3d: {  	_ =	shalt  }
0x3e: {  	_ =	shalt  }
0x3f: {  	_ =	shalt  }
0x40: {  	_ =	shalt  }
0x41: {  	_ =	shalt  }
0x42: {  	_ =	shalt  }
0x43: {  	_ =	shalt  }
0x44: {  	_ =	shalt  }
0x45: {  	_ =	shalt  }
0x46: {  	_ =	shalt  }
0x47: {  	_ =	shalt  }
0x48: {  	_ =	shalt  }
0x49: {  	_ =	shalt  }
0x4a: {  	_ =	shalt  }
0x4b: {  	_ =	shalt  }
0x4c: {  	_ =	shalt  }
0x4d: {  	_ =	shalt  }
0x4e: {  	_ =	shalt  }
0x4f: {  	_ =	shalt  }
0x50: {  	_ =	shalt  }
0x51: {  	_ =	shalt  }
0x52: {  	_ =	shalt  }
0x53: {  	_ =	shalt  }
0x54: {  	_ =	shalt  }
0x55: {  	_ =	shalt  }
0x56: {  	_ =	shalt  }
0x57: {  	_ =	shalt  }
0x58: {  	_ =	shalt  }
0x59: {  	_ =	shalt  }
0x5a: {  	_ =	shalt  }
0x5b: {  	_ =	shalt  }
0x5c: {  	_ =	shalt  }
0x5d: {  	_ =	shalt  }
0x5e: {  	_ =	shalt  }
0x5f: {  	_ =	shalt  }
0x60: {  	_ =	shalt  }
0x61: {  	_ =	shalt  }
0x62: {  	_ =	shalt  }
0x63: {  	_ =	shalt  }
0x64: {  	_ =	shalt  }
0x65: {  	_ =	shalt  }
0x66: {  	_ =	shalt  }
0x67: {  	_ =	shalt  }
0x68: {  	_ =	shalt  }
0x69: {  	_ =	shalt  }
0x6a: {  	_ =	shalt  }
0x6b: {  	_ =	shalt  }
0x6c: {  	_ =	shalt  }
0x6d: {  	_ =	shalt  }
0x6e: {  	_ =	shalt  }
0x6f: {  	_ =	shalt  }
0x70: {  	_ =	shalt  }
0x71: {  	_ =	shalt  }
0x72: {  	_ =	shalt  }
0x73: {  	_ =	shalt  }
0x74: {  	_ =	shalt  }
0x75: {  	_ =	shalt  }
0x76: {  	_ =	shalt  }
0x77: {  	_ =	shalt  }
0x78: {  	_ =	shalt  }
0x79: {  	_ =	shalt  }
0x7a: {  	_ =	shalt  }
0x7b: {  	_ =	shalt  }
0x7c: {  	_ =	shalt  }
0x7d: {  	_ =	shalt  }
0x7e: {  	_ =	shalt  }
0x7f: {  	_ =	shalt  }
0x80: {  	_ =	shalt  }
0x81: {  	_ =	shalt  }
0x82: {  	_ =	shalt  }
0x83: {  	_ =	shalt  }
0x84: {  	_ =	shalt  }
0x85: {  	_ =	shalt  }
0x86: {  	_ =	shalt  }
0x87: {  	_ =	shalt  }
.Lfunc_end0:
.L_simem_size_0:
called_computation_lowered:
.L_overlay_start_0:
0x88: {  	s2 =	sld [smem:$0x3FD9]  }
0x89: {  	s3 =	sld [smem:$0x3FFE];
	_ =	sdelay $0x1  }
0x8a: {  	s1 =	srdreg.scid  }
0x8b: {  	s0 =	sand.u32 $0x1, s1  }
0x8c: {  	s17 =	sshll.u32 s0, $0xA;
	s2 =	sadd.s32 s3, s2  }
0x8d: {  	s2 =	sadd.s32 s2, s17  }
0x8e: {  	[smem:$0x3FBB] =	sst s2  }
0x8f: {  	_ = 	snop  }
0x90: {  	s2 =	sld [smem:$0x3FC9];
	(tm) =	ssettm $0x1  }
0x91: {  	s18 =	sld [smem:$0x3FFB];
	_ =	sdelay $0x3  }
0x92: {  	_ =	strace s18  }
0x93: {  	s3 =	sld [smem:$0x3FFC];
	_ =	sdelay $0x3  }
0x94: {  	_ =	strace s3  }
0x95: {  	s3 =	sld [smem:$0x3FFD];
	_ =	sdelay $0x3  }
0x96: {  	_ =	strace s3  }
0x97: {  	_ =	strace $0x8FFFFFFF  }
0x98: {  	s19 =	sld [smem:$0x3FDB];
	_ =	sdelay $0x1  }
0x99: {  	s4 =	simm.s32 $_scs_section_size  }
0x9a: {  	s5 =	simm.s32 $_size__tile_overlayer_lowered;
	s6 =	simm.s32 $_tile_overlayer_lowered  }
0x9b: {  	s22 =	simm.s32 $0x1BFF;
	s21 =	sshll.u32 s6, $0x1;
	s3 =	sadd.s32 s4, s19  }
0x9c: {  	s7 =	simm.s32 $0x0;
	s20 =	sshll.u32 s5, $0x1;
	s5 =	sadd.s32 s21, s3  }
0x9d: {  	[timem:s7], [sflag:s22] =	dma.local [hbm:s5], s20  }
0x9e: {  	_ =	swait.ge [sflag:s22], s20  }
0x9f: {  	s4 =	ssub.s32 $0x0, s20;
	[sflag:s22] =	ssyncset.done $0x0  }
0xa0: {  	[sflag:s22] =	ssyncadd.s32 s4;
	_ =	sdelay $0x1  }
0xa1: {  	s23 =	simm.s32 $0x1B8B  }
0xa2: {  	_ =	swait.ge [sflag:s23], $0x1  }
0xa3: {  	[sflag:s23] =	ssyncset.done $0x0  }
0xa4: {  	s25 =	simm.s32 $0x1B8E;
	s24 =	sld [smem:$0x3FFE];
	[sflag:s23] =	ssyncadd.s32 $0xFFFFFFFF  }
0xa5: {  	s26 =	simm.s32 $execute0_lowered;
	[smem:$0x3FD2] =	sst s25  }
0xa6: {  	s5 =	sshll.u32 s26, $0x1;
	_ =	strace $0x80000046;
	[dreg:$0x1] =	wrdreg $0xFFFFFFFF  }
0xa7: {  	s28 =	simm.s32 $_size_execute0_lowered;
	s3 =	sadd.s32 s3, s5;
	[dreg:$0x0] =	wrdreg $0x0  }
0xa8: {  	s5 =	sshll.u32 s28, $0x1;
	[dreg:$0x2] =	wrdreg s3  }
0xa9: {  	[dreg:$0x3] =	wrdreg s5  }
0xaa: {  	[dreg:$0x4] =	wrdreg $0xC0  }
0xab: {  	_ =	task [dreg:s7], $0x5FFFF  }
0xac: {  	[dreg:$0x1] =	wrdreg $0xFFFFFFFF  }
0xad: {  	[dreg:$0x0] =	wrdreg $0x60  }
0xae: {  	[dreg:$0x2] =	wrdreg s2  }
0xaf: {  	[dreg:$0x3] =	wrdreg s24  }
0xb0: {  	[dreg:$0x4] =	wrdreg $0x150000  }
0xb1: {  	[dreg:$0x5] =	wrdreg $0x9  }
0xb2: {  	_ =	task.clear_ibuf [dreg:s7], $0x6FFFF;
	_ =	strace $0x90000046  }
0xb3: {  	s29 =	simm.s32 $0x9;
	_ =	strace $0x80000048  }
0xb4: {  	_ =	swait.ge [sflag:s29], $0x1  }
0xb5: {  	[sflag:s29] =	ssyncadd.s32 $0xFFFFFFFF  }
0xb6: {  	_ =	strace $0x90000048  }
0xb7: {  	_ =	sfence  }
0xb8: {  	s30 =	sld [smem:$0x0];
	_ =	sdelay $0x2  }
0xb9: {  	s31 =	sshll.u32 s1, $0xD;
	s1 =	sshrl.u32 s1, $0x2  }
0xba: {  	s3 =	sand.u32 $0x4000, s31;
	s1 =	sadd.s32 s1, s30  }
0xbb: {  	s0 =	sor.u32 s3, s0;
	s1 =	sshll.u32 s1, $0x11  }
0xbc: {  	s0 =	sor.u32 s1, s0  }
0xbd: {  	s0 =	sadd.s32 $0x8F2B, s0  }
0xbe: {  	[sflag:s0] =	ssyncadd.remote.s32 $0x1  }
0xbf: {  	_ =	sfence.sel $0xFFFF  }
0xc0: {  	[dreg:$0x0] =	wrdreg $0xFFFFFFFF;
	(pc) =	sbr.abs _section_cstart, $3  }
0xc1: {  	[dreg:$0x1] =	wrdreg $0xFFFFFFFF  }
0xc2: {  	_ =	task.clear_ibuf [dreg:s7], $0x2FFFF;
	_ =	strace $0x9FFFFFFF  }
0xc3: {  	(tm) =	ssettm $0x7FFFFFFF  }
tec
execute0_lowered:
.L_overlay_start_1:
0x0: {  	(tag) =	ssettag $0x1  }
0x1: {  	s2 =	rddreg [dreg:$0x0]  }
0x2: {  	s0 =	rddreg [dreg:$0x1]  }
0x3: {  	s3 =	rddreg [dreg:$0x2]  }
0x4: {  	s8 =	stileid.u32;
	s4 =	srdreg.scid  }
0x5: {  	s9 =	simm.s32 $0x0;
	s14 =	simm.s32 $0x11;
	s16 =	simm.s32 $0x80  }
0x6: {  	s17 =	simm.s32 $0x5000;
	s18 =	simm.s32 $0x7000;
	s29 =	simm.s32 $0x11000  }
0x7: {  	s31 =	simm.s32 $0x13000;
	s11 =	simm.s32 $0x4;
	s12 =	simm.s32 $0x5  }
0x8: {  	s13 =	simm.s32 $0x7;
	s15 =	simm.s32 $0x9;
	s19 =	simm.s32 $0xA  }
0x9: {  	s28 =	simm.s32 $0xE;
	s30 =	simm.s32 $0xF;
	s1 =	smul.u32 $0x9E00, s8  }
0xa: {  	s4 =	sand.u32 $0x1, s4;
	s5 =	smul.u32 $0x13C0, s8;
	[smem:$0x7FF] =	sst s9  }
0xb: {  	s7 =	sadd.s32 $0x1A00, s0;
	s20 =	sadd.s32 $0x15A00, s0;
	s24 =	sshll.u32 s8, $0x6  }
0xc: {  	s25 =	smul.u32 $0xA0, s8;
	_ =	strace $0x80000047;
	[dreg:$0x5] =	wrdreg s7  }
0xd: {  	s8 =	simm.s32 $0x6;
	s6 =	smul.u32 $0x13C00, s4;
	[dreg:$0x6] =	wrdreg s20  }
0xe: {  	s22 =	ssub.s32 $0x2, s4;
	s4 =	smul.u32 $0xA00, s4;
	s20 =	simm.s32 $0x9000  }
0xf: {  	s21 =	sshrl.u32 s1, $0x3;
	s23 =	sshrl.u32 s22, $0x1;
	s1 =	sadd.s32 s1, s3  }
0x10: {  	[dreg:$0x9] =	wrdreg s25;
	s25 =	simm.s32 $0xD;
	s5 =	sadd.s32 s5, s6  }
0x11: {  	s7 =	sadd.s32 s21, s0;
	s6 =	sor.u32 $0x1C11, s24;
	[dreg:$0xa] =	wrdreg s4  }
0x12: {  	s10 =	sshrl.u32 s1, $0x3;
	s24 =	simm.s32 $0xD000;
	s1 =	simm.s32 $0x2  }
0x13: {  	s4 =	simm.s32 $0x8;
	s21 =	simm.s32 $0xB;
	s0 =	sadd.s32 s5, s0  }
0x14: {  	s5 =	ssub.s32 s22, s23;
	s7 =	sadd.s32 $0x1FA00, s7;
	[dreg:$0x8] =	wrdreg s6  }
0x15: {  	s22 =	simm.s32 $0xB000;
	s23 =	simm.s32 $0xC;
	[dreg:$0xd] =	wrdreg s10  }
0x16: {  	[dreg:$0x7] =	wrdreg s7;
	s0 =	sadd.s32 $0x33600, s0;
	s26 =	smax.u32 s5, $0x1  }
0x17: {  	s7 =	simm.s32 $0x3;
	s5 =	simm.s32 $0x10;
	[dreg:$0xb] =	wrdreg s0  }
0x18: {  	[dreg:$0xc] =	wrdreg s26;
	s26 =	simm.s32 $0xF000;
	s0 =	simm.s32 $0x1  }
.LBB2_1:
0x19: {  	[dreg:$0x4] =	wrdreg s9  }
0x1a: {  	s6 =	rddreg [dreg:$0x7]  }
0x1b: {  	s9 =	rddreg [dreg:$0x8]  }
0x1c: {  	[spmem:s10], [sflag:s9] =	dma.local [hbm:s6], $0x13C0  }
0x1d: {  	_ =	swait.ge [sflag:s14], $0x13C0  }
0x1e: {  	[sflag:s14] =	ssyncset.done $0x0  }
0x1f: {  	[sflag:s14] =	ssyncadd.s32 $0xFFFFEC40  }
0x20: {  	p1 =	por $0x1, $0x1;
	s6 =	simm.s32 $0x0;
	[bflag:$0x0] =	sbarrier.arrive $0xFFFF  }
.LBB2_2:
0x21: {  	s9 =	rddreg [dreg:$0x9]  }
0x22: {  	s10 =	rddreg [dreg:$0xa];
	s6 =	sadd.s32 s9, s6  }
0x23: {  	s9 =	sadd.s32 s10, s6  }
0x24: {  	s10 =	rddreg [dreg:$0x5];
	s9 =	sshll.u32 s9, $0x4  }
0x25: {  	s9 =	sadd.s32 s10, s9;
	s10 =	simm.s32 $0x0  }
0x26: {  	[tilespmem:s10], [sflag:$0x11] =	stream.linear.gather [hbm4b:s9+s10], $0x2800, $0x38;
	[tilespmem:$0x1EE00] =	vst v63  }
0x27: {  	_ =	swait.ge [sflag:s14], $0x2800  }
0x28: {  	s6 =	sshll.u32 s6, $0x4;
	[sflag:s14] =	ssyncset.done $0x0;
	s9 =	rddreg [dreg:$0x6]  }
0x29: {  	[sflag:s14] =	ssyncadd.s32 $0xFFFFD800;
	s6 =	sadd.s32 s9, s6;
	s9 =	simm.s32 $0x2800  }
0x2a: {  	[tilespmem:s9], [sflag:$0x11] =	stream.linear.gather [hbm4b:s6+s10], $0x2800, $0x38;
	[tilespmem:$0x1EE00] =	vst v63  }
0x2b: {  	_ =	swait.ge [sflag:s14], $0x2800  }
0x2c: {  	[sflag:s14] =	ssyncset.done $0x0  }
0x2d: {  	[sflag:s14] =	ssyncadd.s32 $0xFFFFD800  }
0x2e: {  	[tilespmem:s17], [sflag:$0x1] =	stream.indirect.gather [hbm4b:s2+s16], $0x40, s10, s16, $0xb8;
	[tilespmem:$0x1EE00] =	vst v63  }
0x2f: {  	_ = 	snop  }
0x30: {  	[tilespmem:s18], [sflag:$0x2] =	stream.indirect.gather [hbm4b:s2+s16], $0x40, s16, s16, $0xb8;
	[tilespmem:$0x1EE00] =	vst v63  }
0x31: {  	s10 =	simm.s32 $0x100  }
0x32: {  	[tilespmem:s20], [sflag:$0x3] =	stream.indirect.gather [hbm4b:s2+s16], $0x40, s10, s16, $0xb8;
	[tilespmem:$0x1EE00] =	vst v63  }
0x33: {  	s9 =	simm.s32 $0x180  }
0x34: {  	[tilespmem:s22], [sflag:$0x4] =	stream.indirect.gather [hbm4b:s2+s16], $0x40, s9, s16, $0xb8;
	[tilespmem:$0x1EE00] =	vst v63  }
0x35: {  	s10 =	simm.s32 $0x200  }
0x36: {  	[tilespmem:s24], [sflag:$0x5] =	stream.indirect.gather [hbm4b:s2+s16], $0x40, s10, s16, $0xb8;
	[tilespmem:$0x1EE00] =	vst v63  }
0x37: {  	s9 =	simm.s32 $0x280  }
0x38: {  	[tilespmem:s26], [sflag:$0x6] =	stream.indirect.gather [hbm4b:s2+s16], $0x40, s9, s16, $0xb8;
	[tilespmem:$0x1EE00] =	vst v63  }
0x39: {  	s10 =	simm.s32 $0x300  }
0x3a: {  	[tilespmem:s29], [sflag:$0x7] =	stream.indirect.gather [hbm4b:s2+s16], $0x40, s10, s16, $0xb8;
	[tilespmem:$0x1EE00] =	vst v63  }
0x3b: {  	s9 =	simm.s32 $0x380  }
0x3c: {  	[tilespmem:s31], [sflag:$0x8] =	stream.indirect.gather [hbm4b:s2+s16], $0x40, s9, s16, $0xb8;
	[tilespmem:$0x1EE00] =	vst v63  }
0x3d: {  	_ =	swait.ge [sflag:s0], $0x2000  }
0x3e: {  	[sflag:s0] =	ssyncset.done $0x0  }
0x3f: {  	s10 =	simm.s32 $0x2800;
	[sflag:s0] =	ssyncadd.s32 $0xFFFFE000  }
0x40: {  	[spmem:s3] =	stream.indirect.scatter.add.f32 [tilespmem:s17], [sflag:$0x9], $0x40, s10, s16, $0xb8;
	[tilespmem:$0x1EE00] =	vst v63  }
0x41: {  	_ =	swait.ge [sflag:s1], $0x2000  }
0x42: {  	[sflag:s1] =	ssyncset.done $0x0  }
0x43: {  	s9 =	simm.s32 $0x2880;
	[sflag:s1] =	ssyncadd.s32 $0xFFFFE000  }
0x44: {  	[spmem:s3] =	stream.indirect.scatter.add.f32 [tilespmem:s18], [sflag:$0xA], $0x40, s9, s16, $0xb8;
	[tilespmem:$0x1EE00] =	vst v63  }
0x45: {  	_ =	swait.ge [sflag:s7], $0x2000  }
0x46: {  	[sflag:s7] =	ssyncset.done $0x0  }
0x47: {  	s10 =	simm.s32 $0x2900;
	[sflag:s7] =	ssyncadd.s32 $0xFFFFE000  }
0x48: {  	[spmem:s3] =	stream.indirect.scatter.add.f32 [tilespmem:s20], [sflag:$0xB], $0x40, s10, s16, $0xb8;
	[tilespmem:$0x1EE00] =	vst v63  }
0x49: {  	_ =	swait.ge [sflag:s11], $0x2000  }
0x4a: {  	[sflag:s11] =	ssyncset.done $0x0  }
0x4b: {  	s9 =	simm.s32 $0x2980;
	[sflag:s11] =	ssyncadd.s32 $0xFFFFE000  }
0x4c: {  	[spmem:s3] =	stream.indirect.scatter.add.f32 [tilespmem:s22], [sflag:$0xC], $0x40, s9, s16, $0xb8;
	[tilespmem:$0x1EE00] =	vst v63  }
0x4d: {  	_ =	swait.ge [sflag:s12], $0x2000  }
0x4e: {  	[sflag:s12] =	ssyncset.done $0x0  }
0x4f: {  	s10 =	simm.s32 $0x2A00;
	[sflag:s12] =	ssyncadd.s32 $0xFFFFE000  }
0x50: {  	[spmem:s3] =	stream.indirect.scatter.add.f32 [tilespmem:s24], [sflag:$0xD], $0x40, s10, s16, $0xb8;
	[tilespmem:$0x1EE00] =	vst v63  }
0x51: {  	_ =	swait.ge [sflag:s8], $0x2000  }
0x52: {  	[sflag:s8] =	ssyncset.done $0x0  }
0x53: {  	s9 =	simm.s32 $0x2A80;
	[sflag:s8] =	ssyncadd.s32 $0xFFFFE000  }
0x54: {  	[spmem:s3] =	stream.indirect.scatter.add.f32 [tilespmem:s26], [sflag:$0xE], $0x40, s9, s16, $0xb8;
	[tilespmem:$0x1EE00] =	vst v63  }
0x55: {  	_ =	swait.ge [sflag:s13], $0x2000  }
0x56: {  	[sflag:s13] =	ssyncset.done $0x0  }
0x57: {  	s10 =	simm.s32 $0x2B00;
	[sflag:s13] =	ssyncadd.s32 $0xFFFFE000  }
0x58: {  	[spmem:s3] =	stream.indirect.scatter.add.f32 [tilespmem:s29], [sflag:$0xF], $0x40, s10, s16, $0xb8;
	[tilespmem:$0x1EE00] =	vst v63  }
0x59: {  	_ =	swait.ge [sflag:s4], $0x2000  }
0x5a: {  	[sflag:s4] =	ssyncset.done $0x0  }
0x5b: {  	s9 =	simm.s32 $0x2B80;
	[sflag:s4] =	ssyncadd.s32 $0xFFFFE000  }
0x5c: {  	[spmem:s3] =	stream.indirect.scatter.add.f32 [tilespmem:s31], [sflag:$0x10], $0x40, s9, s16, $0xb8;
	[tilespmem:$0x1EE00] =	vst v63  }
0x5d: {  	_ =	swait.ge [sflag:s15], $0x2000  }
0x5e: {  	[sflag:s15] =	ssyncset.done $0x0  }
0x5f: {  	s10 =	simm.s32 $0x400;
	[sflag:s15] =	ssyncadd.s32 $0xFFFFE000  }
0x60: {  	[tilespmem:s17], [sflag:$0x1] =	stream.indirect.gather [hbm4b:s2+s16], $0x40, s10, s16, $0xb8;
	[tilespmem:$0x1EE00] =	vst v63  }
0x61: {  	_ =	swait.ge [sflag:s19], $0x2000  }
0x62: {  	[sflag:s19] =	ssyncset.done $0x0  }
0x63: {  	s9 =	simm.s32 $0x480;
	[sflag:s19] =	ssyncadd.s32 $0xFFFFE000  }
0x64: {  	[tilespmem:s18], [sflag:$0x2] =	stream.indirect.gather [hbm4b:s2+s16], $0x40, s9, s16, $0xb8;
	[tilespmem:$0x1EE00] =	vst v63  }
0x65: {  	_ =	swait.ge [sflag:s21], $0x2000  }
0x66: {  	[sflag:s21] =	ssyncset.done $0x0  }
0x67: {  	s10 =	simm.s32 $0x500;
	[sflag:s21] =	ssyncadd.s32 $0xFFFFE000  }
0x68: {  	[tilespmem:s20], [sflag:$0x3] =	stream.indirect.gather [hbm4b:s2+s16], $0x40, s10, s16, $0xb8;
	[tilespmem:$0x1EE00] =	vst v63  }
0x69: {  	_ =	swait.ge [sflag:s23], $0x2000  }
0x6a: {  	[sflag:s23] =	ssyncset.done $0x0  }
0x6b: {  	s9 =	simm.s32 $0x580;
	[sflag:s23] =	ssyncadd.s32 $0xFFFFE000  }
0x6c: {  	[tilespmem:s22], [sflag:$0x4] =	stream.indirect.gather [hbm4b:s2+s16], $0x40, s9, s16, $0xb8;
	[tilespmem:$0x1EE00] =	vst v63  }
0x6d: {  	_ =	swait.ge [sflag:s25], $0x2000  }
0x6e: {  	[sflag:s25] =	ssyncset.done $0x0  }
0x6f: {  	s10 =	simm.s32 $0x600;
	[sflag:s25] =	ssyncadd.s32 $0xFFFFE000  }
0x70: {  	[tilespmem:s24], [sflag:$0x5] =	stream.indirect.gather [hbm4b:s2+s16], $0x40, s10, s16, $0xb8;
	[tilespmem:$0x1EE00] =	vst v63  }
0x71: {  	_ =	swait.ge [sflag:s28], $0x2000  }
0x72: {  	[sflag:s28] =	ssyncset.done $0x0  }
0x73: {  	s9 =	simm.s32 $0x680;
	[sflag:s28] =	ssyncadd.s32 $0xFFFFE000  }
0x74: {  	[tilespmem:s26], [sflag:$0x6] =	stream.indirect.gather [hbm4b:s2+s16], $0x40, s9, s16, $0xb8;
	[tilespmem:$0x1EE00] =	vst v63  }
0x75: {  	_ =	swait.ge [sflag:s30], $0x2000  }
0x76: {  	[sflag:s30] =	ssyncset.done $0x0  }
0x77: {  	s10 =	simm.s32 $0x700;
	[sflag:s30] =	ssyncadd.s32 $0xFFFFE000  }
0x78: {  	[tilespmem:s29], [sflag:$0x7] =	stream.indirect.gather [hbm4b:s2+s16], $0x40, s10, s16, $0xb8;
	[tilespmem:$0x1EE00] =	vst v63  }
0x79: {  	_ =	swait.ge [sflag:s5], $0x2000  }
0x7a: {  	p0 =	por p1, p1;
	[sflag:s5] =	ssyncset.done $0x0  }
0x7b: {  	s6 =	simm.s32 $0x1000;
	s9 =	simm.s32 $0x780;
	[sflag:s5] =	ssyncadd.s32 $0xFFFFE000  }
.LBB2_3:
0x7c: {  	[tilespmem:s31], [sflag:$0x8] =	stream.indirect.gather [hbm4b:s2+s16], $0x40, s9, s16, $0xb8;
	[tilespmem:$0x1EE00] =	vst v63  }
0x7d: {  	s9 =	smov.u32 s6  }
0x7e: {  	p1 =	sne.s32 s6, $0x8000;
	s6 =	sadd.s32 $0x1000, s6;
	_ =	swait.ge [sflag:s0], $0x2000  }
0x7f: {  	s9 =	sshra.s32 s9, $0x2;
	[sflag:s0] =	ssyncset.done $0x0  }
0x80: {  	s10 =	sadd.s32 $0x2800, s9;
	[sflag:s0] =	ssyncadd.s32 $0xFFFFE000  }
0x81: {  	[spmem:s3] =	stream.indirect.scatter.add.f32 [tilespmem:s17], [sflag:$0x9], $0x40, s10, s16, $0xb8;
	[tilespmem:$0x1EE00] =	vst v63  }
0x82: {  	_ =	swait.ge [sflag:s1], $0x2000  }
0x83: {  	[sflag:s1] =	ssyncset.done $0x0  }
0x84: {  	s10 =	sadd.s32 $0x2880, s9;
	[sflag:s1] =	ssyncadd.s32 $0xFFFFE000  }
0x85: {  	[spmem:s3] =	stream.indirect.scatter.add.f32 [tilespmem:s18], [sflag:$0xA], $0x40, s10, s16, $0xb8;
	[tilespmem:$0x1EE00] =	vst v63  }
0x86: {  	_ =	swait.ge [sflag:s7], $0x2000  }
0x87: {  	[sflag:s7] =	ssyncset.done $0x0  }
0x88: {  	s10 =	sadd.s32 $0x2900, s9;
	[sflag:s7] =	ssyncadd.s32 $0xFFFFE000  }
0x89: {  	[spmem:s3] =	stream.indirect.scatter.add.f32 [tilespmem:s20], [sflag:$0xB], $0x40, s10, s16, $0xb8;
	[tilespmem:$0x1EE00] =	vst v63  }
0x8a: {  	_ =	swait.ge [sflag:s11], $0x2000  }
0x8b: {  	[sflag:s11] =	ssyncset.done $0x0  }
0x8c: {  	s10 =	sadd.s32 $0x2980, s9;
	[sflag:s11] =	ssyncadd.s32 $0xFFFFE000  }
0x8d: {  	[spmem:s3] =	stream.indirect.scatter.add.f32 [tilespmem:s22], [sflag:$0xC], $0x40, s10, s16, $0xb8;
	[tilespmem:$0x1EE00] =	vst v63  }
0x8e: {  	_ =	swait.ge [sflag:s12], $0x2000  }
0x8f: {  	[sflag:s12] =	ssyncset.done $0x0  }
0x90: {  	s10 =	sadd.s32 $0x2A00, s9;
	[sflag:s12] =	ssyncadd.s32 $0xFFFFE000  }
0x91: {  	[spmem:s3] =	stream.indirect.scatter.add.f32 [tilespmem:s24], [sflag:$0xD], $0x40, s10, s16, $0xb8;
	[tilespmem:$0x1EE00] =	vst v63  }
0x92: {  	_ =	swait.ge [sflag:s8], $0x2000  }
0x93: {  	[sflag:s8] =	ssyncset.done $0x0  }
0x94: {  	s10 =	sadd.s32 $0x2A80, s9;
	[sflag:s8] =	ssyncadd.s32 $0xFFFFE000  }
0x95: {  	[spmem:s3] =	stream.indirect.scatter.add.f32 [tilespmem:s26], [sflag:$0xE], $0x40, s10, s16, $0xb8;
	[tilespmem:$0x1EE00] =	vst v63  }
0x96: {  	_ =	swait.ge [sflag:s13], $0x2000  }
0x97: {  	[sflag:s13] =	ssyncset.done $0x0  }
0x98: {  	s10 =	sadd.s32 $0x2B00, s9;
	[sflag:s13] =	ssyncadd.s32 $0xFFFFE000  }
0x99: {  	[spmem:s3] =	stream.indirect.scatter.add.f32 [tilespmem:s29], [sflag:$0xF], $0x40, s10, s16, $0xb8;
	[tilespmem:$0x1EE00] =	vst v63  }
0x9a: {  	_ =	swait.ge [sflag:s4], $0x2000  }
0x9b: {  	[sflag:s4] =	ssyncset.done $0x0  }
0x9c: {  	s10 =	sadd.s32 $0x2B80, s9;
	[sflag:s4] =	ssyncadd.s32 $0xFFFFE000  }
0x9d: {  	[spmem:s3] =	stream.indirect.scatter.add.f32 [tilespmem:s31], [sflag:$0x10], $0x40, s10, s16, $0xb8;
	[tilespmem:$0x1EE00] =	vst v63  }
0x9e: {  	_ =	swait.ge [sflag:s15], $0x2000  }
0x9f: {  	[sflag:s15] =	ssyncset.done $0x0  }
0xa0: {  	s10 =	sadd.s32 $0x400, s9;
	[sflag:s15] =	ssyncadd.s32 $0xFFFFE000  }
0xa1: {  	[tilespmem:s17], [sflag:$0x1] =	stream.indirect.gather [hbm4b:s2+s16], $0x40, s10, s16, $0xb8;
	[tilespmem:$0x1EE00] =	vst v63  }
0xa2: {  	_ =	swait.ge [sflag:s19], $0x2000  }
0xa3: {  	[sflag:s19] =	ssyncset.done $0x0  }
0xa4: {  	s10 =	sadd.s32 $0x480, s9;
	[sflag:s19] =	ssyncadd.s32 $0xFFFFE000  }
0xa5: {  	[tilespmem:s18], [sflag:$0x2] =	stream.indirect.gather [hbm4b:s2+s16], $0x40, s10, s16, $0xb8;
	[tilespmem:$0x1EE00] =	vst v63  }
0xa6: {  	_ =	swait.ge [sflag:s21], $0x2000  }
0xa7: {  	[sflag:s21] =	ssyncset.done $0x0  }
0xa8: {  	s10 =	sadd.s32 $0x500, s9;
	[sflag:s21] =	ssyncadd.s32 $0xFFFFE000  }
0xa9: {  	[tilespmem:s20], [sflag:$0x3] =	stream.indirect.gather [hbm4b:s2+s16], $0x40, s10, s16, $0xb8;
	[tilespmem:$0x1EE00] =	vst v63  }
0xaa: {  	_ =	swait.ge [sflag:s23], $0x2000  }
0xab: {  	[sflag:s23] =	ssyncset.done $0x0  }
0xac: {  	s10 =	sadd.s32 $0x580, s9;
	[sflag:s23] =	ssyncadd.s32 $0xFFFFE000  }
0xad: {  	[tilespmem:s22], [sflag:$0x4] =	stream.indirect.gather [hbm4b:s2+s16], $0x40, s10, s16, $0xb8;
	[tilespmem:$0x1EE00] =	vst v63  }
0xae: {  	_ =	swait.ge [sflag:s25], $0x2000  }
0xaf: {  	[sflag:s25] =	ssyncset.done $0x0  }
0xb0: {  	s10 =	sadd.s32 $0x600, s9;
	[sflag:s25] =	ssyncadd.s32 $0xFFFFE000  }
0xb1: {  	[tilespmem:s24], [sflag:$0x5] =	stream.indirect.gather [hbm4b:s2+s16], $0x40, s10, s16, $0xb8;
	[tilespmem:$0x1EE00] =	vst v63  }
0xb2: {  	_ =	swait.ge [sflag:s28], $0x2000  }
0xb3: {  	[sflag:s28] =	ssyncset.done $0x0  }
0xb4: {  	s10 =	sadd.s32 $0x680, s9;
	[sflag:s28] =	ssyncadd.s32 $0xFFFFE000  }
0xb5: {  	[tilespmem:s26], [sflag:$0x6] =	stream.indirect.gather [hbm4b:s2+s16], $0x40, s10, s16, $0xb8;
	[tilespmem:$0x1EE00] =	vst v63  }
0xb6: {  	_ =	swait.ge [sflag:s30], $0x2000  }
0xb7: {  	[sflag:s30] =	ssyncset.done $0x0  }
.Ltmp0:
0xb8: {  	s10 =	sadd.s32 $0x700, s9;
	[sflag:s30] =	ssyncadd.s32 $0xFFFFE000;
	(pc) =	sbr.rel @p1 .LBB2_3-.Ltmp0, $4  }
0xb9: {  	[tilespmem:s29], [sflag:$0x7] =	stream.indirect.gather [hbm4b:s2+s16], $0x40, s10, s16, $0xb8;
	[tilespmem:$0x1EE00] =	vst v63  }
0xba: {  	_ =	swait.ge [sflag:s5], $0x2000  }
0xbb: {  	[sflag:s5] =	ssyncset.done $0x0  }
0xbc: {  	s9 =	sadd.s32 $0x780, s9;
	[sflag:s5] =	ssyncadd.s32 $0xFFFFE000  }
0xbd: {  	[tilespmem:s31], [sflag:$0x8] =	stream.indirect.gather [hbm4b:s2+s16], $0x40, s9, s16, $0xb8;
	[tilespmem:$0x1EE00] =	vst v63  }
0xbe: {  	_ =	swait.ge [sflag:s0], $0x2000  }
0xbf: {  	[sflag:s0] =	ssyncset.done $0x0  }
0xc0: {  	s6 =	simm.s32 $0x4C00;
	[sflag:s0] =	ssyncadd.s32 $0xFFFFE000  }
0xc1: {  	[spmem:s3] =	stream.indirect.scatter.add.f32 [tilespmem:s17], [sflag:$0x9], $0x40, s6, s16, $0xb8;
	[tilespmem:$0x1EE00] =	vst v63  }
0xc2: {  	_ =	swait.ge [sflag:s1], $0x2000  }
0xc3: {  	[sflag:s1] =	ssyncset.done $0x0  }
0xc4: {  	s10 =	simm.s32 $0x4C80;
	[sflag:s1] =	ssyncadd.s32 $0xFFFFE000  }
0xc5: {  	[spmem:s3] =	stream.indirect.scatter.add.f32 [tilespmem:s18], [sflag:$0xA], $0x40, s10, s16, $0xb8;
	[tilespmem:$0x1EE00] =	vst v63  }
0xc6: {  	_ =	swait.ge [sflag:s7], $0x2000  }
0xc7: {  	[sflag:s7] =	ssyncset.done $0x0  }
0xc8: {  	s9 =	simm.s32 $0x4D00;
	[sflag:s7] =	ssyncadd.s32 $0xFFFFE000  }
0xc9: {  	[spmem:s3] =	stream.indirect.scatter.add.f32 [tilespmem:s20], [sflag:$0xB], $0x40, s9, s16, $0xb8;
	[tilespmem:$0x1EE00] =	vst v63  }
0xca: {  	_ =	swait.ge [sflag:s11], $0x2000  }
0xcb: {  	[sflag:s11] =	ssyncset.done $0x0  }
0xcc: {  	s10 =	simm.s32 $0x4D80;
	[sflag:s11] =	ssyncadd.s32 $0xFFFFE000  }
0xcd: {  	[spmem:s3] =	stream.indirect.scatter.add.f32 [tilespmem:s22], [sflag:$0xC], $0x40, s10, s16, $0xb8;
	[tilespmem:$0x1EE00] =	vst v63  }
0xce: {  	_ =	swait.ge [sflag:s12], $0x2000  }
0xcf: {  	[sflag:s12] =	ssyncset.done $0x0  }
0xd0: {  	s9 =	simm.s32 $0x4E00;
	[sflag:s12] =	ssyncadd.s32 $0xFFFFE000  }
0xd1: {  	[spmem:s3] =	stream.indirect.scatter.add.f32 [tilespmem:s24], [sflag:$0xD], $0x40, s9, s16, $0xb8;
	[tilespmem:$0x1EE00] =	vst v63  }
0xd2: {  	_ =	swait.ge [sflag:s8], $0x2000  }
0xd3: {  	[sflag:s8] =	ssyncset.done $0x0  }
0xd4: {  	s10 =	simm.s32 $0x4E80;
	[sflag:s8] =	ssyncadd.s32 $0xFFFFE000  }
0xd5: {  	[spmem:s3] =	stream.indirect.scatter.add.f32 [tilespmem:s26], [sflag:$0xE], $0x40, s10, s16, $0xb8;
	[tilespmem:$0x1EE00] =	vst v63  }
0xd6: {  	_ =	swait.ge [sflag:s13], $0x2000  }
0xd7: {  	[sflag:s13] =	ssyncset.done $0x0  }
0xd8: {  	s9 =	simm.s32 $0x4F00;
	[sflag:s13] =	ssyncadd.s32 $0xFFFFE000  }
0xd9: {  	[spmem:s3] =	stream.indirect.scatter.add.f32 [tilespmem:s29], [sflag:$0xF], $0x40, s9, s16, $0xb8;
	[tilespmem:$0x1EE00] =	vst v63  }
0xda: {  	_ =	swait.ge [sflag:s4], $0x2000  }
0xdb: {  	[sflag:s4] =	ssyncset.done $0x0  }
0xdc: {  	s10 =	simm.s32 $0x4F80;
	[sflag:s4] =	ssyncadd.s32 $0xFFFFE000  }
0xdd: {  	[spmem:s3] =	stream.indirect.scatter.add.f32 [tilespmem:s31], [sflag:$0x10], $0x40, s10, s16, $0xb8;
	[tilespmem:$0x1EE00] =	vst v63  }
0xde: {  	_ =	swait.ge [sflag:s15], $0x2000  }
0xdf: {  	[sflag:s15] =	ssyncset.done $0x0  }
0xe0: {  	[sflag:s15] =	ssyncadd.s32 $0xFFFFE000  }
0xe1: {  	_ =	swait.ge [sflag:s19], $0x2000  }
0xe2: {  	[sflag:s19] =	ssyncset.done $0x0  }
0xe3: {  	[sflag:s19] =	ssyncadd.s32 $0xFFFFE000  }
0xe4: {  	_ =	swait.ge [sflag:s21], $0x2000  }
0xe5: {  	[sflag:s21] =	ssyncset.done $0x0  }
0xe6: {  	[sflag:s21] =	ssyncadd.s32 $0xFFFFE000  }
0xe7: {  	_ =	swait.ge [sflag:s23], $0x2000  }
0xe8: {  	[sflag:s23] =	ssyncset.done $0x0  }
0xe9: {  	[sflag:s23] =	ssyncadd.s32 $0xFFFFE000  }
0xea: {  	_ =	swait.ge [sflag:s25], $0x2000  }
0xeb: {  	[sflag:s25] =	ssyncset.done $0x0  }
0xec: {  	[sflag:s25] =	ssyncadd.s32 $0xFFFFE000  }
0xed: {  	_ =	swait.ge [sflag:s28], $0x2000  }
0xee: {  	[sflag:s28] =	ssyncset.done $0x0  }
0xef: {  	[sflag:s28] =	ssyncadd.s32 $0xFFFFE000  }
0xf0: {  	_ =	swait.ge [sflag:s30], $0x2000  }
.Ltmp1:
0xf1: {  	[sflag:s30] =	ssyncset.done $0x0;
	(pc) =	sbr.rel @p0 .LBB2_2-.Ltmp1, $4  }
0xf2: {  	[sflag:s30] =	ssyncadd.s32 $0xFFFFE000  }
0xf3: {  	_ =	swait.ge [sflag:s5], $0x2000  }
0xf4: {  	[sflag:s5] =	ssyncset.done $0x0  }
0xf5: {  	p1 =	por $0x0, $0x0;
	s6 =	simm.s32 $0x50;
	[sflag:s5] =	ssyncadd.s32 $0xFFFFE000  }
0xf6: {  	[bflag:$0x0] =	sbarrier.arrive $0xFFFF  }
0xf7: {  	s9 =	rddreg [dreg:$0x8]  }
0xf8: {  	s6 =	rddreg [dreg:$0xb]  }
0xf9: {  	s10 =	rddreg [dreg:$0xd]  }
0xfa: {  	[hbm:s6], [sflag:s9] =	dma.local [spmem:s10], $0x13C0  }
0xfb: {  	_ =	swait.ge [sflag:s14], $0x13C0  }
0xfc: {  	s6 =	rddreg [dreg:$0x4]  }
0xfd: {  	s9 =	sadd.s32 $0x1, s6;
	s6 =	rddreg [dreg:$0xc]  }
0xfe: {  	p0 =	sne.s32 s9, s6  }
.Ltmp2:
0xff: {  	_ = 	snop;
	(pc) =	sbr.rel @p0 .LBB2_1-.Ltmp2, $3  }
0x100: {  	_ =	sdelay $0x1  }
0x101: {  	[sflag:s14] =	ssyncset.done $0x0  }
0x102: {  	[sflag:s14] =	ssyncadd.s32 $0xFFFFEC40  }
0x103: {  	_ =	sfence.sel $0x180000  }
0x104: {  	[bflag:$0x0] =	sbarrier.arrive $0xFFFF  }
0x105: {  	_ =	strace $0x90000047  }
0x106: {  	s0 =	stileid.u32;
	[bflag:$0x2] =	sbarrier.arrive $0xFFFF  }
0x107: {  	p0 =	sne.s32 s0, $0x0;
	s0 =	rddreg [dreg:$0x3]  }
0x108: {  	s0 =	sadd.s32 @!p0 $0x100000, s0  }
0x109: {  	[sflag:s0] =	ssyncadd.tile.s32 @!p0 $0x1;
	_ =	shalt  }
.Lfunc_end2:
_tile_overlayer_lowered:
.L_overlay_start_2:
0x10a: {  	(tag) =	ssettag $0x2  }
0x10b: {  	s0 =	rddreg [dreg:$0x0];
	s2 =	stileid.u32  }
0x10c: {  	s1 =	rddreg [dreg:$0x1];
	p0 =	sne.s32 s2, $0x0  }
0x10d: {  	s3 =	rddreg [dreg:$0x2];
	[bflag:$0x3] =	sbarrier.arrive $0xFFFF;
	s2 =	simm.s32 @!p0 $0x1C11  }
0x10e: {  	[timem:s3], [sflag:s2] =	dma.local @!p0 [hbm:s0], s1  }
0x10f: {  	s0 =	simm.s32 @!p0 $0x11  }
0x110: {  	_ =	swait.ge @!p0 [sflag:s0], s1  }
0x111: {  	s1 =	ssub.s32 @!p0 $0x0, s1;
	[sflag:s0] =	ssyncset.done @!p0 $0x0  }
0x112: {  	[sflag:s0] =	ssyncadd.s32 @!p0 s1  }
0x113: {  	[bflag:$0x3] =	sbarrier.arrive $0xFFFF  }
0x114: {  	_ =	shalt  }

// kernel: kernel.9.cloned.1.call-start
scs
__scs_entry_jumppad:
0x0: {  	(pc) =	sbr.rel $0x88, $3  }
0x1: {  	(tag) =	ssettag $0x0;
	lr =	simm.s32 $0x1  }
0x2: {  	[smem:$0x3F94] =	sst lr;
	_ =	strace $0xD0000000  }
0x3: {  	_ = 	snop  }
0x4: {  	_ = 	snop  }
0x5: {  	_ = 	snop  }
0x6: {  	_ = 	snop  }
0x7: {  	_ = 	snop  }
__scs_overlays_trampoline_lowered:
0x8: {  	[smem:$0x3FA3] =	sst s0  }
0x9: {  	[smem:$0x3FA4] =	sst s1  }
0xa: {  	[smem:$0x3FA5] =	sst s2  }
0xb: {  	[smem:$0x3FA6] =	sst s3  }
0xc: {  	[smem:$0x3FA7] =	sst s4  }
0xd: {  	[smem:$0x3FA8] =	sst s5  }
0xe: {  	[smem:$0x3FA9] =	sst s6  }
0xf: {  	[smem:$0x3FAA] =	sst s7  }
0x10: {  	[smem:$0x3FAB] =	sst s8  }
0x11: {  	[smem:$0x3FAC] =	sst s9;
	s0 =	simm.s32 @!p0 $0x0  }
0x12: {  	s1 =	sld [smem:$0x3F92];
	s0 =	simm.s32 @p0 $0x1  }
0x13: {  	[smem:$0x3FAD] =	sst s0;
	s0 =	simm.s32 @!p1 $0x0  }
0x14: {  	s2 =	sld [smem:$0x3F91];
	s0 =	simm.s32 @p1 $0x1  }
0x15: {  	[smem:$0x3FAE] =	sst s0;
	s0 =	simm.s32 @!p2 $0x0  }
0x16: {  	s3 =	sld [smem:$0x3FDB];
	s0 =	simm.s32 @p2 $0x1  }
0x17: {  	s4 =	simm.s32 $0x1BF5;
	[smem:$0x3FB0] =	sst s0  }
0x18: {  	s0 =	sld [smem:$0x3F93];
	_ =	swait.ge [sflag:s4], $0x0  }
0x19: {  	s7 =	sld [smem:$0x3F94]  }
0x1a: {  	s8 =	sadd.s32 $0xFFFFE003, lr  }
0x1b: {  	s9 =	sadd.s32 $0xFFFFFEF7, lr;
	s5 =	simm.s32 $0xFFFFFFFF;
	p2 =	slt.u32 s8, $0xFFFFF086  }
0x1c: {  	p1 =	slt.u32 s9, $0xF7A;
	s5 =	simm.s32 @!p2 $0x0  }
0x1d: {  	s5 =	simm.s32 @p1 $0x1;
	p0 =	seq.s32 s7, s2  }
0x1e: {  	s7 =	smul.u32 @!p0 $0xF7A, s2;
	p2 =	seq.s32 @!p0 s5, $0x0  }
0x1f: {  	s9 =	smul.u32 $0xF7A, s1;
	s8 =	simm.s32 @!p0 $0x1BF5;
	p2 =	por !p2, p0  }
0x20: {  	[sflag:s8] =	ssyncset.s32 @!p0 $0xFFFFF086;
	s6 =	sadd.s32 @!p0 s3, s7;
	s7 =	simm.s32 @!p0 $0x108  }
0x21: {  	s3 =	sadd.s32 s3, s9;
	s6 =	sadd.s32 @!p0 $0x88, s6;
	s7 =	simm.s32 @p2 $0x1082  }
0x22: {  	[simem:s7], [sflag:s8] =	dma.local @!p0 [hbm:s6], $0xF7A  }
0x23: {  	s9 =	sor.u32 $0xD0000000, s2;
	s6 =	simm.s32 $0x108;
	_ =	swait.ge @!p0 [sflag:s8], $0x0  }
0x24: {  	s3 =	sadd.s32 $0x88, s3;
	s6 =	simm.s32 @!p1 $0x1082;
	[sflag:s4] =	ssyncset.s32 $0xFFFFF086  }
0x25: {  	[simem:s6], [sflag:s4] =	dma.local [hbm:s3], $0xF7A  }
0x26: {  	[smem:$0x3F94] =	sst s1;
	(tag) =	ssettag s2;
	_ =	strace s9  }
0x27: {  	s1 =	sld [smem:$0x3FA4]  }
0x28: {  	s2 =	sld [smem:$0x3FA5]  }
0x29: {  	s4 =	sld [smem:$0x3FA7]  }
0x2a: {  	p0 =	seq.s32 s5, $0x0;
	s5 =	sld [smem:$0x3FA8]  }
0x2b: {  	s6 =	sld [smem:$0x3FA9]  }
0x2c: {  	s7 =	sld [smem:$0x3FAA]  }
0x2d: {  	s3 =	simm.s32 $0x108;
	s8 =	sld [smem:$0x3FAB]  }
0x2e: {  	s3 =	simm.s32 @!p0 $0x1082;
	s9 =	sld [smem:$0x3FAC]  }
0x2f: {  	lr =	sadd.s32 s0, s3;
	s0 =	sld [smem:$0x3FA3]  }
0x30: {  	s3 =	sld [smem:$0x3FA6]  }
0x31: {  	[smem:$0x3FAF] =	sst s10  }
0x32: {  	s10 =	sld [smem:$0x3FAD];
	_ =	sdelay $0x3  }
0x33: {  	p0 =	seq.s32 s10, $0x1;
	s10 =	sld [smem:$0x3FAF];
	_ =	sdelay $0x3  }
0x34: {  	[smem:$0x3FAF] =	sst s10  }
0x35: {  	s10 =	sld [smem:$0x3FAE];
	_ =	sdelay $0x3  }
0x36: {  	p1 =	seq.s32 s10, $0x1;
	s10 =	sld [smem:$0x3FAF];
	_ =	sdelay $0x3  }
0x37: {  	[smem:$0x3FAF] =	sst s10  }
0x38: {  	s10 =	sld [smem:$0x3FB0]  }
0x39: {  	_ = 	snop;
	(pc) =	sbr.ind lr, $3  }
0x3a: {  	_ = 	snop  }
0x3b: {  	_ = 	snop  }
0x3c: {  	p2 =	seq.s32 s10, $0x1;
	s10 =	sld [smem:$0x3FAF]  }
0x3d: {  	_ =	shalt  }
0x3e: {  	_ =	shalt  }
0x3f: {  	_ =	shalt  }
0x40: {  	_ =	shalt  }
0x41: {  	_ =	shalt  }
0x42: {  	_ =	shalt  }
0x43: {  	_ =	shalt  }
0x44: {  	_ =	shalt  }
0x45: {  	_ =	shalt  }
0x46: {  	_ =	shalt  }
0x47: {  	_ =	shalt  }
0x48: {  	_ =	shalt  }
0x49: {  	_ =	shalt  }
0x4a: {  	_ =	shalt  }
0x4b: {  	_ =	shalt  }
0x4c: {  	_ =	shalt  }
0x4d: {  	_ =	shalt  }
0x4e: {  	_ =	shalt  }
0x4f: {  	_ =	shalt  }
0x50: {  	_ =	shalt  }
0x51: {  	_ =	shalt  }
0x52: {  	_ =	shalt  }
0x53: {  	_ =	shalt  }
0x54: {  	_ =	shalt  }
0x55: {  	_ =	shalt  }
0x56: {  	_ =	shalt  }
0x57: {  	_ =	shalt  }
0x58: {  	_ =	shalt  }
0x59: {  	_ =	shalt  }
0x5a: {  	_ =	shalt  }
0x5b: {  	_ =	shalt  }
0x5c: {  	_ =	shalt  }
0x5d: {  	_ =	shalt  }
0x5e: {  	_ =	shalt  }
0x5f: {  	_ =	shalt  }
0x60: {  	_ =	shalt  }
0x61: {  	_ =	shalt  }
0x62: {  	_ =	shalt  }
0x63: {  	_ =	shalt  }
0x64: {  	_ =	shalt  }
0x65: {  	_ =	shalt  }
0x66: {  	_ =	shalt  }
0x67: {  	_ =	shalt  }
0x68: {  	_ =	shalt  }
0x69: {  	_ =	shalt  }
0x6a: {  	_ =	shalt  }
0x6b: {  	_ =	shalt  }
0x6c: {  	_ =	shalt  }
0x6d: {  	_ =	shalt  }
0x6e: {  	_ =	shalt  }
0x6f: {  	_ =	shalt  }
0x70: {  	_ =	shalt  }
0x71: {  	_ =	shalt  }
0x72: {  	_ =	shalt  }
0x73: {  	_ =	shalt  }
0x74: {  	_ =	shalt  }
0x75: {  	_ =	shalt  }
0x76: {  	_ =	shalt  }
0x77: {  	_ =	shalt  }
0x78: {  	_ =	shalt  }
0x79: {  	_ =	shalt  }
0x7a: {  	_ =	shalt  }
0x7b: {  	_ =	shalt  }
0x7c: {  	_ =	shalt  }
0x7d: {  	_ =	shalt  }
0x7e: {  	_ =	shalt  }
0x7f: {  	_ =	shalt  }
0x80: {  	_ =	shalt  }
0x81: {  	_ =	shalt  }
0x82: {  	_ =	shalt  }
0x83: {  	_ =	shalt  }
0x84: {  	_ =	shalt  }
0x85: {  	_ =	shalt  }
0x86: {  	_ =	shalt  }
0x87: {  	_ =	shalt  }
.Lfunc_end0:
.L_simem_size_0:
called_computation.1_lowered:
.L_overlay_start_0:
0x88: {  	s2 =	sld [smem:$0x3FD9]  }
0x89: {  	s3 =	sld [smem:$0x3FFE];
	_ =	sdelay $0x1  }
0x8a: {  	s1 =	srdreg.scid  }
0x8b: {  	s0 =	sand.u32 $0x1, s1  }
0x8c: {  	s16 =	sshll.u32 s0, $0xA;
	s2 =	sadd.s32 s3, s2  }
0x8d: {  	s2 =	sadd.s32 s2, s16  }
0x8e: {  	[smem:$0x3FBB] =	sst s2  }
0x8f: {  	_ = 	snop  }
0x90: {  	(tm) =	ssettm $0x1  }
0x91: {  	s17 =	sld [smem:$0x3FFB];
	_ =	sdelay $0x3  }
0x92: {  	_ =	strace s17  }
0x93: {  	s2 =	sld [smem:$0x3FFC];
	_ =	sdelay $0x3  }
0x94: {  	_ =	strace s2  }
0x95: {  	s2 =	sld [smem:$0x3FFD];
	_ =	sdelay $0x3  }
0x96: {  	_ =	strace s2  }
0x97: {  	_ =	strace $0x8FFFFFFF  }
0x98: {  	s18 =	sld [smem:$0x3FDB];
	_ =	sdelay $0x1  }
0x99: {  	s19 =	simm.s32 $_scs_section_size  }
0x9a: {  	s4 =	simm.s32 $_size__tile_overlayer_lowered;
	s5 =	simm.s32 $_tile_overlayer_lowered  }
0x9b: {  	s22 =	simm.s32 $0x1BFF;
	s21 =	sshll.u32 s5, $0x1;
	s2 =	sadd.s32 s19, s18  }
0x9c: {  	s6 =	simm.s32 $0x0;
	s20 =	sshll.u32 s4, $0x1;
	s4 =	sadd.s32 s21, s2  }
0x9d: {  	[timem:s6], [sflag:s22] =	dma.local [hbm:s4], s20  }
0x9e: {  	_ =	swait.ge [sflag:s22], s20  }
0x9f: {  	s3 =	ssub.s32 $0x0, s20;
	[sflag:s22] =	ssyncset.done $0x0  }
0xa0: {  	[sflag:s22] =	ssyncadd.s32 s3;
	_ =	sdelay $0x1  }
0xa1: {  	s23 =	simm.s32 $0x1B8B  }
0xa2: {  	_ =	swait.ge [sflag:s23], $0x1  }
0xa3: {  	[sflag:s23] =	ssyncset.done $0x0  }
0xa4: {  	s25 =	simm.s32 $0x1B8E;
	s24 =	sld [smem:$0x3FFE];
	[sflag:s23] =	ssyncadd.s32 $0xFFFFFFFF  }
0xa5: {  	s26 =	simm.s32 $execute0_lowered;
	[smem:$0x3FD2] =	sst s25  }
0xa6: {  	s4 =	sshll.u32 s26, $0x1;
	_ =	strace $0x80000049;
	[dreg:$0x1] =	wrdreg $0xFFFFFFFF  }
0xa7: {  	s28 =	simm.s32 $_size_execute0_lowered;
	s2 =	sadd.s32 s2, s4;
	[dreg:$0x0] =	wrdreg $0x0  }
0xa8: {  	s4 =	sshll.u32 s28, $0x1;
	[dreg:$0x2] =	wrdreg s2  }
0xa9: {  	[dreg:$0x3] =	wrdreg s4  }
0xaa: {  	[dreg:$0x4] =	wrdreg $0xC0  }
0xab: {  	_ =	task [dreg:s6], $0x5FFFF  }
0xac: {  	[dreg:$0x1] =	wrdreg $0xFFFFFFFF  }
0xad: {  	[dreg:$0x0] =	wrdreg $0x60  }
0xae: {  	[dreg:$0x2] =	wrdreg s24  }
0xaf: {  	[dreg:$0x3] =	wrdreg $0x150000  }
0xb0: {  	[dreg:$0x4] =	wrdreg $0x9  }
0xb1: {  	_ =	task.clear_ibuf [dreg:s6], $0x5FFFF;
	_ =	strace $0x90000049  }
0xb2: {  	s29 =	simm.s32 $0x9;
	_ =	strace $0x8000004B  }
0xb3: {  	_ =	swait.ge [sflag:s29], $0x1  }
0xb4: {  	[sflag:s29] =	ssyncadd.s32 $0xFFFFFFFF  }
0xb5: {  	_ =	strace $0x9000004B  }
0xb6: {  	_ =	sfence  }
0xb7: {  	s30 =	sld [smem:$0x0];
	_ =	sdelay $0x2  }
0xb8: {  	s31 =	sshll.u32 s1, $0xD;
	s1 =	sshrl.u32 s1, $0x2  }
0xb9: {  	s3 =	sand.u32 $0x4000, s31;
	s1 =	sadd.s32 s1, s30  }
0xba: {  	s0 =	sor.u32 s3, s0;
	s1 =	sshll.u32 s1, $0x11  }
0xbb: {  	s0 =	sor.u32 s1, s0  }
0xbc: {  	s0 =	sadd.s32 $0x8F2B, s0  }
0xbd: {  	[sflag:s0] =	ssyncadd.remote.s32 $0x1  }
0xbe: {  	_ =	sfence.sel $0xFFFF  }
0xbf: {  	[dreg:$0x0] =	wrdreg $0xFFFFFFFF;
	(pc) =	sbr.abs _section_cstart, $3  }
0xc0: {  	[dreg:$0x1] =	wrdreg $0xFFFFFFFF  }
0xc1: {  	_ =	task.clear_ibuf [dreg:s6], $0x2FFFF;
	_ =	strace $0x9FFFFFFF  }
0xc2: {  	(tm) =	ssettm $0x7FFFFFFF  }
0xc3: {  	_ =	shalt  }
tec
execute0_lowered:
.L_overlay_start_1:
0x0: {  	(tag) =	ssettag $0x1  }
0x1: {  	s0 =	rddreg [dreg:$0x0]  }
0x2: {  	s2 =	rddreg [dreg:$0x1]  }
0x3: {  	s8 =	stileid.u32;
	s9 =	simm.s32 $0x0;
	s3 =	srdreg.scid  }
0x4: {  	s14 =	simm.s32 $0x11;
	s16 =	simm.s32 $0x80;
	s17 =	simm.s32 $0x5000  }
0x5: {  	s18 =	simm.s32 $0x7000;
	s29 =	simm.s32 $0x11000;
	s31 =	simm.s32 $0x13000  }
0x6: {  	s11 =	simm.s32 $0x4;
	s12 =	simm.s32 $0x5;
	s13 =	simm.s32 $0x7  }
0x7: {  	s15 =	simm.s32 $0x9;
	s19 =	simm.s32 $0xA;
	s28 =	simm.s32 $0xE  }
0x8: {  	s30 =	simm.s32 $0xF;
	s1 =	smul.u32 $0x9E00, s8;
	[smem:$0x7FF] =	sst s9  }
0x9: {  	s3 =	sand.u32 $0x1, s3;
	s5 =	smul.u32 $0x13C0, s8;
	s4 =	sadd.s32 $0x33600, s0  }
0xa: {  	s7 =	sadd.s32 $0x1A00, s0;
	s20 =	sadd.s32 $0x15A00, s0;
	s24 =	sshll.u32 s8, $0x6  }
0xb: {  	s25 =	smul.u32 $0xA0, s8;
	_ =	strace $0x8000004A;
	[dreg:$0x4] =	wrdreg s7  }
0xc: {  	s8 =	simm.s32 $0x6;
	s6 =	smul.u32 $0x13C00, s3;
	[dreg:$0x5] =	wrdreg s20  }
0xd: {  	s22 =	ssub.s32 $0x2, s3;
	s3 =	smul.u32 $0xA00, s3;
	s20 =	simm.s32 $0x9000  }
0xe: {  	s21 =	sshrl.u32 s1, $0x3;
	s23 =	sshrl.u32 s22, $0x1;
	s1 =	sadd.s32 s1, s2  }
0xf: {  	[dreg:$0x8] =	wrdreg s25;
	s25 =	simm.s32 $0xD;
	s5 =	sadd.s32 s5, s6  }
0x10: {  	s7 =	sadd.s32 s21, s0;
	s6 =	sor.u32 $0x1C11, s24;
	[dreg:$0x9] =	wrdreg s3  }
0x11: {  	s10 =	sshrl.u32 s1, $0x3;
	s24 =	simm.s32 $0xD000;
	s1 =	simm.s32 $0x2  }
0x12: {  	s3 =	simm.s32 $0x8;
	s21 =	simm.s32 $0xB;
	s0 =	sadd.s32 s5, s0  }
0x13: {  	s5 =	ssub.s32 s22, s23;
	s7 =	sadd.s32 $0x1FA00, s7;
	[dreg:$0x7] =	wrdreg s6  }
0x14: {  	s22 =	simm.s32 $0xB000;
	s23 =	simm.s32 $0xC;
	[dreg:$0xc] =	wrdreg s10  }
0x15: {  	[dreg:$0x6] =	wrdreg s7;
	s0 =	sadd.s32 $0x5A800, s0;
	s26 =	smax.u32 s5, $0x1  }
0x16: {  	s7 =	simm.s32 $0x3;
	s5 =	simm.s32 $0x10;
	[dreg:$0xa] =	wrdreg s0  }
0x17: {  	[dreg:$0xb] =	wrdreg s26;
	s26 =	simm.s32 $0xF000;
	s0 =	simm.s32 $0x1  }
.LBB2_1:
0x18: {  	[dreg:$0x3] =	wrdreg s9  }
0x19: {  	s6 =	rddreg [dreg:$0x6]  }
0x1a: {  	s9 =	rddreg [dreg:$0x7]  }
0x1b: {  	[spmem:s10], [sflag:s9] =	dma.local [hbm:s6], $0x13C0  }
0x1c: {  	_ =	swait.ge [sflag:s14], $0x13C0  }
0x1d: {  	[sflag:s14] =	ssyncset.done $0x0  }
0x1e: {  	[sflag:s14] =	ssyncadd.s32 $0xFFFFEC40  }
0x1f: {  	p1 =	por $0x1, $0x1;
	s6 =	simm.s32 $0x0;
	[bflag:$0x0] =	sbarrier.arrive $0xFFFF  }
.LBB2_2:
0x20: {  	s9 =	rddreg [dreg:$0x8]  }
0x21: {  	s10 =	rddreg [dreg:$0x9];
	s6 =	sadd.s32 s9, s6  }
0x22: {  	s9 =	sadd.s32 s10, s6  }
0x23: {  	s10 =	rddreg [dreg:$0x4];
	s9 =	sshll.u32 s9, $0x4  }
0x24: {  	s9 =	sadd.s32 s10, s9;
	s10 =	simm.s32 $0x0  }
0x25: {  	[tilespmem:s10], [sflag:$0x11] =	stream.linear.gather [hbm4b:s9+s10], $0x2800, $0x38;
	[tilespmem:$0x1EE00] =	vst v63  }
0x26: {  	_ =	swait.ge [sflag:s14], $0x2800  }
0x27: {  	s6 =	sshll.u32 s6, $0x4;
	[sflag:s14] =	ssyncset.done $0x0;
	s9 =	rddreg [dreg:$0x5]  }
0x28: {  	[sflag:s14] =	ssyncadd.s32 $0xFFFFD800;
	s6 =	sadd.s32 s9, s6;
	s9 =	simm.s32 $0x2800  }
0x29: {  	[tilespmem:s9], [sflag:$0x11] =	stream.linear.gather [hbm4b:s6+s10], $0x2800, $0x38;
	[tilespmem:$0x1EE00] =	vst v63  }
0x2a: {  	_ =	swait.ge [sflag:s14], $0x2800  }
0x2b: {  	[sflag:s14] =	ssyncset.done $0x0  }
0x2c: {  	[sflag:s14] =	ssyncadd.s32 $0xFFFFD800  }
0x2d: {  	[tilespmem:s17], [sflag:$0x1] =	stream.indirect.gather [hbm4b:s4+s16], $0x40, s10, s16, $0xb8;
	[tilespmem:$0x1EE00] =	vst v63  }
0x2e: {  	_ = 	snop  }
0x2f: {  	[tilespmem:s18], [sflag:$0x2] =	stream.indirect.gather [hbm4b:s4+s16], $0x40, s16, s16, $0xb8;
	[tilespmem:$0x1EE00] =	vst v63  }
0x30: {  	s10 =	simm.s32 $0x100  }
0x31: {  	[tilespmem:s20], [sflag:$0x3] =	stream.indirect.gather [hbm4b:s4+s16], $0x40, s10, s16, $0xb8;
	[tilespmem:$0x1EE00] =	vst v63  }
0x32: {  	s9 =	simm.s32 $0x180  }
0x33: {  	[tilespmem:s22], [sflag:$0x4] =	stream.indirect.gather [hbm4b:s4+s16], $0x40, s9, s16, $0xb8;
	[tilespmem:$0x1EE00] =	vst v63  }
0x34: {  	s10 =	simm.s32 $0x200  }
0x35: {  	[tilespmem:s24], [sflag:$0x5] =	stream.indirect.gather [hbm4b:s4+s16], $0x40, s10, s16, $0xb8;
	[tilespmem:$0x1EE00] =	vst v63  }
0x36: {  	s9 =	simm.s32 $0x280  }
0x37: {  	[tilespmem:s26], [sflag:$0x6] =	stream.indirect.gather [hbm4b:s4+s16], $0x40, s9, s16, $0xb8;
	[tilespmem:$0x1EE00] =	vst v63  }
0x38: {  	s10 =	simm.s32 $0x300  }
0x39: {  	[tilespmem:s29], [sflag:$0x7] =	stream.indirect.gather [hbm4b:s4+s16], $0x40, s10, s16, $0xb8;
	[tilespmem:$0x1EE00] =	vst v63  }
0x3a: {  	s9 =	simm.s32 $0x380  }
0x3b: {  	[tilespmem:s31], [sflag:$0x8] =	stream.indirect.gather [hbm4b:s4+s16], $0x40, s9, s16, $0xb8;
	[tilespmem:$0x1EE00] =	vst v63  }
0x3c: {  	_ =	swait.ge [sflag:s0], $0x2000  }
0x3d: {  	[sflag:s0] =	ssyncset.done $0x0  }
0x3e: {  	s10 =	simm.s32 $0x2800;
	[sflag:s0] =	ssyncadd.s32 $0xFFFFE000  }
0x3f: {  	[spmem:s2] =	stream.indirect.scatter.add.f32 [tilespmem:s17], [sflag:$0x9], $0x40, s10, s16, $0xb8;
	[tilespmem:$0x1EE00] =	vst v63  }
0x40: {  	_ =	swait.ge [sflag:s1], $0x2000  }
0x41: {  	[sflag:s1] =	ssyncset.done $0x0  }
0x42: {  	s9 =	simm.s32 $0x2880;
	[sflag:s1] =	ssyncadd.s32 $0xFFFFE000  }
0x43: {  	[spmem:s2] =	stream.indirect.scatter.add.f32 [tilespmem:s18], [sflag:$0xA], $0x40, s9, s16, $0xb8;
	[tilespmem:$0x1EE00] =	vst v63  }
0x44: {  	_ =	swait.ge [sflag:s7], $0x2000  }
0x45: {  	[sflag:s7] =	ssyncset.done $0x0  }
0x46: {  	s10 =	simm.s32 $0x2900;
	[sflag:s7] =	ssyncadd.s32 $0xFFFFE000  }
0x47: {  	[spmem:s2] =	stream.indirect.scatter.add.f32 [tilespmem:s20], [sflag:$0xB], $0x40, s10, s16, $0xb8;
	[tilespmem:$0x1EE00] =	vst v63  }
0x48: {  	_ =	swait.ge [sflag:s11], $0x2000  }
0x49: {  	[sflag:s11] =	ssyncset.done $0x0  }
0x4a: {  	s9 =	simm.s32 $0x2980;
	[sflag:s11] =	ssyncadd.s32 $0xFFFFE000  }
0x4b: {  	[spmem:s2] =	stream.indirect.scatter.add.f32 [tilespmem:s22], [sflag:$0xC], $0x40, s9, s16, $0xb8;
	[tilespmem:$0x1EE00] =	vst v63  }
0x4c: {  	_ =	swait.ge [sflag:s12], $0x2000  }
0x4d: {  	[sflag:s12] =	ssyncset.done $0x0  }
0x4e: {  	s10 =	simm.s32 $0x2A00;
	[sflag:s12] =	ssyncadd.s32 $0xFFFFE000  }
0x4f: {  	[spmem:s2] =	stream.indirect.scatter.add.f32 [tilespmem:s24], [sflag:$0xD], $0x40, s10, s16, $0xb8;
	[tilespmem:$0x1EE00] =	vst v63  }
0x50: {  	_ =	swait.ge [sflag:s8], $0x2000  }
0x51: {  	[sflag:s8] =	ssyncset.done $0x0  }
0x52: {  	s9 =	simm.s32 $0x2A80;
	[sflag:s8] =	ssyncadd.s32 $0xFFFFE000  }
0x53: {  	[spmem:s2] =	stream.indirect.scatter.add.f32 [tilespmem:s26], [sflag:$0xE], $0x40, s9, s16, $0xb8;
	[tilespmem:$0x1EE00] =	vst v63  }
0x54: {  	_ =	swait.ge [sflag:s13], $0x2000  }
0x55: {  	[sflag:s13] =	ssyncset.done $0x0  }
0x56: {  	s10 =	simm.s32 $0x2B00;
	[sflag:s13] =	ssyncadd.s32 $0xFFFFE000  }
0x57: {  	[spmem:s2] =	stream.indirect.scatter.add.f32 [tilespmem:s29], [sflag:$0xF], $0x40, s10, s16, $0xb8;
	[tilespmem:$0x1EE00] =	vst v63  }
0x58: {  	_ =	swait.ge [sflag:s3], $0x2000  }
0x59: {  	[sflag:s3] =	ssyncset.done $0x0  }
0x5a: {  	s9 =	simm.s32 $0x2B80;
	[sflag:s3] =	ssyncadd.s32 $0xFFFFE000  }
0x5b: {  	[spmem:s2] =	stream.indirect.scatter.add.f32 [tilespmem:s31], [sflag:$0x10], $0x40, s9, s16, $0xb8;
	[tilespmem:$0x1EE00] =	vst v63  }
0x5c: {  	_ =	swait.ge [sflag:s15], $0x2000  }
0x5d: {  	[sflag:s15] =	ssyncset.done $0x0  }
0x5e: {  	s10 =	simm.s32 $0x400;
	[sflag:s15] =	ssyncadd.s32 $0xFFFFE000  }
0x5f: {  	[tilespmem:s17], [sflag:$0x1] =	stream.indirect.gather [hbm4b:s4+s16], $0x40, s10, s16, $0xb8;
	[tilespmem:$0x1EE00] =	vst v63  }
0x60: {  	_ =	swait.ge [sflag:s19], $0x2000  }
0x61: {  	[sflag:s19] =	ssyncset.done $0x0  }
0x62: {  	s9 =	simm.s32 $0x480;
	[sflag:s19] =	ssyncadd.s32 $0xFFFFE000  }
0x63: {  	[tilespmem:s18], [sflag:$0x2] =	stream.indirect.gather [hbm4b:s4+s16], $0x40, s9, s16, $0xb8;
	[tilespmem:$0x1EE00] =	vst v63  }
0x64: {  	_ =	swait.ge [sflag:s21], $0x2000  }
0x65: {  	[sflag:s21] =	ssyncset.done $0x0  }
0x66: {  	s10 =	simm.s32 $0x500;
	[sflag:s21] =	ssyncadd.s32 $0xFFFFE000  }
0x67: {  	[tilespmem:s20], [sflag:$0x3] =	stream.indirect.gather [hbm4b:s4+s16], $0x40, s10, s16, $0xb8;
	[tilespmem:$0x1EE00] =	vst v63  }
0x68: {  	_ =	swait.ge [sflag:s23], $0x2000  }
0x69: {  	[sflag:s23] =	ssyncset.done $0x0  }
0x6a: {  	s9 =	simm.s32 $0x580;
	[sflag:s23] =	ssyncadd.s32 $0xFFFFE000  }
0x6b: {  	[tilespmem:s22], [sflag:$0x4] =	stream.indirect.gather [hbm4b:s4+s16], $0x40, s9, s16, $0xb8;
	[tilespmem:$0x1EE00] =	vst v63  }
0x6c: {  	_ =	swait.ge [sflag:s25], $0x2000  }
0x6d: {  	[sflag:s25] =	ssyncset.done $0x0  }
0x6e: {  	s10 =	simm.s32 $0x600;
	[sflag:s25] =	ssyncadd.s32 $0xFFFFE000  }
0x6f: {  	[tilespmem:s24], [sflag:$0x5] =	stream.indirect.gather [hbm4b:s4+s16], $0x40, s10, s16, $0xb8;
	[tilespmem:$0x1EE00] =	vst v63  }
0x70: {  	_ =	swait.ge [sflag:s28], $0x2000  }
0x71: {  	[sflag:s28] =	ssyncset.done $0x0  }
0x72: {  	s9 =	simm.s32 $0x680;
	[sflag:s28] =	ssyncadd.s32 $0xFFFFE000  }
0x73: {  	[tilespmem:s26], [sflag:$0x6] =	stream.indirect.gather [hbm4b:s4+s16], $0x40, s9, s16, $0xb8;
	[tilespmem:$0x1EE00] =	vst v63  }
0x74: {  	_ =	swait.ge [sflag:s30], $0x2000  }
0x75: {  	[sflag:s30] =	ssyncset.done $0x0  }
0x76: {  	s10 =	simm.s32 $0x700;
	[sflag:s30] =	ssyncadd.s32 $0xFFFFE000  }
0x77: {  	[tilespmem:s29], [sflag:$0x7] =	stream.indirect.gather [hbm4b:s4+s16], $0x40, s10, s16, $0xb8;
	[tilespmem:$0x1EE00] =	vst v63  }
0x78: {  	_ =	swait.ge [sflag:s5], $0x2000  }
0x79: {  	p0 =	por p1, p1;
	[sflag:s5] =	ssyncset.done $0x0  }
0x7a: {  	s6 =	simm.s32 $0x1000;
	s9 =	simm.s32 $0x780;
	[sflag:s5] =	ssyncadd.s32 $0xFFFFE000  }
.LBB2_3:
0x7b: {  	[tilespmem:s31], [sflag:$0x8] =	stream.indirect.gather [hbm4b:s4+s16], $0x40, s9, s16, $0xb8;
	[tilespmem:$0x1EE00] =	vst v63  }
0x7c: {  	s9 =	smov.u32 s6  }
0x7d: {  	p1 =	sne.s32 s6, $0x8000;
	s6 =	sadd.s32 $0x1000, s6;
	_ =	swait.ge [sflag:s0], $0x2000  }
0x7e: {  	s9 =	sshra.s32 s9, $0x2;
	[sflag:s0] =	ssyncset.done $0x0  }
0x7f: {  	s10 =	sadd.s32 $0x2800, s9;
	[sflag:s0] =	ssyncadd.s32 $0xFFFFE000  }
0x80: {  	[spmem:s2] =	stream.indirect.scatter.add.f32 [tilespmem:s17], [sflag:$0x9], $0x40, s10, s16, $0xb8;
	[tilespmem:$0x1EE00] =	vst v63  }
0x81: {  	_ =	swait.ge [sflag:s1], $0x2000  }
0x82: {  	[sflag:s1] =	ssyncset.done $0x0  }
0x83: {  	s10 =	sadd.s32 $0x2880, s9;
	[sflag:s1] =	ssyncadd.s32 $0xFFFFE000  }
0x84: {  	[spmem:s2] =	stream.indirect.scatter.add.f32 [tilespmem:s18], [sflag:$0xA], $0x40, s10, s16, $0xb8;
	[tilespmem:$0x1EE00] =	vst v63  }
0x85: {  	_ =	swait.ge [sflag:s7], $0x2000  }
0x86: {  	[sflag:s7] =	ssyncset.done $0x0  }
0x87: {  	s10 =	sadd.s32 $0x2900, s9;
	[sflag:s7] =	ssyncadd.s32 $0xFFFFE000  }
0x88: {  	[spmem:s2] =	stream.indirect.scatter.add.f32 [tilespmem:s20], [sflag:$0xB], $0x40, s10, s16, $0xb8;
	[tilespmem:$0x1EE00] =	vst v63  }
0x89: {  	_ =	swait.ge [sflag:s11], $0x2000  }
0x8a: {  	[sflag:s11] =	ssyncset.done $0x0  }
0x8b: {  	s10 =	sadd.s32 $0x2980, s9;
	[sflag:s11] =	ssyncadd.s32 $0xFFFFE000  }
0x8c: {  	[spmem:s2] =	stream.indirect.scatter.add.f32 [tilespmem:s22], [sflag:$0xC], $0x40, s10, s16, $0xb8;
	[tilespmem:$0x1EE00] =	vst v63  }
0x8d: {  	_ =	swait.ge [sflag:s12], $0x2000  }
0x8e: {  	[sflag:s12] =	ssyncset.done $0x0  }
0x8f: {  	s10 =	sadd.s32 $0x2A00, s9;
	[sflag:s12] =	ssyncadd.s32 $0xFFFFE000  }
0x90: {  	[spmem:s2] =	stream.indirect.scatter.add.f32 [tilespmem:s24], [sflag:$0xD], $0x40, s10, s16, $0xb8;
	[tilespmem:$0x1EE00] =	vst v63  }
0x91: {  	_ =	swait.ge [sflag:s8], $0x2000  }
0x92: {  	[sflag:s8] =	ssyncset.done $0x0  }
0x93: {  	s10 =	sadd.s32 $0x2A80, s9;
	[sflag:s8] =	ssyncadd.s32 $0xFFFFE000  }
0x94: {  	[spmem:s2] =	stream.indirect.scatter.add.f32 [tilespmem:s26], [sflag:$0xE], $0x40, s10, s16, $0xb8;
	[tilespmem:$0x1EE00] =	vst v63  }
0x95: {  	_ =	swait.ge [sflag:s13], $0x2000  }
0x96: {  	[sflag:s13] =	ssyncset.done $0x0  }
0x97: {  	s10 =	sadd.s32 $0x2B00, s9;
	[sflag:s13] =	ssyncadd.s32 $0xFFFFE000  }
0x98: {  	[spmem:s2] =	stream.indirect.scatter.add.f32 [tilespmem:s29], [sflag:$0xF], $0x40, s10, s16, $0xb8;
	[tilespmem:$0x1EE00] =	vst v63  }
0x99: {  	_ =	swait.ge [sflag:s3], $0x2000  }
0x9a: {  	[sflag:s3] =	ssyncset.done $0x0  }
0x9b: {  	s10 =	sadd.s32 $0x2B80, s9;
	[sflag:s3] =	ssyncadd.s32 $0xFFFFE000  }
0x9c: {  	[spmem:s2] =	stream.indirect.scatter.add.f32 [tilespmem:s31], [sflag:$0x10], $0x40, s10, s16, $0xb8;
	[tilespmem:$0x1EE00] =	vst v63  }
0x9d: {  	_ =	swait.ge [sflag:s15], $0x2000  }
0x9e: {  	[sflag:s15] =	ssyncset.done $0x0  }
0x9f: {  	s10 =	sadd.s32 $0x400, s9;
	[sflag:s15] =	ssyncadd.s32 $0xFFFFE000  }
0xa0: {  	[tilespmem:s17], [sflag:$0x1] =	stream.indirect.gather [hbm4b:s4+s16], $0x40, s10, s16, $0xb8;
	[tilespmem:$0x1EE00] =	vst v63  }
0xa1: {  	_ =	swait.ge [sflag:s19], $0x2000  }
0xa2: {  	[sflag:s19] =	ssyncset.done $0x0  }
0xa3: {  	s10 =	sadd.s32 $0x480, s9;
	[sflag:s19] =	ssyncadd.s32 $0xFFFFE000  }
0xa4: {  	[tilespmem:s18], [sflag:$0x2] =	stream.indirect.gather [hbm4b:s4+s16], $0x40, s10, s16, $0xb8;
	[tilespmem:$0x1EE00] =	vst v63  }
0xa5: {  	_ =	swait.ge [sflag:s21], $0x2000  }
0xa6: {  	[sflag:s21] =	ssyncset.done $0x0  }
0xa7: {  	s10 =	sadd.s32 $0x500, s9;
	[sflag:s21] =	ssyncadd.s32 $0xFFFFE000  }
0xa8: {  	[tilespmem:s20], [sflag:$0x3] =	stream.indirect.gather [hbm4b:s4+s16], $0x40, s10, s16, $0xb8;
	[tilespmem:$0x1EE00] =	vst v63  }
0xa9: {  	_ =	swait.ge [sflag:s23], $0x2000  }
0xaa: {  	[sflag:s23] =	ssyncset.done $0x0  }
0xab: {  	s10 =	sadd.s32 $0x580, s9;
	[sflag:s23] =	ssyncadd.s32 $0xFFFFE000  }
0xac: {  	[tilespmem:s22], [sflag:$0x4] =	stream.indirect.gather [hbm4b:s4+s16], $0x40, s10, s16, $0xb8;
	[tilespmem:$0x1EE00] =	vst v63  }
0xad: {  	_ =	swait.ge [sflag:s25], $0x2000  }
0xae: {  	[sflag:s25] =	ssyncset.done $0x0  }
0xaf: {  	s10 =	sadd.s32 $0x600, s9;
	[sflag:s25] =	ssyncadd.s32 $0xFFFFE000  }
0xb0: {  	[tilespmem:s24], [sflag:$0x5] =	stream.indirect.gather [hbm4b:s4+s16], $0x40, s10, s16, $0xb8;
	[tilespmem:$0x1EE00] =	vst v63  }
0xb1: {  	_ =	swait.ge [sflag:s28], $0x2000  }
0xb2: {  	[sflag:s28] =	ssyncset.done $0x0  }
0xb3: {  	s10 =	sadd.s32 $0x680, s9;
	[sflag:s28] =	ssyncadd.s32 $0xFFFFE000  }
0xb4: {  	[tilespmem:s26], [sflag:$0x6] =	stream.indirect.gather [hbm4b:s4+s16], $0x40, s10, s16, $0xb8;
	[tilespmem:$0x1EE00] =	vst v63  }
0xb5: {  	_ =	swait.ge [sflag:s30], $0x2000  }
0xb6: {  	[sflag:s30] =	ssyncset.done $0x0  }
.Ltmp0:
0xb7: {  	s10 =	sadd.s32 $0x700, s9;
	[sflag:s30] =	ssyncadd.s32 $0xFFFFE000;
	(pc) =	sbr.rel @p1 .LBB2_3-.Ltmp0, $4  }
0xb8: {  	[tilespmem:s29], [sflag:$0x7] =	stream.indirect.gather [hbm4b:s4+s16], $0x40, s10, s16, $0xb8;
	[tilespmem:$0x1EE00] =	vst v63  }
0xb9: {  	_ =	swait.ge [sflag:s5], $0x2000  }
0xba: {  	[sflag:s5] =	ssyncset.done $0x0  }
0xbb: {  	s9 =	sadd.s32 $0x780, s9;
	[sflag:s5] =	ssyncadd.s32 $0xFFFFE000  }
0xbc: {  	[tilespmem:s31], [sflag:$0x8] =	stream.indirect.gather [hbm4b:s4+s16], $0x40, s9, s16, $0xb8;
	[tilespmem:$0x1EE00] =	vst v63  }
0xbd: {  	_ =	swait.ge [sflag:s0], $0x2000  }
0xbe: {  	[sflag:s0] =	ssyncset.done $0x0  }
0xbf: {  	s6 =	simm.s32 $0x4C00;
	[sflag:s0] =	ssyncadd.s32 $0xFFFFE000  }
0xc0: {  	[spmem:s2] =	stream.indirect.scatter.add.f32 [tilespmem:s17], [sflag:$0x9], $0x40, s6, s16, $0xb8;
	[tilespmem:$0x1EE00] =	vst v63  }
0xc1: {  	_ =	swait.ge [sflag:s1], $0x2000  }
0xc2: {  	[sflag:s1] =	ssyncset.done $0x0  }
0xc3: {  	s10 =	simm.s32 $0x4C80;
	[sflag:s1] =	ssyncadd.s32 $0xFFFFE000  }
0xc4: {  	[spmem:s2] =	stream.indirect.scatter.add.f32 [tilespmem:s18], [sflag:$0xA], $0x40, s10, s16, $0xb8;
	[tilespmem:$0x1EE00] =	vst v63  }
0xc5: {  	_ =	swait.ge [sflag:s7], $0x2000  }
0xc6: {  	[sflag:s7] =	ssyncset.done $0x0  }
0xc7: {  	s9 =	simm.s32 $0x4D00;
	[sflag:s7] =	ssyncadd.s32 $0xFFFFE000  }
0xc8: {  	[spmem:s2] =	stream.indirect.scatter.add.f32 [tilespmem:s20], [sflag:$0xB], $0x40, s9, s16, $0xb8;
	[tilespmem:$0x1EE00] =	vst v63  }
0xc9: {  	_ =	swait.ge [sflag:s11], $0x2000  }
0xca: {  	[sflag:s11] =	ssyncset.done $0x0  }
0xcb: {  	s10 =	simm.s32 $0x4D80;
	[sflag:s11] =	ssyncadd.s32 $0xFFFFE000  }
0xcc: {  	[spmem:s2] =	stream.indirect.scatter.add.f32 [tilespmem:s22], [sflag:$0xC], $0x40, s10, s16, $0xb8;
	[tilespmem:$0x1EE00] =	vst v63  }
0xcd: {  	_ =	swait.ge [sflag:s12], $0x2000  }
0xce: {  	[sflag:s12] =	ssyncset.done $0x0  }
0xcf: {  	s9 =	simm.s32 $0x4E00;
	[sflag:s12] =	ssyncadd.s32 $0xFFFFE000  }
0xd0: {  	[spmem:s2] =	stream.indirect.scatter.add.f32 [tilespmem:s24], [sflag:$0xD], $0x40, s9, s16, $0xb8;
	[tilespmem:$0x1EE00] =	vst v63  }
0xd1: {  	_ =	swait.ge [sflag:s8], $0x2000  }
0xd2: {  	[sflag:s8] =	ssyncset.done $0x0  }
0xd3: {  	s10 =	simm.s32 $0x4E80;
	[sflag:s8] =	ssyncadd.s32 $0xFFFFE000  }
0xd4: {  	[spmem:s2] =	stream.indirect.scatter.add.f32 [tilespmem:s26], [sflag:$0xE], $0x40, s10, s16, $0xb8;
	[tilespmem:$0x1EE00] =	vst v63  }
0xd5: {  	_ =	swait.ge [sflag:s13], $0x2000  }
0xd6: {  	[sflag:s13] =	ssyncset.done $0x0  }
0xd7: {  	s9 =	simm.s32 $0x4F00;
	[sflag:s13] =	ssyncadd.s32 $0xFFFFE000  }
0xd8: {  	[spmem:s2] =	stream.indirect.scatter.add.f32 [tilespmem:s29], [sflag:$0xF], $0x40, s9, s16, $0xb8;
	[tilespmem:$0x1EE00] =	vst v63  }
0xd9: {  	_ =	swait.ge [sflag:s3], $0x2000  }
0xda: {  	[sflag:s3] =	ssyncset.done $0x0  }
0xdb: {  	s10 =	simm.s32 $0x4F80;
	[sflag:s3] =	ssyncadd.s32 $0xFFFFE000  }
0xdc: {  	[spmem:s2] =	stream.indirect.scatter.add.f32 [tilespmem:s31], [sflag:$0x10], $0x40, s10, s16, $0xb8;
	[tilespmem:$0x1EE00] =	vst v63  }
0xdd: {  	_ =	swait.ge [sflag:s15], $0x2000  }
0xde: {  	[sflag:s15] =	ssyncset.done $0x0  }
0xdf: {  	[sflag:s15] =	ssyncadd.s32 $0xFFFFE000  }
0xe0: {  	_ =	swait.ge [sflag:s19], $0x2000  }
0xe1: {  	[sflag:s19] =	ssyncset.done $0x0  }
0xe2: {  	[sflag:s19] =	ssyncadd.s32 $0xFFFFE000  }
0xe3: {  	_ =	swait.ge [sflag:s21], $0x2000  }
0xe4: {  	[sflag:s21] =	ssyncset.done $0x0  }
0xe5: {  	[sflag:s21] =	ssyncadd.s32 $0xFFFFE000  }
0xe6: {  	_ =	swait.ge [sflag:s23], $0x2000  }
0xe7: {  	[sflag:s23] =	ssyncset.done $0x0  }
0xe8: {  	[sflag:s23] =	ssyncadd.s32 $0xFFFFE000  }
0xe9: {  	_ =	swait.ge [sflag:s25], $0x2000  }
0xea: {  	[sflag:s25] =	ssyncset.done $0x0  }
0xeb: {  	[sflag:s25] =	ssyncadd.s32 $0xFFFFE000  }
0xec: {  	_ =	swait.ge [sflag:s28], $0x2000  }
0xed: {  	[sflag:s28] =	ssyncset.done $0x0  }
0xee: {  	[sflag:s28] =	ssyncadd.s32 $0xFFFFE000  }
0xef: {  	_ =	swait.ge [sflag:s30], $0x2000  }
.Ltmp1:
0xf0: {  	[sflag:s30] =	ssyncset.done $0x0;
	(pc) =	sbr.rel @p0 .LBB2_2-.Ltmp1, $4  }
0xf1: {  	[sflag:s30] =	ssyncadd.s32 $0xFFFFE000  }
0xf2: {  	_ =	swait.ge [sflag:s5], $0x2000  }
0xf3: {  	[sflag:s5] =	ssyncset.done $0x0  }
0xf4: {  	p1 =	por $0x0, $0x0;
	s6 =	simm.s32 $0x50;
	[sflag:s5] =	ssyncadd.s32 $0xFFFFE000  }
0xf5: {  	[bflag:$0x0] =	sbarrier.arrive $0xFFFF  }
0xf6: {  	s9 =	rddreg [dreg:$0x7]  }
0xf7: {  	s6 =	rddreg [dreg:$0xa]  }
0xf8: {  	s10 =	rddreg [dreg:$0xc]  }
0xf9: {  	[hbm:s6], [sflag:s9] =	dma.local [spmem:s10], $0x13C0  }
0xfa: {  	_ =	swait.ge [sflag:s14], $0x13C0  }
0xfb: {  	s6 =	rddreg [dreg:$0x3]  }
0xfc: {  	s9 =	sadd.s32 $0x1, s6;
	s6 =	rddreg [dreg:$0xb]  }
0xfd: {  	p0 =	sne.s32 s9, s6  }
.Ltmp2:
0xfe: {  	_ = 	snop;
	(pc) =	sbr.rel @p0 .LBB2_1-.Ltmp2, $3  }
0xff: {  	_ =	sdelay $0x1  }
0x100: {  	[sflag:s14] =	ssyncset.done $0x0  }
0x101: {  	[sflag:s14] =	ssyncadd.s32 $0xFFFFEC40  }
0x102: {  	_ =	sfence.sel $0x180000  }
0x103: {  	[bflag:$0x0] =	sbarrier.arrive $0xFFFF  }
0x104: {  	_ =	strace $0x9000004A  }
0x105: {  	s0 =	stileid.u32;
	[bflag:$0x2] =	sbarrier.arrive $0xFFFF  }
0x106: {  	p0 =	sne.s32 s0, $0x0;
	s0 =	rddreg [dreg:$0x2]  }
0x107: {  	s0 =	sadd.s32 @!p0 $0x100000, s0  }
0x108: {  	[sflag:s0] =	ssyncadd.tile.s32 @!p0 $0x1;
	_ =	shalt  }
.Lfunc_end2:
_tile_overlayer_lowered:
.L_overlay_start_2:
0x109: {  	(tag) =	ssettag $0x2  }
0x10a: {  	s0 =	rddreg [dreg:$0x0];
	s2 =	stileid.u32  }
0x10b: {  	s1 =	rddreg [dreg:$0x1];
	p0 =	sne.s32 s2, $0x0  }
0x10c: {  	s3 =	rddreg [dreg:$0x2];
	[bflag:$0x3] =	sbarrier.arrive $0xFFFF;
	s2 =	simm.s32 @!p0 $0x1C11  }
0x10d: {  	[timem:s3], [sflag:s2] =	dma.local @!p0 [hbm:s0], s1  }
0x10e: {  	s0 =	simm.s32 @!p0 $0x11  }
0x10f: {  	_ =	swait.ge @!p0 [sflag:s0], s1  }
0x110: {  	s1 =	ssub.s32 @!p0 $0x0, s1;
	[sflag:s0] =	ssyncset.done @!p0 $0x0  }
0x111: {  	[sflag:s0] =	ssyncadd.s32 @!p0 s1  }
0x112: {  	[bflag:$0x3] =	sbarrier.arrive $0xFFFF  }
0x113: {  	_ =	shalt  }

</sc_bundles>
